<compile_context>
chip_gen: v7x
topology: tpu7x:2x2x1
jax: 0.10.2.dev20260603
libtpu: 0.0.44.dev20260713+nightly
codegen_flags: <defaults>
</compile_context>

<pallas_src>
import jax
import jax.numpy as jnp
from jax import lax
from jax.experimental import pallas as pl
from jax.experimental.pallas import tpu as pltpu
from jax.experimental.pallas import tpu_sc as plsc

N = 10000
E = 320000
D = 128
NC, NS = 2, 16
NW = NC * NS
EP = 327680
EPT = EP // NW
K = 128
NBLK = EPT // K
NRB = 2
NIB = 4
B0 = 120
B1 = 2 * NBLK - B0
ACC_R = 10240
ZRPT = ACC_R // NS


def _seg_kernel(with_deg: bool):
    mesh = plsc.VectorSubcoreMesh(core_axis_name="c", subcore_axis_name="s",
                                  num_cores=NC, num_subcores=NS)
    out_type = [jax.ShapeDtypeStruct((NC, ACC_R, D), jnp.float32)]
    scratch = (
        [pltpu.VMEM((2, K), jnp.int32) for _ in range(NIB)]
        + [pltpu.VMEM((K, D), jnp.float32) for _ in range(NRB)]
        + [pltpu.VMEM((16, D), jnp.float32),
           pltpu.VMEM_SHARED((ACC_R, D), jnp.float32)]
        + [pltpu.SemaphoreType.DMA for _ in range(NIB)]
        + [pltpu.SemaphoreType.DMA for _ in range(NRB)]
        + [pltpu.SemaphoreType.DMA]
    )
    if with_deg:
        out_type.append(jax.ShapeDtypeStruct((NC, ACC_R), jnp.float32))
        scratch += [
            pltpu.VMEM((K,), jnp.float32),
            pltpu.VMEM((K,), jnp.float32),
            pltpu.VMEM_SHARED((ACC_R,), jnp.float32),
            pltpu.SemaphoreType.DMA,
        ]

    def body(feat_hbm, idx_hbm, *rest):
        no = 2 if with_deg else 1
        outs, rest = rest[:no], rest[no:]
        if with_deg:
            acc_out, deg_out = outs
            rest, (ones1, zde, deg_sh, semd) = rest[:-4], rest[-4:]
        else:
            acc_out, = outs
        idxb = rest[:NIB]
        rows = rest[NIB:NIB + NRB]
        zbuf, acc_sh = rest[NIB + NRB:NIB + NRB + 2]
        semi = rest[NIB + NRB + 2:NIB + NRB + 2 + NIB]
        semr = rest[NIB + NRB + 2 + NIB:NIB + NRB + 2 + NIB + NRB]
        sems = rest[NIB + NRB + 2 + NIB + NRB]
        cid = lax.axis_index("c")
        sid = lax.axis_index("s")
        nb = jnp.where(cid == 0, B0, B1)
        blk0 = cid * NS * B0 + sid * nb

        def fill(i, _):
            r = i // 8
            c = (i % 8) * 16
            zbuf[r, pl.ds(c, 16)] = jnp.zeros((16,), jnp.float32)
            if with_deg:
                o = (i % (K // 16)) * 16
                ones1[pl.ds(o, 16)] = jnp.ones((16,), jnp.float32)
                zde[pl.ds(o, 16)] = jnp.zeros((16,), jnp.float32)
            return 0
        lax.fori_loop(0, 16 * 8, fill, 0)

        for q in range(NIB):
            pltpu.async_copy(idx_hbm.at[blk0 + q], idxb[q], semi[q])
        for j in range(NRB):
            pltpu.make_async_copy(idx_hbm.at[blk0 + j], idxb[j],
                                  semi[j]).wait()
            pltpu.async_copy(feat_hbm.at[idxb[j].at[0]], rows[j], semr[j])

        def zero(b, _):
            pltpu.sync_copy(zbuf, acc_sh.at[pl.ds(sid * ZRPT + b * 16, 16)])
            return 0
        lax.fori_loop(0, ZRPT // 16, zero, 0)
        if with_deg:
            def zero2(b, _):
                pltpu.sync_copy(zde, deg_sh.at[pl.ds(sid * ZRPT + b * K, K)])
                return 0
            lax.fori_loop(0, ZRPT // K, zero2, 0)
        plsc.subcore_barrier()

        def octet(p, _):
            for j in range(NIB):
                b = NIB * p + j
                rj = j % NRB
                pltpu.make_async_copy(feat_hbm.at[idxb[j].at[0]],
                                      rows[rj], semr[rj]).wait()
                cp = pltpu.async_copy(rows[rj], acc_sh.at[idxb[j].at[1]],
                                      sems, add=True)
                if with_deg:
                    cpd = pltpu.async_copy(ones1, deg_sh.at[idxb[j].at[1]],
                                           semd, add=True)
                cp.wait()
                if with_deg:
                    cpd.wait()

                @pl.when(b + NIB < nb)
                def _():
                    pltpu.async_copy(idx_hbm.at[blk0 + b + NIB], idxb[j],
                                     semi[j])

                @pl.when(b + NRB < nb)
                def _():
                    qn = (j + NRB) % NIB
                    pltpu.make_async_copy(idx_hbm.at[blk0 + b + NRB],
                                          idxb[qn], semi[qn]).wait()
                    pltpu.async_copy(feat_hbm.at[idxb[qn].at[0]],
                                     rows[rj], semr[rj])
            return 0
        lax.fori_loop(0, nb // NIB, octet, 0)
        plsc.subcore_barrier()

        pltpu.sync_copy(acc_sh.at[pl.ds(sid * ZRPT, ZRPT)],
                        acc_out.at[cid, pl.ds(sid * ZRPT, ZRPT)])
        if with_deg:
            pltpu.sync_copy(deg_sh.at[pl.ds(sid * ZRPT, ZRPT)],
                            deg_out.at[cid, pl.ds(sid * ZRPT, ZRPT)])

    return pl.kernel(body, out_type=out_type, mesh=mesh,
                     scratch_types=scratch)


BR = 1024


def _dense_body(p0, p1, g, wt1, bt1, wt2, bt2, wp1, bp1, wp2, bp2, dout):
    rec = 1.0 / jnp.maximum(g[:, :], 1.0)
    a = (p0[:, :] + p1[:, :]) * rec
    hi = jax.lax.Precision.HIGHEST
    ht = jnp.maximum(
        jnp.dot(a, wt1[:, :], precision=hi,
                preferred_element_type=jnp.float32) + bt1[:, :], 0.0)
    hp = jnp.maximum(
        jnp.dot(a, wp1[:, :], precision=hi,
                preferred_element_type=jnp.float32) + bp1[:, :], 0.0)
    dout[:, :] = (jnp.dot(ht, wt2[:, :], precision=hi,
                          preferred_element_type=jnp.float32)
                  - jnp.dot(hp, wp2[:, :], precision=hi,
                            preferred_element_type=jnp.float32))


def _loss_body(p0, p1, g, db, out):
    i = pl.program_id(0)
    rec = 1.0 / jnp.maximum(g[:, :], 1.0)
    t = (p0[:, :] + p1[:, :]) * rec + db[:, :]
    row = i * BR + jax.lax.broadcasted_iota(jnp.int32, (BR, D), 0)
    t = jnp.where(row < N, t, 0.0)
    s = jnp.reshape(jnp.sum(t * t) * (1.0 / (N * D)), (1, 1))

    @pl.when(i == 0)
    def _():
        out[:, :] = s

    @pl.when(i > 0)
    def _():
        out[:, :] += s


def _row_spec(w):
    return pl.BlockSpec((BR, w), lambda i: (i, 0))


def _full_spec(r, c):
    return pl.BlockSpec((r, c), lambda i: (0, 0))


@jax.jit
def kernel(x, edge_index, Wt1, bt1, Wt2, bt2, Wp1, bp1, Wp2, bp2):
    src = edge_index[0].astype(jnp.int32)
    dst = edge_index[1].astype(jnp.int32)
    pad = EP - E
    src_p = jnp.concatenate([src, jnp.zeros((pad,), jnp.int32)])
    trash = N + (jnp.arange(pad, dtype=jnp.int32) % (ACC_R - N))
    dst_p = jnp.concatenate([dst, trash])
    idx3 = jnp.stack([src_p.reshape(EP // K, K),
                      dst_p.reshape(EP // K, K)], axis=1)

    acc1, degp = _seg_kernel(with_deg=True)(x, idx3)
    deg = (degp[0] + degp[1]).reshape(ACC_R, 1)

    d = pl.pallas_call(
        _dense_body,
        grid=(ACC_R // BR,),
        in_specs=[_row_spec(D), _row_spec(D), _row_spec(1),
                  _full_spec(D, D), _full_spec(1, D), _full_spec(D, D),
                  _full_spec(1, D), _full_spec(D, D), _full_spec(1, D),
                  _full_spec(D, D), _full_spec(1, D)],
        out_specs=_row_spec(D),
        out_shape=jax.ShapeDtypeStruct((ACC_R, D), jnp.float32),
    )(acc1[0], acc1[1], deg,
      Wt1, bt1.reshape(1, D), Wt2, bt2.reshape(1, D),
      Wp1, bp1.reshape(1, D), Wp2, bp2.reshape(1, D))

    acc2, = _seg_kernel(with_deg=False)(d, idx3)

    db = (bt2 - bp2).reshape(1, D)
    loss = pl.pallas_call(
        _loss_body,
        grid=(ACC_R // BR,),
        in_specs=[_row_spec(D), _row_spec(D), _row_spec(1), _full_spec(1, D)],
        out_specs=_full_spec(1, 1),
        out_shape=jax.ShapeDtypeStruct((1, 1), jnp.float32),
    )(acc2[0], acc2[1], deg, db)

    return loss[0, 0]

# --- scband reference (transcript-rebuilt; emitter-appended) ---
"""Pipeline reference for scband-random-network-distiller-18537078849551 (READ-ONLY COPY).

The authoritative reference and input builder live on the scoring server;
editing this copy changes nothing except your own understanding.
"""

import jax, jax.numpy as jnp
import numpy as np

N_NODES = 10000
N_EDGES = 320000
D_FEAT = 128
D_HID = 128
D_OUT = 128


def _gcn(x, edge_index, W1, b1, W2, b2):
    # Simple 2-layer GCN with mean-neighbor aggregation (DGL-style message passing)
    src = edge_index[0]
    dst = edge_index[1]
    deg = jax.ops.segment_sum(jnp.ones((edge_index.shape[1],), dtype=x.dtype), dst, num_segments=N_NODES)
    deg = jnp.maximum(deg, 1.0)[:, None]
    # layer 1: gather source features, scatter-add to dst, normalize, linear + relu
    agg1 = jax.ops.segment_sum(jnp.take(x, src, axis=0), dst, num_segments=N_NODES) / deg
    h = jax.nn.relu(agg1 @ W1 + b1)
    # layer 2
    agg2 = jax.ops.segment_sum(jnp.take(h, src, axis=0), dst, num_segments=N_NODES) / deg
    return agg2 @ W2 + b2


def setup_inputs(seed: int = 0) -> dict:
    key = jax.random.key(seed)
    ks = jax.random.split(key, 10)
    x = jax.random.normal(ks[0], (N_NODES, D_FEAT), dtype=jnp.float32)
    edge_index = jax.random.randint(ks[1], (2, N_EDGES), 0, N_NODES, dtype=jnp.int64)
    s = 1.0 / np.sqrt(D_FEAT)
    # frozen target network weights
    Wt1 = jax.random.normal(ks[2], (D_FEAT, D_HID), dtype=jnp.float32) * s
    bt1 = jnp.zeros((D_HID,), dtype=jnp.float32)
    Wt2 = jax.random.normal(ks[3], (D_HID, D_OUT), dtype=jnp.float32) * s
    bt2 = jnp.zeros((D_OUT,), dtype=jnp.float32)
    # trainable prediction network weights
    Wp1 = jax.random.normal(ks[4], (D_FEAT, D_HID), dtype=jnp.float32) * s
    bp1 = jnp.zeros((D_HID,), dtype=jnp.float32)
    Wp2 = jax.random.normal(ks[5], (D_HID, D_OUT), dtype=jnp.float32) * s
    bp2 = jnp.zeros((D_OUT,), dtype=jnp.float32)
    return {"x": x, "edge_index": edge_index, "Wt1": Wt1, "bt1": bt1, "Wt2": Wt2, "bt2": bt2, "Wp1": Wp1, "bp1": bp1, "Wp2": Wp2, "bp2": bp2}


def reference(x, edge_index, Wt1, bt1, Wt2, bt2, Wp1, bp1, Wp2, bp2):
    target_features = _gcn(x, edge_index, Wt1, bt1, Wt2, bt2)
    predicted_features = _gcn(x, edge_index, Wp1, bp1, Wp2, bp2)
    loss = jnp.mean((target_features - predicted_features) ** 2)
    return loss

if __name__ == "__main__":
    import jax
    _d = setup_inputs()
    print(jax.jit(kernel)(*tuple(_d.values())))

</pallas_src>

<mosaic_0001>
#map = affine_map<(d0, d1) -> (0, 0)>
#map1 = affine_map<(d0, d1) -> (0, 0, 0)>
module attributes {stable_mosaic.version = 14 : i64} {
  func.func @body(%arg0: i32, %arg1: i32, %arg2: memref<10000x128xf32, #tpu.memory_space<hbm>>, %arg3: memref<2560x2x128xi32, #tpu.memory_space<hbm>>, %arg4: memref<2x10240x128xf32, #tpu.memory_space<hbm>>, %arg5: memref<2x10240xf32, #tpu.memory_space<hbm>>, %arg6: memref<2x128xi32, #tpu.memory_space<vmem>>, %arg7: memref<2x128xi32, #tpu.memory_space<vmem>>, %arg8: memref<2x128xi32, #tpu.memory_space<vmem>>, %arg9: memref<2x128xi32, #tpu.memory_space<vmem>>, %arg10: memref<128x128xf32, #tpu.memory_space<vmem>>, %arg11: memref<128x128xf32, #tpu.memory_space<vmem>>, %arg12: memref<16x128xf32, #tpu.memory_space<vmem>>, %arg13: memref<10240x128xf32, #tpu.memory_space<vmem_shared>>, %arg14: memref<!tpu.dma_semaphore, #tpu.memory_space<semaphore_mem>>, %arg15: memref<!tpu.dma_semaphore, #tpu.memory_space<semaphore_mem>>, %arg16: memref<!tpu.dma_semaphore, #tpu.memory_space<semaphore_mem>>, %arg17: memref<!tpu.dma_semaphore, #tpu.memory_space<semaphore_mem>>, %arg18: memref<!tpu.dma_semaphore, #tpu.memory_space<semaphore_mem>>, %arg19: memref<!tpu.dma_semaphore, #tpu.memory_space<semaphore_mem>>, %arg20: memref<!tpu.dma_semaphore, #tpu.memory_space<semaphore_mem>>, %arg21: memref<128xf32, #tpu.memory_space<vmem>>, %arg22: memref<128xf32, #tpu.memory_space<vmem>>, %arg23: memref<10240xf32, #tpu.memory_space<vmem_shared>>, %arg24: memref<!tpu.dma_semaphore, #tpu.memory_space<semaphore_mem>>) attributes {dimension_semantics = [#tpu.dimension_semantics<core_parallel>, #tpu.dimension_semantics<subcore_parallel>], iteration_bounds = array<i64: 2, 16>, scalar_prefetch = 0 : i64, scratch_operands = 19 : i64, tpu.core_type = #tpu.core_type<sc_vector_subcore>, window_params = [{transform_indices = #map}, {transform_indices = #map1}, {transform_indices = #map1}, {transform_indices = #map}]} {
    %eq3A = arith.constant 0 : i32
    %eq3A_0 = arith.cmpi eq, %arg0, %eq3A : i32
    %jit3A = arith.constant 120 : i32
    %jit3A_1 = arith.constant 40 : i32
    %select_n3A = arith.select %eq3A_0, %jit3A, %jit3A_1 : i32
    %mul3A = arith.constant 16 : i32
    %mul3A_2 = arith.muli %arg0, %mul3A : i32
    %mul3A_3 = arith.constant 120 : i32
    %mul3A_4 = arith.muli %mul3A_2, %mul3A_3 : i32
    %mul3A_5 = arith.muli %arg1, %select_n3A : i32
    %add3A = arith.addi %mul3A_4, %mul3A_5 : i32
    %scan3A = arith.constant 0 : i32
    %scan3A_6 = arith.constant 0 : i32
    %scan3A_7 = arith.constant 128 : i32
    %scan3A_8 = arith.addi %scan3A_6, %scan3A_7 : i32
    %scan3A_9 = arith.constant 1 : i32
    %scan3A_10 = scf.for %scan3A_136 = %scan3A_6 to %scan3A_8 step %scan3A_9 iter_args(%scan3A_137 = %scan3A) -> (i32)  : i32 {
      %jit3A_138 = arith.constant 8 : i32
      %div3A_139 = arith.divsi %scan3A_136, %jit3A_138 : i32
      %sign3A_140 = arith.constant 0 : i32
      %sign3A_141 = arith.cmpi sgt, %scan3A_136, %sign3A_140 : i32
      %sign3A_142 = arith.extui %sign3A_141 : i1 to i32
      %sign3A_143 = arith.constant 0 : i32
      %sign3A_144 = arith.cmpi slt, %scan3A_136, %sign3A_143 : i32
      %sign3A_145 = arith.extui %sign3A_144 : i1 to i32
      %sign3A_146 = arith.subi %sign3A_142, %sign3A_145 : i32
      %sign3A_147 = arith.constant 0 : i32
      %sign3A_148 = arith.cmpi sgt, %jit3A_138, %sign3A_147 : i32
      %sign3A_149 = arith.extui %sign3A_148 : i1 to i32
      %sign3A_150 = arith.constant 0 : i32
      %sign3A_151 = arith.cmpi slt, %jit3A_138, %sign3A_150 : i32
      %sign3A_152 = arith.extui %sign3A_151 : i1 to i32
      %sign3A_153 = arith.subi %sign3A_149, %sign3A_152 : i32
      %ne3A_154 = arith.cmpi ne, %sign3A_146, %sign3A_153 : i32
      %rem3A_155 = arith.remsi %scan3A_136, %jit3A_138 : i32
      %ne3A_156 = arith.constant 0 : i32
      %ne3A_157 = arith.cmpi ne, %rem3A_155, %ne3A_156 : i32
      %and3A_158 = arith.andi %ne3A_154, %ne3A_157 : i1
      %sub3A_159 = arith.constant 1 : i32
      %sub3A_160 = arith.subi %div3A_139, %sub3A_159 : i32
      %select_n3A_161 = arith.select %and3A_158, %sub3A_160, %div3A_139 : i32
      %jit3A_162 = arith.constant 8 : i32
      %eq3A_163 = arith.constant 0 : i32
      %eq3A_164 = arith.cmpi eq, %jit3A_162, %eq3A_163 : i32
      %jit3A_165 = arith.constant 1 : i32
      %select_n3A_166 = arith.select %eq3A_164, %jit3A_165, %jit3A_162 : i32
      %rem3A_167 = arith.remsi %scan3A_136, %select_n3A_166 : i32
      %ne3A_168 = arith.constant 0 : i32
      %ne3A_169 = arith.cmpi ne, %rem3A_167, %ne3A_168 : i32
      %lt3A = arith.constant 0 : i32
      %lt3A_170 = arith.cmpi slt, %rem3A_167, %lt3A : i32
      %lt3A_171 = arith.constant 0 : i32
      %lt3A_172 = arith.cmpi slt, %select_n3A_166, %lt3A_171 : i32
      %ne3A_173 = arith.xori %lt3A_170, %lt3A_172 : i1
      %and3A_174 = arith.andi %ne3A_173, %ne3A_169 : i1
      %add3A_175 = arith.addi %rem3A_167, %select_n3A_166 : i32
      %select_n3A_176 = arith.select %and3A_174, %add3A_175, %rem3A_167 : i32
      %mul3A_177 = arith.constant 16 : i32
      %mul3A_178 = arith.muli %select_n3A_176, %mul3A_177 : i32
      %broadcast_in_dim3A = arith.constant 0.000000e+00 : f32
      %broadcast_in_dim3A_179 = vector.broadcast %broadcast_in_dim3A : f32 to vector<16xf32>
      %swap3A = arith.index_cast %select_n3A_161 : i32 to index
      %swap3A_180 = arith.index_cast %mul3A_178 : i32 to index
      %swap3A_181 = tpu.vector_load %arg12[%swap3A, %swap3A_180] {strides = array<i32>} : memref<16x128xf32, #tpu.memory_space<vmem>>, vector<1x16xf32>,
      %swap3A_182 = vector.shape_cast %swap3A_181 : vector<1x16xf32> to vector<16xf32>
      %swap3A_183 = vector.shape_cast %broadcast_in_dim3A_179 : vector<16xf32> to vector<1x16xf32>
      tpu.vector_store %arg12[%swap3A, %swap3A_180], %swap3A_183 {strides = array<i32>} : memref<16x128xf32, #tpu.memory_space<vmem>>, vector<1x16xf32>,
      %jit3A_184 = arith.constant 8 : i32
      %eq3A_185 = arith.constant 0 : i32
      %eq3A_186 = arith.cmpi eq, %jit3A_184, %eq3A_185 : i32
      %jit3A_187 = arith.constant 1 : i32
      %select_n3A_188 = arith.select %eq3A_186, %jit3A_187, %jit3A_184 : i32
      %rem3A_189 = arith.remsi %scan3A_136, %select_n3A_188 : i32
      %ne3A_190 = arith.constant 0 : i32
      %ne3A_191 = arith.cmpi ne, %rem3A_189, %ne3A_190 : i32
      %lt3A_192 = arith.constant 0 : i32
      %lt3A_193 = arith.cmpi slt, %rem3A_189, %lt3A_192 : i32
      %lt3A_194 = arith.constant 0 : i32
      %lt3A_195 = arith.cmpi slt, %select_n3A_188, %lt3A_194 : i32
      %ne3A_196 = arith.xori %lt3A_193, %lt3A_195 : i1
      %and3A_197 = arith.andi %ne3A_196, %ne3A_191 : i1
      %add3A_198 = arith.addi %rem3A_189, %select_n3A_188 : i32
      %select_n3A_199 = arith.select %and3A_197, %add3A_198, %rem3A_189 : i32
      %mul3A_200 = arith.constant 16 : i32
      %mul3A_201 = arith.muli %select_n3A_199, %mul3A_200 : i32
      %broadcast_in_dim3A_202 = arith.constant 1.000000e+00 : f32
      %broadcast_in_dim3A_203 = vector.broadcast %broadcast_in_dim3A_202 : f32 to vector<16xf32>
      %swap3A_204 = arith.index_cast %mul3A_201 : i32 to index
      %swap3A_205 = tpu.vector_load %arg21[%swap3A_204] {strides = array<i32>} : memref<128xf32, #tpu.memory_space<vmem>>, vector<16xf32>,
      %swap3A_206 = vector.shape_cast %swap3A_205 : vector<16xf32> to vector<16xf32>
      %swap3A_207 = vector.shape_cast %broadcast_in_dim3A_203 : vector<16xf32> to vector<16xf32>
      tpu.vector_store %arg21[%swap3A_204], %swap3A_207 {strides = array<i32>} : memref<128xf32, #tpu.memory_space<vmem>>, vector<16xf32>,
      %broadcast_in_dim3A_208 = arith.constant 0.000000e+00 : f32
      %broadcast_in_dim3A_209 = vector.broadcast %broadcast_in_dim3A_208 : f32 to vector<16xf32>
      %swap3A_210 = arith.index_cast %mul3A_201 : i32 to index
      %swap3A_211 = tpu.vector_load %arg22[%swap3A_210] {strides = array<i32>} : memref<128xf32, #tpu.memory_space<vmem>>, vector<16xf32>,
      %swap3A_212 = vector.shape_cast %swap3A_211 : vector<16xf32> to vector<16xf32>
      %swap3A_213 = vector.shape_cast %broadcast_in_dim3A_209 : vector<16xf32> to vector<16xf32>
      tpu.vector_store %arg22[%swap3A_210], %swap3A_213 {strides = array<i32>} : memref<128xf32, #tpu.memory_space<vmem>>, vector<16xf32>,
      %scan3A_214 = arith.constant 0 : i32
      scf.yield %scan3A_214 : i32
    }
    %scan3A_11 = arith.constant 128 : i32
    %add3A_12 = arith.constant 0 : i32
    %add3A_13 = arith.addi %add3A, %add3A_12 : i32
    %dma_start3A = arith.constant 0 : i32
    %dma_start3A_14 = arith.constant 0 : i32
    %dma_start3A_15 = tpu.memref_slice %arg3[%add3A_13, %dma_start3A, %dma_start3A_14] : memref<2560x2x128xi32, #tpu.memory_space<hbm>> -> memref<1x2x128xi32, #tpu.memory_space<hbm>>
    %dma_start3A_16 = tpu.memref_squeeze %dma_start3A_15 : memref<1x2x128xi32, #tpu.memory_space<hbm>> -> memref<2x128xi32, #tpu.memory_space<hbm>>
    %dma_start3A_17 = arith.constant 0 : i32
    %dma_start3A_18 = arith.constant 0 : i32
    %dma_start3A_19 = tpu.memref_slice %arg3[%add3A_13, %dma_start3A_17, %dma_start3A_18] : memref<2560x2x128xi32, #tpu.memory_space<hbm>> -> memref<1x2x128xi32, #tpu.memory_space<hbm>>
    %dma_start3A_20 = tpu.memref_squeeze %dma_start3A_19 : memref<1x2x128xi32, #tpu.memory_space<hbm>> -> memref<2x128xi32, #tpu.memory_space<hbm>>
    tpu.enqueue_dma source(%dma_start3A_20 : memref<2x128xi32, #tpu.memory_space<hbm>>) target(%arg6 : memref<2x128xi32, #tpu.memory_space<vmem>>) target_semaphore(%arg14 : memref<!tpu.dma_semaphore, #tpu.memory_space<semaphore_mem>>)
    %add3A_21 = arith.constant 1 : i32
    %add3A_22 = arith.addi %add3A, %add3A_21 : i32
    %dma_start3A_23 = arith.constant 0 : i32
    %dma_start3A_24 = arith.constant 0 : i32
    %dma_start3A_25 = tpu.memref_slice %arg3[%add3A_22, %dma_start3A_23, %dma_start3A_24] : memref<2560x2x128xi32, #tpu.memory_space<hbm>> -> memref<1x2x128xi32, #tpu.memory_space<hbm>>
    %dma_start3A_26 = tpu.memref_squeeze %dma_start3A_25 : memref<1x2x128xi32, #tpu.memory_space<hbm>> -> memref<2x128xi32, #tpu.memory_space<hbm>>
    %dma_start3A_27 = arith.constant 0 : i32
    %dma_start3A_28 = arith.constant 0 : i32
    %dma_start3A_29 = tpu.memref_slice %arg3[%add3A_22, %dma_start3A_27, %dma_start3A_28] : memref<2560x2x128xi32, #tpu.memory_space<hbm>> -> memref<1x2x128xi32, #tpu.memory_space<hbm>>
    %dma_start3A_30 = tpu.memref_squeeze %dma_start3A_29 : memref<1x2x128xi32, #tpu.memory_space<hbm>> -> memref<2x128xi32, #tpu.memory_space<hbm>>
    tpu.enqueue_dma source(%dma_start3A_30 : memref<2x128xi32, #tpu.memory_space<hbm>>) target(%arg7 : memref<2x128xi32, #tpu.memory_space<vmem>>) target_semaphore(%arg15 : memref<!tpu.dma_semaphore, #tpu.memory_space<semaphore_mem>>)
    %add3A_31 = arith.constant 2 : i32
    %add3A_32 = arith.addi %add3A, %add3A_31 : i32
    %dma_start3A_33 = arith.constant 0 : i32
    %dma_start3A_34 = arith.constant 0 : i32
    %dma_start3A_35 = tpu.memref_slice %arg3[%add3A_32, %dma_start3A_33, %dma_start3A_34] : memref<2560x2x128xi32, #tpu.memory_space<hbm>> -> memref<1x2x128xi32, #tpu.memory_space<hbm>>
    %dma_start3A_36 = tpu.memref_squeeze %dma_start3A_35 : memref<1x2x128xi32, #tpu.memory_space<hbm>> -> memref<2x128xi32, #tpu.memory_space<hbm>>
    %dma_start3A_37 = arith.constant 0 : i32
    %dma_start3A_38 = arith.constant 0 : i32
    %dma_start3A_39 = tpu.memref_slice %arg3[%add3A_32, %dma_start3A_37, %dma_start3A_38] : memref<2560x2x128xi32, #tpu.memory_space<hbm>> -> memref<1x2x128xi32, #tpu.memory_space<hbm>>
    %dma_start3A_40 = tpu.memref_squeeze %dma_start3A_39 : memref<1x2x128xi32, #tpu.memory_space<hbm>> -> memref<2x128xi32, #tpu.memory_space<hbm>>
    tpu.enqueue_dma source(%dma_start3A_40 : memref<2x128xi32, #tpu.memory_space<hbm>>) target(%arg8 : memref<2x128xi32, #tpu.memory_space<vmem>>) target_semaphore(%arg16 : memref<!tpu.dma_semaphore, #tpu.memory_space<semaphore_mem>>)
    %add3A_41 = arith.constant 3 : i32
    %add3A_42 = arith.addi %add3A, %add3A_41 : i32
    %dma_start3A_43 = arith.constant 0 : i32
    %dma_start3A_44 = arith.constant 0 : i32
    %dma_start3A_45 = tpu.memref_slice %arg3[%add3A_42, %dma_start3A_43, %dma_start3A_44] : memref<2560x2x128xi32, #tpu.memory_space<hbm>> -> memref<1x2x128xi32, #tpu.memory_space<hbm>>
    %dma_start3A_46 = tpu.memref_squeeze %dma_start3A_45 : memref<1x2x128xi32, #tpu.memory_space<hbm>> -> memref<2x128xi32, #tpu.memory_space<hbm>>
    %dma_start3A_47 = arith.constant 0 : i32
    %dma_start3A_48 = arith.constant 0 : i32
    %dma_start3A_49 = tpu.memref_slice %arg3[%add3A_42, %dma_start3A_47, %dma_start3A_48] : memref<2560x2x128xi32, #tpu.memory_space<hbm>> -> memref<1x2x128xi32, #tpu.memory_space<hbm>>
    %dma_start3A_50 = tpu.memref_squeeze %dma_start3A_49 : memref<1x2x128xi32, #tpu.memory_space<hbm>> -> memref<2x128xi32, #tpu.memory_space<hbm>>
    tpu.enqueue_dma source(%dma_start3A_50 : memref<2x128xi32, #tpu.memory_space<hbm>>) target(%arg9 : memref<2x128xi32, #tpu.memory_space<vmem>>) target_semaphore(%arg17 : memref<!tpu.dma_semaphore, #tpu.memory_space<semaphore_mem>>)
    %add3A_51 = arith.constant 0 : i32
    %add3A_52 = arith.addi %add3A, %add3A_51 : i32
    %dma_wait3A = arith.constant 0 : i32
    %dma_wait3A_53 = arith.constant 0 : i32
    %dma_wait3A_54 = tpu.memref_slice %arg3[%add3A_52, %dma_wait3A, %dma_wait3A_53] : memref<2560x2x128xi32, #tpu.memory_space<hbm>> -> memref<1x2x128xi32, #tpu.memory_space<hbm>>
    %dma_wait3A_55 = tpu.memref_squeeze %dma_wait3A_54 : memref<1x2x128xi32, #tpu.memory_space<hbm>> -> memref<2x128xi32, #tpu.memory_space<hbm>>
    %dma_wait3A_56 = arith.constant 0 : i32
    %dma_wait3A_57 = arith.constant 0 : i32
    %dma_wait3A_58 = tpu.memref_slice %arg3[%add3A_52, %dma_wait3A_56, %dma_wait3A_57] : memref<2560x2x128xi32, #tpu.memory_space<hbm>> -> memref<1x2x128xi32, #tpu.memory_space<hbm>>
    %dma_wait3A_59 = tpu.memref_squeeze %dma_wait3A_58 : memref<1x2x128xi32, #tpu.memory_space<hbm>> -> memref<2x128xi32, #tpu.memory_space<hbm>>
    tpu.wait_dma2 semaphore(%arg14 : memref<!tpu.dma_semaphore, #tpu.memory_space<semaphore_mem>>) src(%dma_wait3A_59 : memref<2x128xi32, #tpu.memory_space<hbm>>) dst(%arg6 : memref<2x128xi32, #tpu.memory_space<vmem>>)
    %dma_start3A_60 = arith.constant 0 : i32
    %dma_start3A_61 = arith.constant 0 : i32
    %dma_start3A_62 = tpu.memref_slice %arg6[%dma_start3A_60, %dma_start3A_61] : memref<2x128xi32, #tpu.memory_space<vmem>> -> memref<1x128xi32, #tpu.memory_space<vmem>>
    %dma_start3A_63 = tpu.memref_squeeze %dma_start3A_62 : memref<1x128xi32, #tpu.memory_space<vmem>> -> memref<128xi32, #tpu.memory_space<vmem>>
    %dma_start3A_64 = arith.constant 0 : i32
    %dma_start3A_65 = arith.constant 0 : i32
    %dma_start3A_66 = tpu.memref_slice %arg2[%dma_start3A_64, %dma_start3A_65] : memref<10000x128xf32, #tpu.memory_space<hbm>> -> memref<10000x128xf32, #tpu.memory_space<hbm>>
    tpu.enqueue_indirect_dma source(%dma_start3A_66 : memref<10000x128xf32, #tpu.memory_space<hbm>>) target(%arg10 : memref<128x128xf32, #tpu.memory_space<vmem>>) offsets(%dma_start3A_63 : memref<128xi32, #tpu.memory_space<vmem>>) semaphore(%arg18 : memref<!tpu.dma_semaphore, #tpu.memory_space<semaphore_mem>>)
    %add3A_67 = arith.constant 1 : i32
    %add3A_68 = arith.addi %add3A, %add3A_67 : i32
    %dma_wait3A_69 = arith.constant 0 : i32
    %dma_wait3A_70 = arith.constant 0 : i32
    %dma_wait3A_71 = tpu.memref_slice %arg3[%add3A_68, %dma_wait3A_69, %dma_wait3A_70] : memref<2560x2x128xi32, #tpu.memory_space<hbm>> -> memref<1x2x128xi32, #tpu.memory_space<hbm>>
    %dma_wait3A_72 = tpu.memref_squeeze %dma_wait3A_71 : memref<1x2x128xi32, #tpu.memory_space<hbm>> -> memref<2x128xi32, #tpu.memory_space<hbm>>
    %dma_wait3A_73 = arith.constant 0 : i32
    %dma_wait3A_74 = arith.constant 0 : i32
    %dma_wait3A_75 = tpu.memref_slice %arg3[%add3A_68, %dma_wait3A_73, %dma_wait3A_74] : memref<2560x2x128xi32, #tpu.memory_space<hbm>> -> memref<1x2x128xi32, #tpu.memory_space<hbm>>
    %dma_wait3A_76 = tpu.memref_squeeze %dma_wait3A_75 : memref<1x2x128xi32, #tpu.memory_space<hbm>> -> memref<2x128xi32, #tpu.memory_space<hbm>>
    tpu.wait_dma2 semaphore(%arg15 : memref<!tpu.dma_semaphore, #tpu.memory_space<semaphore_mem>>) src(%dma_wait3A_76 : memref<2x128xi32, #tpu.memory_space<hbm>>) dst(%arg7 : memref<2x128xi32, #tpu.memory_space<vmem>>)
    %dma_start3A_77 = arith.constant 0 : i32
    %dma_start3A_78 = arith.constant 0 : i32
    %dma_start3A_79 = tpu.memref_slice %arg7[%dma_start3A_77, %dma_start3A_78] : memref<2x128xi32, #tpu.memory_space<vmem>> -> memref<1x128xi32, #tpu.memory_space<vmem>>
    %dma_start3A_80 = tpu.memref_squeeze %dma_start3A_79 : memref<1x128xi32, #tpu.memory_space<vmem>> -> memref<128xi32, #tpu.memory_space<vmem>>
    %dma_start3A_81 = arith.constant 0 : i32
    %dma_start3A_82 = arith.constant 0 : i32
    %dma_start3A_83 = tpu.memref_slice %arg2[%dma_start3A_81, %dma_start3A_82] : memref<10000x128xf32, #tpu.memory_space<hbm>> -> memref<10000x128xf32, #tpu.memory_space<hbm>>
    tpu.enqueue_indirect_dma source(%dma_start3A_83 : memref<10000x128xf32, #tpu.memory_space<hbm>>) target(%arg11 : memref<128x128xf32, #tpu.memory_space<vmem>>) offsets(%dma_start3A_80 : memref<128xi32, #tpu.memory_space<vmem>>) semaphore(%arg19 : memref<!tpu.dma_semaphore, #tpu.memory_space<semaphore_mem>>)
    %scan3A_84 = arith.constant 0 : i32
    %scan3A_85 = arith.constant 0 : i32
    %scan3A_86 = arith.constant 40 : i32
    %scan3A_87 = arith.addi %scan3A_85, %scan3A_86 : i32
    %scan3A_88 = arith.constant 1 : i32
    %scan3A_89 = scf.for %scan3A_136 = %scan3A_85 to %scan3A_87 step %scan3A_88 iter_args(%scan3A_137 = %scan3A_84) -> (i32)  : i32 {
      %mul3A_138 = arith.constant 640 : i32
      %mul3A_139 = arith.muli %arg1, %mul3A_138 : i32
      %mul3A_140 = arith.constant 16 : i32
      %mul3A_141 = arith.muli %scan3A_136, %mul3A_140 : i32
      %add3A_142 = arith.addi %mul3A_139, %mul3A_141 : i32
      "tpu.region"() ({
        %run_scoped3A = tpu.sem_alloc : memref<!tpu.dma_semaphore, #tpu.memory_space<semaphore_mem>>
        %dma_start3A_144 = arith.constant 0 : i32
        %dma_start3A_145 = tpu.memref_slice %arg13[%add3A_142, %dma_start3A_144] : memref<10240x128xf32, #tpu.memory_space<vmem_shared>> -> memref<16x128xf32, #tpu.memory_space<vmem_shared>>
        %dma_start3A_146 = arith.constant 0 : i32
        %dma_start3A_147 = tpu.memref_slice %arg13[%add3A_142, %dma_start3A_146] : memref<10240x128xf32, #tpu.memory_space<vmem_shared>> -> memref<16x128xf32, #tpu.memory_space<vmem_shared>>
        tpu.enqueue_dma source(%arg12 : memref<16x128xf32, #tpu.memory_space<vmem>>) target(%dma_start3A_147 : memref<16x128xf32, #tpu.memory_space<vmem_shared>>) target_semaphore(%run_scoped3A : memref<!tpu.dma_semaphore, #tpu.memory_space<semaphore_mem>>)
        %dma_wait3A_148 = arith.constant 0 : i32
        %dma_wait3A_149 = tpu.memref_slice %arg13[%add3A_142, %dma_wait3A_148] : memref<10240x128xf32, #tpu.memory_space<vmem_shared>> -> memref<16x128xf32, #tpu.memory_space<vmem_shared>>
        %dma_wait3A_150 = arith.constant 0 : i32
        %dma_wait3A_151 = tpu.memref_slice %arg13[%add3A_142, %dma_wait3A_150] : memref<10240x128xf32, #tpu.memory_space<vmem_shared>> -> memref<16x128xf32, #tpu.memory_space<vmem_shared>>
        tpu.wait_dma2 semaphore(%run_scoped3A : memref<!tpu.dma_semaphore, #tpu.memory_space<semaphore_mem>>) src(%arg12 : memref<16x128xf32, #tpu.memory_space<vmem>>) dst(%dma_wait3A_151 : memref<16x128xf32, #tpu.memory_space<vmem_shared>>)
        tpu.yield
      }) : () -> ()
      %scan3A_143 = arith.constant 0 : i32
      scf.yield %scan3A_143 : i32
    }
    %scan3A_90 = arith.constant 40 : i32
    %scan3A_91 = arith.constant 0 : i32
    %scan3A_92 = arith.constant 0 : i32
    %scan3A_93 = arith.constant 5 : i32
    %scan3A_94 = arith.addi %scan3A_92, %scan3A_93 : i32
    %scan3A_95 = arith.constant 1 : i32
    %scan3A_96 = scf.for %scan3A_136 = %scan3A_92 to %scan3A_94 step %scan3A_95 iter_args(%scan3A_137 = %scan3A_91) -> (i32)  : i32 {
      %mul3A_138 = arith.constant 640 : i32
      %mul3A_139 = arith.muli %arg1, %mul3A_138 : i32
      %mul3A_140 = arith.constant 128 : i32
      %mul3A_141 = arith.muli %scan3A_136, %mul3A_140 : i32
      %add3A_142 = arith.addi %mul3A_139, %mul3A_141 : i32
      "tpu.region"() ({
        %run_scoped3A = tpu.sem_alloc : memref<!tpu.dma_semaphore, #tpu.memory_space<semaphore_mem>>
        %dma_start3A_144 = tpu.memref_slice %arg23[%add3A_142] : memref<10240xf32, #tpu.memory_space<vmem_shared>> -> memref<128xf32, #tpu.memory_space<vmem_shared>>
        %dma_start3A_145 = tpu.memref_slice %arg23[%add3A_142] : memref<10240xf32, #tpu.memory_space<vmem_shared>> -> memref<128xf32, #tpu.memory_space<vmem_shared>>
        tpu.enqueue_dma source(%arg22 : memref<128xf32, #tpu.memory_space<vmem>>) target(%dma_start3A_145 : memref<128xf32, #tpu.memory_space<vmem_shared>>) target_semaphore(%run_scoped3A : memref<!tpu.dma_semaphore, #tpu.memory_space<semaphore_mem>>)
        %dma_wait3A_146 = tpu.memref_slice %arg23[%add3A_142] : memref<10240xf32, #tpu.memory_space<vmem_shared>> -> memref<128xf32, #tpu.memory_space<vmem_shared>>
        %dma_wait3A_147 = tpu.memref_slice %arg23[%add3A_142] : memref<10240xf32, #tpu.memory_space<vmem_shared>> -> memref<128xf32, #tpu.memory_space<vmem_shared>>
        tpu.wait_dma2 semaphore(%run_scoped3A : memref<!tpu.dma_semaphore, #tpu.memory_space<semaphore_mem>>) src(%arg22 : memref<128xf32, #tpu.memory_space<vmem>>) dst(%dma_wait3A_147 : memref<128xf32, #tpu.memory_space<vmem_shared>>)
        tpu.yield
      }) : () -> ()
      %scan3A_143 = arith.constant 0 : i32
      scf.yield %scan3A_143 : i32
    }
    %scan3A_97 = arith.constant 5 : i32
    %barrier3A = arith.constant 0 : index
    tpu.barrier barrier_id(%barrier3A)
    %jit3A_98 = arith.constant 4 : i32
    %div3A = arith.divsi %select_n3A, %jit3A_98 : i32
    %sign3A = arith.constant 0 : i32
    %sign3A_99 = arith.cmpi sgt, %select_n3A, %sign3A : i32
    %sign3A_100 = arith.extui %sign3A_99 : i1 to i32
    %sign3A_101 = arith.constant 0 : i32
    %sign3A_102 = arith.cmpi slt, %select_n3A, %sign3A_101 : i32
    %sign3A_103 = arith.extui %sign3A_102 : i1 to i32
    %sign3A_104 = arith.subi %sign3A_100, %sign3A_103 : i32
    %sign3A_105 = arith.constant 0 : i32
    %sign3A_106 = arith.cmpi sgt, %jit3A_98, %sign3A_105 : i32
    %sign3A_107 = arith.extui %sign3A_106 : i1 to i32
    %sign3A_108 = arith.constant 0 : i32
    %sign3A_109 = arith.cmpi slt, %jit3A_98, %sign3A_108 : i32
    %sign3A_110 = arith.extui %sign3A_109 : i1 to i32
    %sign3A_111 = arith.subi %sign3A_107, %sign3A_110 : i32
    %ne3A = arith.cmpi ne, %sign3A_104, %sign3A_111 : i32
    %rem3A = arith.remsi %select_n3A, %jit3A_98 : i32
    %ne3A_112 = arith.constant 0 : i32
    %ne3A_113 = arith.cmpi ne, %rem3A, %ne3A_112 : i32
    %and3A = arith.andi %ne3A, %ne3A_113 : i1
    %sub3A = arith.constant 1 : i32
    %sub3A_114 = arith.subi %div3A, %sub3A : i32
    %select_n3A_115 = arith.select %and3A, %sub3A_114, %div3A : i32
    %while3A = arith.constant 0 : i32
    %while3A_116 = arith.constant 0 : i32
    %while3A_117 = arith.subi %select_n3A_115, %while3A : i32
    %while3A_118 = arith.addi %while3A, %while3A_117 : i32
    %while3A_119 = arith.constant 1 : i32
    %while3A_120 = arith.divsi %while3A_117, %while3A_119 : i32
    %while3A_121 = arith.muli %while3A_120, %while3A_119 : i32
    %while3A_122 = arith.addi %while3A, %while3A_121 : i32
    %while3A_123 = arith.constant 1 : i32
    %while3A_124 = scf.for %while3A_136 = %while3A to %while3A_122 step %while3A_123 iter_args(%while3A_137 = %while3A_116) -> (i32)  : i32 {
      %mul3A_138 = arith.constant 4 : i32
      %mul3A_139 = arith.muli %mul3A_138, %while3A_136 : i32
      %add3A_140 = arith.constant 0 : i32
      %add3A_141 = arith.addi %mul3A_139, %add3A_140 : i32
      %dma_wait3A_142 = arith.constant 0 : i32
      %dma_wait3A_143 = arith.constant 0 : i32
      %dma_wait3A_144 = tpu.memref_slice %arg6[%dma_wait3A_142, %dma_wait3A_143] : memref<2x128xi32, #tpu.memory_space<vmem>> -> memref<1x128xi32, #tpu.memory_space<vmem>>
      %dma_wait3A_145 = tpu.memref_squeeze %dma_wait3A_144 : memref<1x128xi32, #tpu.memory_space<vmem>> -> memref<128xi32, #tpu.memory_space<vmem>>
      %dma_wait3A_146 = arith.constant 0 : i32
      %dma_wait3A_147 = arith.constant 0 : i32
      %dma_wait3A_148 = tpu.memref_slice %arg2[%dma_wait3A_146, %dma_wait3A_147] : memref<10000x128xf32, #tpu.memory_space<hbm>> -> memref<10000x128xf32, #tpu.memory_space<hbm>>
      tpu.wait_indirect_dma semaphore(%arg18 : memref<!tpu.dma_semaphore, #tpu.memory_space<semaphore_mem>>) src(%dma_wait3A_148 : memref<10000x128xf32, #tpu.memory_space<hbm>>) dst(%arg10 : memref<128x128xf32, #tpu.memory_space<vmem>>)
      %dma_start3A_149 = arith.constant 1 : i32
      %dma_start3A_150 = arith.constant 0 : i32
      %dma_start3A_151 = tpu.memref_slice %arg6[%dma_start3A_149, %dma_start3A_150] : memref<2x128xi32, #tpu.memory_space<vmem>> -> memref<1x128xi32, #tpu.memory_space<vmem>>
      %dma_start3A_152 = tpu.memref_squeeze %dma_start3A_151 : memref<1x128xi32, #tpu.memory_space<vmem>> -> memref<128xi32, #tpu.memory_space<vmem>>
      %dma_start3A_153 = arith.constant 0 : i32
      %dma_start3A_154 = arith.constant 0 : i32
      %dma_start3A_155 = tpu.memref_slice %arg13[%dma_start3A_153, %dma_start3A_154] : memref<10240x128xf32, #tpu.memory_space<vmem_shared>> -> memref<10240x128xf32, #tpu.memory_space<vmem_shared>>
      tpu.enqueue_indirect_dma source(%arg10 : memref<128x128xf32, #tpu.memory_space<vmem>>) target(%dma_start3A_155 : memref<10240x128xf32, #tpu.memory_space<vmem_shared>>) offsets(%dma_start3A_152 : memref<128xi32, #tpu.memory_space<vmem>>) semaphore(%arg20 : memref<!tpu.dma_semaphore, #tpu.memory_space<semaphore_mem>>) {add = true}
      %dma_start3A_156 = arith.constant 1 : i32
      %dma_start3A_157 = arith.constant 0 : i32
      %dma_start3A_158 = tpu.memref_slice %arg6[%dma_start3A_156, %dma_start3A_157] : memref<2x128xi32, #tpu.memory_space<vmem>> -> memref<1x128xi32, #tpu.memory_space<vmem>>
      %dma_start3A_159 = tpu.memref_squeeze %dma_start3A_158 : memref<1x128xi32, #tpu.memory_space<vmem>> -> memref<128xi32, #tpu.memory_space<vmem>>
      %dma_start3A_160 = arith.constant 0 : i32
      %dma_start3A_161 = tpu.memref_slice %arg23[%dma_start3A_160] : memref<10240xf32, #tpu.memory_space<vmem_shared>> -> memref<10240xf32, #tpu.memory_space<vmem_shared>>
      tpu.enqueue_indirect_dma source(%arg21 : memref<128xf32, #tpu.memory_space<vmem>>) target(%dma_start3A_161 : memref<10240xf32, #tpu.memory_space<vmem_shared>>) offsets(%dma_start3A_159 : memref<128xi32, #tpu.memory_space<vmem>>) semaphore(%arg24 : memref<!tpu.dma_semaphore, #tpu.memory_space<semaphore_mem>>) {add = true}
      %dma_wait3A_162 = arith.constant 1 : i32
      %dma_wait3A_163 = arith.constant 0 : i32
      %dma_wait3A_164 = tpu.memref_slice %arg6[%dma_wait3A_162, %dma_wait3A_163] : memref<2x128xi32, #tpu.memory_space<vmem>> -> memref<1x128xi32, #tpu.memory_space<vmem>>
      %dma_wait3A_165 = tpu.memref_squeeze %dma_wait3A_164 : memref<1x128xi32, #tpu.memory_space<vmem>> -> memref<128xi32, #tpu.memory_space<vmem>>
      %dma_wait3A_166 = arith.constant 0 : i32
      %dma_wait3A_167 = arith.constant 0 : i32
      %dma_wait3A_168 = tpu.memref_slice %arg13[%dma_wait3A_166, %dma_wait3A_167] : memref<10240x128xf32, #tpu.memory_space<vmem_shared>> -> memref<10240x128xf32, #tpu.memory_space<vmem_shared>>
      tpu.wait_indirect_dma semaphore(%arg20 : memref<!tpu.dma_semaphore, #tpu.memory_space<semaphore_mem>>) src(%arg10 : memref<128x128xf32, #tpu.memory_space<vmem>>) dst(%dma_wait3A_168 : memref<10240x128xf32, #tpu.memory_space<vmem_shared>>)
      %dma_wait3A_169 = arith.constant 1 : i32
      %dma_wait3A_170 = arith.constant 0 : i32
      %dma_wait3A_171 = tpu.memref_slice %arg6[%dma_wait3A_169, %dma_wait3A_170] : memref<2x128xi32, #tpu.memory_space<vmem>> -> memref<1x128xi32, #tpu.memory_space<vmem>>
      %dma_wait3A_172 = tpu.memref_squeeze %dma_wait3A_171 : memref<1x128xi32, #tpu.memory_space<vmem>> -> memref<128xi32, #tpu.memory_space<vmem>>
      %dma_wait3A_173 = arith.constant 0 : i32
      %dma_wait3A_174 = tpu.memref_slice %arg23[%dma_wait3A_173] : memref<10240xf32, #tpu.memory_space<vmem_shared>> -> memref<10240xf32, #tpu.memory_space<vmem_shared>>
      tpu.wait_indirect_dma semaphore(%arg24 : memref<!tpu.dma_semaphore, #tpu.memory_space<semaphore_mem>>) src(%arg21 : memref<128xf32, #tpu.memory_space<vmem>>) dst(%dma_wait3A_174 : memref<10240xf32, #tpu.memory_space<vmem_shared>>)
      %add3A_175 = arith.constant 4 : i32
      %add3A_176 = arith.addi %add3A_141, %add3A_175 : i32
      %lt3A = arith.cmpi slt, %add3A_176, %select_n3A : i32
      %convert_element_type3A = arith.extui %lt3A : i1 to i32
      %cond3A = arith.constant 0 : i32
      %cond3A_177 = arith.cmpi ne, %convert_element_type3A, %cond3A : i32
      scf.if %cond3A_177 {
        %add3A_332 = arith.addi %add3A, %add3A_141 : i32
        %add3A_333 = arith.constant 4 : i32
        %add3A_334 = arith.addi %add3A_332, %add3A_333 : i32
        %dma_start3A_335 = arith.constant 0 : i32
        %dma_start3A_336 = arith.constant 0 : i32
        %dma_start3A_337 = tpu.memref_slice %arg3[%add3A_334, %dma_start3A_335, %dma_start3A_336] : memref<2560x2x128xi32, #tpu.memory_space<hbm>> -> memref<1x2x128xi32, #tpu.memory_space<hbm>>
        %dma_start3A_338 = tpu.memref_squeeze %dma_start3A_337 : memref<1x2x128xi32, #tpu.memory_space<hbm>> -> memref<2x128xi32, #tpu.memory_space<hbm>>
        %dma_start3A_339 = arith.constant 0 : i32
        %dma_start3A_340 = arith.constant 0 : i32
        %dma_start3A_341 = tpu.memref_slice %arg3[%add3A_334, %dma_start3A_339, %dma_start3A_340] : memref<2560x2x128xi32, #tpu.memory_space<hbm>> -> memref<1x2x128xi32, #tpu.memory_space<hbm>>
        %dma_start3A_342 = tpu.memref_squeeze %dma_start3A_341 : memref<1x2x128xi32, #tpu.memory_space<hbm>> -> memref<2x128xi32, #tpu.memory_space<hbm>>
        tpu.enqueue_dma source(%dma_start3A_342 : memref<2x128xi32, #tpu.memory_space<hbm>>) target(%arg6 : memref<2x128xi32, #tpu.memory_space<vmem>>) target_semaphore(%arg14 : memref<!tpu.dma_semaphore, #tpu.memory_space<semaphore_mem>>)
      } else {
      }
      %add3A_178 = arith.constant 2 : i32
      %add3A_179 = arith.addi %add3A_141, %add3A_178 : i32
      %lt3A_180 = arith.cmpi slt, %add3A_179, %select_n3A : i32
      %convert_element_type3A_181 = arith.extui %lt3A_180 : i1 to i32
      %cond3A_182 = arith.constant 0 : i32
      %cond3A_183 = arith.cmpi ne, %convert_element_type3A_181, %cond3A_182 : i32
      scf.if %cond3A_183 {
        %add3A_332 = arith.addi %add3A, %add3A_141 : i32
        %add3A_333 = arith.constant 2 : i32
        %add3A_334 = arith.addi %add3A_332, %add3A_333 : i32
        %dma_wait3A_335 = arith.constant 0 : i32
        %dma_wait3A_336 = arith.constant 0 : i32
        %dma_wait3A_337 = tpu.memref_slice %arg3[%add3A_334, %dma_wait3A_335, %dma_wait3A_336] : memref<2560x2x128xi32, #tpu.memory_space<hbm>> -> memref<1x2x128xi32, #tpu.memory_space<hbm>>
        %dma_wait3A_338 = tpu.memref_squeeze %dma_wait3A_337 : memref<1x2x128xi32, #tpu.memory_space<hbm>> -> memref<2x128xi32, #tpu.memory_space<hbm>>
        %dma_wait3A_339 = arith.constant 0 : i32
        %dma_wait3A_340 = arith.constant 0 : i32
        %dma_wait3A_341 = tpu.memref_slice %arg3[%add3A_334, %dma_wait3A_339, %dma_wait3A_340] : memref<2560x2x128xi32, #tpu.memory_space<hbm>> -> memref<1x2x128xi32, #tpu.memory_space<hbm>>
        %dma_wait3A_342 = tpu.memref_squeeze %dma_wait3A_341 : memref<1x2x128xi32, #tpu.memory_space<hbm>> -> memref<2x128xi32, #tpu.memory_space<hbm>>
        tpu.wait_dma2 semaphore(%arg16 : memref<!tpu.dma_semaphore, #tpu.memory_space<semaphore_mem>>) src(%dma_wait3A_342 : memref<2x128xi32, #tpu.memory_space<hbm>>) dst(%arg8 : memref<2x128xi32, #tpu.memory_space<vmem>>)
        %dma_start3A_343 = arith.constant 0 : i32
        %dma_start3A_344 = arith.constant 0 : i32
        %dma_start3A_345 = tpu.memref_slice %arg8[%dma_start3A_343, %dma_start3A_344] : memref<2x128xi32, #tpu.memory_space<vmem>> -> memref<1x128xi32, #tpu.memory_space<vmem>>
        %dma_start3A_346 = tpu.memref_squeeze %dma_start3A_345 : memref<1x128xi32, #tpu.memory_space<vmem>> -> memref<128xi32, #tpu.memory_space<vmem>>
        %dma_start3A_347 = arith.constant 0 : i32
        %dma_start3A_348 = arith.constant 0 : i32
        %dma_start3A_349 = tpu.memref_slice %arg2[%dma_start3A_347, %dma_start3A_348] : memref<10000x128xf32, #tpu.memory_space<hbm>> -> memref<10000x128xf32, #tpu.memory_space<hbm>>
        tpu.enqueue_indirect_dma source(%dma_start3A_349 : memref<10000x128xf32, #tpu.memory_space<hbm>>) target(%arg10 : memref<128x128xf32, #tpu.memory_space<vmem>>) offsets(%dma_start3A_346 : memref<128xi32, #tpu.memory_space<vmem>>) semaphore(%arg18 : memref<!tpu.dma_semaphore, #tpu.memory_space<semaphore_mem>>)
      } else {
      }
      %mul3A_184 = arith.constant 4 : i32
      %mul3A_185 = arith.muli %mul3A_184, %while3A_136 : i32
      %add3A_186 = arith.constant 1 : i32
      %add3A_187 = arith.addi %mul3A_185, %add3A_186 : i32
      %dma_wait3A_188 = arith.constant 0 : i32
      %dma_wait3A_189 = arith.constant 0 : i32
      %dma_wait3A_190 = tpu.memref_slice %arg7[%dma_wait3A_188, %dma_wait3A_189] : memref<2x128xi32, #tpu.memory_space<vmem>> -> memref<1x128xi32, #tpu.memory_space<vmem>>
      %dma_wait3A_191 = tpu.memref_squeeze %dma_wait3A_190 : memref<1x128xi32, #tpu.memory_space<vmem>> -> memref<128xi32, #tpu.memory_space<vmem>>
      %dma_wait3A_192 = arith.constant 0 : i32
      %dma_wait3A_193 = arith.constant 0 : i32
      %dma_wait3A_194 = tpu.memref_slice %arg2[%dma_wait3A_192, %dma_wait3A_193] : memref<10000x128xf32, #tpu.memory_space<hbm>> -> memref<10000x128xf32, #tpu.memory_space<hbm>>
      tpu.wait_indirect_dma semaphore(%arg19 : memref<!tpu.dma_semaphore, #tpu.memory_space<semaphore_mem>>) src(%dma_wait3A_194 : memref<10000x128xf32, #tpu.memory_space<hbm>>) dst(%arg11 : memref<128x128xf32, #tpu.memory_space<vmem>>)
      %dma_start3A_195 = arith.constant 1 : i32
      %dma_start3A_196 = arith.constant 0 : i32
      %dma_start3A_197 = tpu.memref_slice %arg7[%dma_start3A_195, %dma_start3A_196] : memref<2x128xi32, #tpu.memory_space<vmem>> -> memref<1x128xi32, #tpu.memory_space<vmem>>
      %dma_start3A_198 = tpu.memref_squeeze %dma_start3A_197 : memref<1x128xi32, #tpu.memory_space<vmem>> -> memref<128xi32, #tpu.memory_space<vmem>>
      %dma_start3A_199 = arith.constant 0 : i32
      %dma_start3A_200 = arith.constant 0 : i32
      %dma_start3A_201 = tpu.memref_slice %arg13[%dma_start3A_199, %dma_start3A_200] : memref<10240x128xf32, #tpu.memory_space<vmem_shared>> -> memref<10240x128xf32, #tpu.memory_space<vmem_shared>>
      tpu.enqueue_indirect_dma source(%arg11 : memref<128x128xf32, #tpu.memory_space<vmem>>) target(%dma_start3A_201 : memref<10240x128xf32, #tpu.memory_space<vmem_shared>>) offsets(%dma_start3A_198 : memref<128xi32, #tpu.memory_space<vmem>>) semaphore(%arg20 : memref<!tpu.dma_semaphore, #tpu.memory_space<semaphore_mem>>) {add = true}
      %dma_start3A_202 = arith.constant 1 : i32
      %dma_start3A_203 = arith.constant 0 : i32
      %dma_start3A_204 = tpu.memref_slice %arg7[%dma_start3A_202, %dma_start3A_203] : memref<2x128xi32, #tpu.memory_space<vmem>> -> memref<1x128xi32, #tpu.memory_space<vmem>>
      %dma_start3A_205 = tpu.memref_squeeze %dma_start3A_204 : memref<1x128xi32, #tpu.memory_space<vmem>> -> memref<128xi32, #tpu.memory_space<vmem>>
      %dma_start3A_206 = arith.constant 0 : i32
      %dma_start3A_207 = tpu.memref_slice %arg23[%dma_start3A_206] : memref<10240xf32, #tpu.memory_space<vmem_shared>> -> memref<10240xf32, #tpu.memory_space<vmem_shared>>
      tpu.enqueue_indirect_dma source(%arg21 : memref<128xf32, #tpu.memory_space<vmem>>) target(%dma_start3A_207 : memref<10240xf32, #tpu.memory_space<vmem_shared>>) offsets(%dma_start3A_205 : memref<128xi32, #tpu.memory_space<vmem>>) semaphore(%arg24 : memref<!tpu.dma_semaphore, #tpu.memory_space<semaphore_mem>>) {add = true}
      %dma_wait3A_208 = arith.constant 1 : i32
      %dma_wait3A_209 = arith.constant 0 : i32
      %dma_wait3A_210 = tpu.memref_slice %arg7[%dma_wait3A_208, %dma_wait3A_209] : memref<2x128xi32, #tpu.memory_space<vmem>> -> memref<1x128xi32, #tpu.memory_space<vmem>>
      %dma_wait3A_211 = tpu.memref_squeeze %dma_wait3A_210 : memref<1x128xi32, #tpu.memory_space<vmem>> -> memref<128xi32, #tpu.memory_space<vmem>>
      %dma_wait3A_212 = arith.constant 0 : i32
      %dma_wait3A_213 = arith.constant 0 : i32
      %dma_wait3A_214 = tpu.memref_slice %arg13[%dma_wait3A_212, %dma_wait3A_213] : memref<10240x128xf32, #tpu.memory_space<vmem_shared>> -> memref<10240x128xf32, #tpu.memory_space<vmem_shared>>
      tpu.wait_indirect_dma semaphore(%arg20 : memref<!tpu.dma_semaphore, #tpu.memory_space<semaphore_mem>>) src(%arg11 : memref<128x128xf32, #tpu.memory_space<vmem>>) dst(%dma_wait3A_214 : memref<10240x128xf32, #tpu.memory_space<vmem_shared>>)
      %dma_wait3A_215 = arith.constant 1 : i32
      %dma_wait3A_216 = arith.constant 0 : i32
      %dma_wait3A_217 = tpu.memref_slice %arg7[%dma_wait3A_215, %dma_wait3A_216] : memref<2x128xi32, #tpu.memory_space<vmem>> -> memref<1x128xi32, #tpu.memory_space<vmem>>
      %dma_wait3A_218 = tpu.memref_squeeze %dma_wait3A_217 : memref<1x128xi32, #tpu.memory_space<vmem>> -> memref<128xi32, #tpu.memory_space<vmem>>
      %dma_wait3A_219 = arith.constant 0 : i32
      %dma_wait3A_220 = tpu.memref_slice %arg23[%dma_wait3A_219] : memref<10240xf32, #tpu.memory_space<vmem_shared>> -> memref<10240xf32, #tpu.memory_space<vmem_shared>>
      tpu.wait_indirect_dma semaphore(%arg24 : memref<!tpu.dma_semaphore, #tpu.memory_space<semaphore_mem>>) src(%arg21 : memref<128xf32, #tpu.memory_space<vmem>>) dst(%dma_wait3A_220 : memref<10240xf32, #tpu.memory_space<vmem_shared>>)
      %add3A_221 = arith.constant 4 : i32
      %add3A_222 = arith.addi %add3A_187, %add3A_221 : i32
      %lt3A_223 = arith.cmpi slt, %add3A_222, %select_n3A : i32
      %convert_element_type3A_224 = arith.extui %lt3A_223 : i1 to i32
      %cond3A_225 = arith.constant 0 : i32
      %cond3A_226 = arith.cmpi ne, %convert_element_type3A_224, %cond3A_225 : i32
      scf.if %cond3A_226 {
        %add3A_332 = arith.addi %add3A, %add3A_187 : i32
        %add3A_333 = arith.constant 4 : i32
        %add3A_334 = arith.addi %add3A_332, %add3A_333 : i32
        %dma_start3A_335 = arith.constant 0 : i32
        %dma_start3A_336 = arith.constant 0 : i32
        %dma_start3A_337 = tpu.memref_slice %arg3[%add3A_334, %dma_start3A_335, %dma_start3A_336] : memref<2560x2x128xi32, #tpu.memory_space<hbm>> -> memref<1x2x128xi32, #tpu.memory_space<hbm>>
        %dma_start3A_338 = tpu.memref_squeeze %dma_start3A_337 : memref<1x2x128xi32, #tpu.memory_space<hbm>> -> memref<2x128xi32, #tpu.memory_space<hbm>>
        %dma_start3A_339 = arith.constant 0 : i32
        %dma_start3A_340 = arith.constant 0 : i32
        %dma_start3A_341 = tpu.memref_slice %arg3[%add3A_334, %dma_start3A_339, %dma_start3A_340] : memref<2560x2x128xi32, #tpu.memory_space<hbm>> -> memref<1x2x128xi32, #tpu.memory_space<hbm>>
        %dma_start3A_342 = tpu.memref_squeeze %dma_start3A_341 : memref<1x2x128xi32, #tpu.memory_space<hbm>> -> memref<2x128xi32, #tpu.memory_space<hbm>>
        tpu.enqueue_dma source(%dma_start3A_342 : memref<2x128xi32, #tpu.memory_space<hbm>>) target(%arg7 : memref<2x128xi32, #tpu.memory_space<vmem>>) target_semaphore(%arg15 : memref<!tpu.dma_semaphore, #tpu.memory_space<semaphore_mem>>)
      } else {
      }
      %add3A_227 = arith.constant 2 : i32
      %add3A_228 = arith.addi %add3A_187, %add3A_227 : i32
      %lt3A_229 = arith.cmpi slt, %add3A_228, %select_n3A : i32
      %convert_element_type3A_230 = arith.extui %lt3A_229 : i1 to i32
      %cond3A_231 = arith.constant 0 : i32
      %cond3A_232 = arith.cmpi ne, %convert_element_type3A_230, %cond3A_231 : i32
      scf.if %cond3A_232 {
        %add3A_332 = arith.addi %add3A, %add3A_187 : i32
        %add3A_333 = arith.constant 2 : i32
        %add3A_334 = arith.addi %add3A_332, %add3A_333 : i32
        %dma_wait3A_335 = arith.constant 0 : i32
        %dma_wait3A_336 = arith.constant 0 : i32
        %dma_wait3A_337 = tpu.memref_slice %arg3[%add3A_334, %dma_wait3A_335, %dma_wait3A_336] : memref<2560x2x128xi32, #tpu.memory_space<hbm>> -> memref<1x2x128xi32, #tpu.memory_space<hbm>>
        %dma_wait3A_338 = tpu.memref_squeeze %dma_wait3A_337 : memref<1x2x128xi32, #tpu.memory_space<hbm>> -> memref<2x128xi32, #tpu.memory_space<hbm>>
        %dma_wait3A_339 = arith.constant 0 : i32
        %dma_wait3A_340 = arith.constant 0 : i32
        %dma_wait3A_341 = tpu.memref_slice %arg3[%add3A_334, %dma_wait3A_339, %dma_wait3A_340] : memref<2560x2x128xi32, #tpu.memory_space<hbm>> -> memref<1x2x128xi32, #tpu.memory_space<hbm>>
        %dma_wait3A_342 = tpu.memref_squeeze %dma_wait3A_341 : memref<1x2x128xi32, #tpu.memory_space<hbm>> -> memref<2x128xi32, #tpu.memory_space<hbm>>
        tpu.wait_dma2 semaphore(%arg17 : memref<!tpu.dma_semaphore, #tpu.memory_space<semaphore_mem>>) src(%dma_wait3A_342 : memref<2x128xi32, #tpu.memory_space<hbm>>) dst(%arg9 : memref<2x128xi32, #tpu.memory_space<vmem>>)
        %dma_start3A_343 = arith.constant 0 : i32
        %dma_start3A_344 = arith.constant 0 : i32
        %dma_start3A_345 = tpu.memref_slice %arg9[%dma_start3A_343, %dma_start3A_344] : memref<2x128xi32, #tpu.memory_space<vmem>> -> memref<1x128xi32, #tpu.memory_space<vmem>>
        %dma_start3A_346 = tpu.memref_squeeze %dma_start3A_345 : memref<1x128xi32, #tpu.memory_space<vmem>> -> memref<128xi32, #tpu.memory_space<vmem>>
        %dma_start3A_347 = arith.constant 0 : i32
        %dma_start3A_348 = arith.constant 0 : i32
        %dma_start3A_349 = tpu.memref_slice %arg2[%dma_start3A_347, %dma_start3A_348] : memref<10000x128xf32, #tpu.memory_space<hbm>> -> memref<10000x128xf32, #tpu.memory_space<hbm>>
        tpu.enqueue_indirect_dma source(%dma_start3A_349 : memref<10000x128xf32, #tpu.memory_space<hbm>>) target(%arg11 : memref<128x128xf32, #tpu.memory_space<vmem>>) offsets(%dma_start3A_346 : memref<128xi32, #tpu.memory_space<vmem>>) semaphore(%arg19 : memref<!tpu.dma_semaphore, #tpu.memory_space<semaphore_mem>>)
      } else {
      }
      %mul3A_233 = arith.constant 4 : i32
      %mul3A_234 = arith.muli %mul3A_233, %while3A_136 : i32
      %add3A_235 = arith.constant 2 : i32
      %add3A_236 = arith.addi %mul3A_234, %add3A_235 : i32
      %dma_wait3A_237 = arith.constant 0 : i32
      %dma_wait3A_238 = arith.constant 0 : i32
      %dma_wait3A_239 = tpu.memref_slice %arg8[%dma_wait3A_237, %dma_wait3A_238] : memref<2x128xi32, #tpu.memory_space<vmem>> -> memref<1x128xi32, #tpu.memory_space<vmem>>
      %dma_wait3A_240 = tpu.memref_squeeze %dma_wait3A_239 : memref<1x128xi32, #tpu.memory_space<vmem>> -> memref<128xi32, #tpu.memory_space<vmem>>
      %dma_wait3A_241 = arith.constant 0 : i32
      %dma_wait3A_242 = arith.constant 0 : i32
      %dma_wait3A_243 = tpu.memref_slice %arg2[%dma_wait3A_241, %dma_wait3A_242] : memref<10000x128xf32, #tpu.memory_space<hbm>> -> memref<10000x128xf32, #tpu.memory_space<hbm>>
      tpu.wait_indirect_dma semaphore(%arg18 : memref<!tpu.dma_semaphore, #tpu.memory_space<semaphore_mem>>) src(%dma_wait3A_243 : memref<10000x128xf32, #tpu.memory_space<hbm>>) dst(%arg10 : memref<128x128xf32, #tpu.memory_space<vmem>>)
      %dma_start3A_244 = arith.constant 1 : i32
      %dma_start3A_245 = arith.constant 0 : i32
      %dma_start3A_246 = tpu.memref_slice %arg8[%dma_start3A_244, %dma_start3A_245] : memref<2x128xi32, #tpu.memory_space<vmem>> -> memref<1x128xi32, #tpu.memory_space<vmem>>
      %dma_start3A_247 = tpu.memref_squeeze %dma_start3A_246 : memref<1x128xi32, #tpu.memory_space<vmem>> -> memref<128xi32, #tpu.memory_space<vmem>>
      %dma_start3A_248 = arith.constant 0 : i32
      %dma_start3A_249 = arith.constant 0 : i32
      %dma_start3A_250 = tpu.memref_slice %arg13[%dma_start3A_248, %dma_start3A_249] : memref<10240x128xf32, #tpu.memory_space<vmem_shared>> -> memref<10240x128xf32, #tpu.memory_space<vmem_shared>>
      tpu.enqueue_indirect_dma source(%arg10 : memref<128x128xf32, #tpu.memory_space<vmem>>) target(%dma_start3A_250 : memref<10240x128xf32, #tpu.memory_space<vmem_shared>>) offsets(%dma_start3A_247 : memref<128xi32, #tpu.memory_space<vmem>>) semaphore(%arg20 : memref<!tpu.dma_semaphore, #tpu.memory_space<semaphore_mem>>) {add = true}
      %dma_start3A_251 = arith.constant 1 : i32
      %dma_start3A_252 = arith.constant 0 : i32
      %dma_start3A_253 = tpu.memref_slice %arg8[%dma_start3A_251, %dma_start3A_252] : memref<2x128xi32, #tpu.memory_space<vmem>> -> memref<1x128xi32, #tpu.memory_space<vmem>>
      %dma_start3A_254 = tpu.memref_squeeze %dma_start3A_253 : memref<1x128xi32, #tpu.memory_space<vmem>> -> memref<128xi32, #tpu.memory_space<vmem>>
      %dma_start3A_255 = arith.constant 0 : i32
      %dma_start3A_256 = tpu.memref_slice %arg23[%dma_start3A_255] : memref<10240xf32, #tpu.memory_space<vmem_shared>> -> memref<10240xf32, #tpu.memory_space<vmem_shared>>
      tpu.enqueue_indirect_dma source(%arg21 : memref<128xf32, #tpu.memory_space<vmem>>) target(%dma_start3A_256 : memref<10240xf32, #tpu.memory_space<vmem_shared>>) offsets(%dma_start3A_254 : memref<128xi32, #tpu.memory_space<vmem>>) semaphore(%arg24 : memref<!tpu.dma_semaphore, #tpu.memory_space<semaphore_mem>>) {add = true}
      %dma_wait3A_257 = arith.constant 1 : i32
      %dma_wait3A_258 = arith.constant 0 : i32
      %dma_wait3A_259 = tpu.memref_slice %arg8[%dma_wait3A_257, %dma_wait3A_258] : memref<2x128xi32, #tpu.memory_space<vmem>> -> memref<1x128xi32, #tpu.memory_space<vmem>>
      %dma_wait3A_260 = tpu.memref_squeeze %dma_wait3A_259 : memref<1x128xi32, #tpu.memory_space<vmem>> -> memref<128xi32, #tpu.memory_space<vmem>>
      %dma_wait3A_261 = arith.constant 0 : i32
      %dma_wait3A_262 = arith.constant 0 : i32
      %dma_wait3A_263 = tpu.memref_slice %arg13[%dma_wait3A_261, %dma_wait3A_262] : memref<10240x128xf32, #tpu.memory_space<vmem_shared>> -> memref<10240x128xf32, #tpu.memory_space<vmem_shared>>
      tpu.wait_indirect_dma semaphore(%arg20 : memref<!tpu.dma_semaphore, #tpu.memory_space<semaphore_mem>>) src(%arg10 : memref<128x128xf32, #tpu.memory_space<vmem>>) dst(%dma_wait3A_263 : memref<10240x128xf32, #tpu.memory_space<vmem_shared>>)
      %dma_wait3A_264 = arith.constant 1 : i32
      %dma_wait3A_265 = arith.constant 0 : i32
      %dma_wait3A_266 = tpu.memref_slice %arg8[%dma_wait3A_264, %dma_wait3A_265] : memref<2x128xi32, #tpu.memory_space<vmem>> -> memref<1x128xi32, #tpu.memory_space<vmem>>
      %dma_wait3A_267 = tpu.memref_squeeze %dma_wait3A_266 : memref<1x128xi32, #tpu.memory_space<vmem>> -> memref<128xi32, #tpu.memory_space<vmem>>
      %dma_wait3A_268 = arith.constant 0 : i32
      %dma_wait3A_269 = tpu.memref_slice %arg23[%dma_wait3A_268] : memref<10240xf32, #tpu.memory_space<vmem_shared>> -> memref<10240xf32, #tpu.memory_space<vmem_shared>>
      tpu.wait_indirect_dma semaphore(%arg24 : memref<!tpu.dma_semaphore, #tpu.memory_space<semaphore_mem>>) src(%arg21 : memref<128xf32, #tpu.memory_space<vmem>>) dst(%dma_wait3A_269 : memref<10240xf32, #tpu.memory_space<vmem_shared>>)
      %add3A_270 = arith.constant 4 : i32
      %add3A_271 = arith.addi %add3A_236, %add3A_270 : i32
      %lt3A_272 = arith.cmpi slt, %add3A_271, %select_n3A : i32
      %convert_element_type3A_273 = arith.extui %lt3A_272 : i1 to i32
      %cond3A_274 = arith.constant 0 : i32
      %cond3A_275 = arith.cmpi ne, %convert_element_type3A_273, %cond3A_274 : i32
      scf.if %cond3A_275 {
        %add3A_332 = arith.addi %add3A, %add3A_236 : i32
        %add3A_333 = arith.constant 4 : i32
        %add3A_334 = arith.addi %add3A_332, %add3A_333 : i32
        %dma_start3A_335 = arith.constant 0 : i32
        %dma_start3A_336 = arith.constant 0 : i32
        %dma_start3A_337 = tpu.memref_slice %arg3[%add3A_334, %dma_start3A_335, %dma_start3A_336] : memref<2560x2x128xi32, #tpu.memory_space<hbm>> -> memref<1x2x128xi32, #tpu.memory_space<hbm>>
        %dma_start3A_338 = tpu.memref_squeeze %dma_start3A_337 : memref<1x2x128xi32, #tpu.memory_space<hbm>> -> memref<2x128xi32, #tpu.memory_space<hbm>>
        %dma_start3A_339 = arith.constant 0 : i32
        %dma_start3A_340 = arith.constant 0 : i32
        %dma_start3A_341 = tpu.memref_slice %arg3[%add3A_334, %dma_start3A_339, %dma_start3A_340] : memref<2560x2x128xi32, #tpu.memory_space<hbm>> -> memref<1x2x128xi32, #tpu.memory_space<hbm>>
        %dma_start3A_342 = tpu.memref_squeeze %dma_start3A_341 : memref<1x2x128xi32, #tpu.memory_space<hbm>> -> memref<2x128xi32, #tpu.memory_space<hbm>>
        tpu.enqueue_dma source(%dma_start3A_342 : memref<2x128xi32, #tpu.memory_space<hbm>>) target(%arg8 : memref<2x128xi32, #tpu.memory_space<vmem>>) target_semaphore(%arg16 : memref<!tpu.dma_semaphore, #tpu.memory_space<semaphore_mem>>)
      } else {
      }
      %add3A_276 = arith.constant 2 : i32
      %add3A_277 = arith.addi %add3A_236, %add3A_276 : i32
      %lt3A_278 = arith.cmpi slt, %add3A_277, %select_n3A : i32
      %convert_element_type3A_279 = arith.extui %lt3A_278 : i1 to i32
      %cond3A_280 = arith.constant 0 : i32
      %cond3A_281 = arith.cmpi ne, %convert_element_type3A_279, %cond3A_280 : i32
      scf.if %cond3A_281 {
        %add3A_332 = arith.addi %add3A, %add3A_236 : i32
        %add3A_333 = arith.constant 2 : i32
        %add3A_334 = arith.addi %add3A_332, %add3A_333 : i32
        %dma_wait3A_335 = arith.constant 0 : i32
        %dma_wait3A_336 = arith.constant 0 : i32
        %dma_wait3A_337 = tpu.memref_slice %arg3[%add3A_334, %dma_wait3A_335, %dma_wait3A_336] : memref<2560x2x128xi32, #tpu.memory_space<hbm>> -> memref<1x2x128xi32, #tpu.memory_space<hbm>>
        %dma_wait3A_338 = tpu.memref_squeeze %dma_wait3A_337 : memref<1x2x128xi32, #tpu.memory_space<hbm>> -> memref<2x128xi32, #tpu.memory_space<hbm>>
        %dma_wait3A_339 = arith.constant 0 : i32
        %dma_wait3A_340 = arith.constant 0 : i32
        %dma_wait3A_341 = tpu.memref_slice %arg3[%add3A_334, %dma_wait3A_339, %dma_wait3A_340] : memref<2560x2x128xi32, #tpu.memory_space<hbm>> -> memref<1x2x128xi32, #tpu.memory_space<hbm>>
        %dma_wait3A_342 = tpu.memref_squeeze %dma_wait3A_341 : memref<1x2x128xi32, #tpu.memory_space<hbm>> -> memref<2x128xi32, #tpu.memory_space<hbm>>
        tpu.wait_dma2 semaphore(%arg14 : memref<!tpu.dma_semaphore, #tpu.memory_space<semaphore_mem>>) src(%dma_wait3A_342 : memref<2x128xi32, #tpu.memory_space<hbm>>) dst(%arg6 : memref<2x128xi32, #tpu.memory_space<vmem>>)
        %dma_start3A_343 = arith.constant 0 : i32
        %dma_start3A_344 = arith.constant 0 : i32
        %dma_start3A_345 = tpu.memref_slice %arg6[%dma_start3A_343, %dma_start3A_344] : memref<2x128xi32, #tpu.memory_space<vmem>> -> memref<1x128xi32, #tpu.memory_space<vmem>>
        %dma_start3A_346 = tpu.memref_squeeze %dma_start3A_345 : memref<1x128xi32, #tpu.memory_space<vmem>> -> memref<128xi32, #tpu.memory_space<vmem>>
        %dma_start3A_347 = arith.constant 0 : i32
        %dma_start3A_348 = arith.constant 0 : i32
        %dma_start3A_349 = tpu.memref_slice %arg2[%dma_start3A_347, %dma_start3A_348] : memref<10000x128xf32, #tpu.memory_space<hbm>> -> memref<10000x128xf32, #tpu.memory_space<hbm>>
        tpu.enqueue_indirect_dma source(%dma_start3A_349 : memref<10000x128xf32, #tpu.memory_space<hbm>>) target(%arg10 : memref<128x128xf32, #tpu.memory_space<vmem>>) offsets(%dma_start3A_346 : memref<128xi32, #tpu.memory_space<vmem>>) semaphore(%arg18 : memref<!tpu.dma_semaphore, #tpu.memory_space<semaphore_mem>>)
      } else {
      }
      %mul3A_282 = arith.constant 4 : i32
      %mul3A_283 = arith.muli %mul3A_282, %while3A_136 : i32
      %add3A_284 = arith.constant 3 : i32
      %add3A_285 = arith.addi %mul3A_283, %add3A_284 : i32
      %dma_wait3A_286 = arith.constant 0 : i32
      %dma_wait3A_287 = arith.constant 0 : i32
      %dma_wait3A_288 = tpu.memref_slice %arg9[%dma_wait3A_286, %dma_wait3A_287] : memref<2x128xi32, #tpu.memory_space<vmem>> -> memref<1x128xi32, #tpu.memory_space<vmem>>
      %dma_wait3A_289 = tpu.memref_squeeze %dma_wait3A_288 : memref<1x128xi32, #tpu.memory_space<vmem>> -> memref<128xi32, #tpu.memory_space<vmem>>
      %dma_wait3A_290 = arith.constant 0 : i32
      %dma_wait3A_291 = arith.constant 0 : i32
      %dma_wait3A_292 = tpu.memref_slice %arg2[%dma_wait3A_290, %dma_wait3A_291] : memref<10000x128xf32, #tpu.memory_space<hbm>> -> memref<10000x128xf32, #tpu.memory_space<hbm>>
      tpu.wait_indirect_dma semaphore(%arg19 : memref<!tpu.dma_semaphore, #tpu.memory_space<semaphore_mem>>) src(%dma_wait3A_292 : memref<10000x128xf32, #tpu.memory_space<hbm>>) dst(%arg11 : memref<128x128xf32, #tpu.memory_space<vmem>>)
      %dma_start3A_293 = arith.constant 1 : i32
      %dma_start3A_294 = arith.constant 0 : i32
      %dma_start3A_295 = tpu.memref_slice %arg9[%dma_start3A_293, %dma_start3A_294] : memref<2x128xi32, #tpu.memory_space<vmem>> -> memref<1x128xi32, #tpu.memory_space<vmem>>
      %dma_start3A_296 = tpu.memref_squeeze %dma_start3A_295 : memref<1x128xi32, #tpu.memory_space<vmem>> -> memref<128xi32, #tpu.memory_space<vmem>>
      %dma_start3A_297 = arith.constant 0 : i32
      %dma_start3A_298 = arith.constant 0 : i32
      %dma_start3A_299 = tpu.memref_slice %arg13[%dma_start3A_297, %dma_start3A_298] : memref<10240x128xf32, #tpu.memory_space<vmem_shared>> -> memref<10240x128xf32, #tpu.memory_space<vmem_shared>>
      tpu.enqueue_indirect_dma source(%arg11 : memref<128x128xf32, #tpu.memory_space<vmem>>) target(%dma_start3A_299 : memref<10240x128xf32, #tpu.memory_space<vmem_shared>>) offsets(%dma_start3A_296 : memref<128xi32, #tpu.memory_space<vmem>>) semaphore(%arg20 : memref<!tpu.dma_semaphore, #tpu.memory_space<semaphore_mem>>) {add = true}
      %dma_start3A_300 = arith.constant 1 : i32
      %dma_start3A_301 = arith.constant 0 : i32
      %dma_start3A_302 = tpu.memref_slice %arg9[%dma_start3A_300, %dma_start3A_301] : memref<2x128xi32, #tpu.memory_space<vmem>> -> memref<1x128xi32, #tpu.memory_space<vmem>>
      %dma_start3A_303 = tpu.memref_squeeze %dma_start3A_302 : memref<1x128xi32, #tpu.memory_space<vmem>> -> memref<128xi32, #tpu.memory_space<vmem>>
      %dma_start3A_304 = arith.constant 0 : i32
      %dma_start3A_305 = tpu.memref_slice %arg23[%dma_start3A_304] : memref<10240xf32, #tpu.memory_space<vmem_shared>> -> memref<10240xf32, #tpu.memory_space<vmem_shared>>
      tpu.enqueue_indirect_dma source(%arg21 : memref<128xf32, #tpu.memory_space<vmem>>) target(%dma_start3A_305 : memref<10240xf32, #tpu.memory_space<vmem_shared>>) offsets(%dma_start3A_303 : memref<128xi32, #tpu.memory_space<vmem>>) semaphore(%arg24 : memref<!tpu.dma_semaphore, #tpu.memory_space<semaphore_mem>>) {add = true}
      %dma_wait3A_306 = arith.constant 1 : i32
      %dma_wait3A_307 = arith.constant 0 : i32
      %dma_wait3A_308 = tpu.memref_slice %arg9[%dma_wait3A_306, %dma_wait3A_307] : memref<2x128xi32, #tpu.memory_space<vmem>> -> memref<1x128xi32, #tpu.memory_space<vmem>>
      %dma_wait3A_309 = tpu.memref_squeeze %dma_wait3A_308 : memref<1x128xi32, #tpu.memory_space<vmem>> -> memref<128xi32, #tpu.memory_space<vmem>>
      %dma_wait3A_310 = arith.constant 0 : i32
      %dma_wait3A_311 = arith.constant 0 : i32
      %dma_wait3A_312 = tpu.memref_slice %arg13[%dma_wait3A_310, %dma_wait3A_311] : memref<10240x128xf32, #tpu.memory_space<vmem_shared>> -> memref<10240x128xf32, #tpu.memory_space<vmem_shared>>
      tpu.wait_indirect_dma semaphore(%arg20 : memref<!tpu.dma_semaphore, #tpu.memory_space<semaphore_mem>>) src(%arg11 : memref<128x128xf32, #tpu.memory_space<vmem>>) dst(%dma_wait3A_312 : memref<10240x128xf32, #tpu.memory_space<vmem_shared>>)
      %dma_wait3A_313 = arith.constant 1 : i32
      %dma_wait3A_314 = arith.constant 0 : i32
      %dma_wait3A_315 = tpu.memref_slice %arg9[%dma_wait3A_313, %dma_wait3A_314] : memref<2x128xi32, #tpu.memory_space<vmem>> -> memref<1x128xi32, #tpu.memory_space<vmem>>
      %dma_wait3A_316 = tpu.memref_squeeze %dma_wait3A_315 : memref<1x128xi32, #tpu.memory_space<vmem>> -> memref<128xi32, #tpu.memory_space<vmem>>
      %dma_wait3A_317 = arith.constant 0 : i32
      %dma_wait3A_318 = tpu.memref_slice %arg23[%dma_wait3A_317] : memref<10240xf32, #tpu.memory_space<vmem_shared>> -> memref<10240xf32, #tpu.memory_space<vmem_shared>>
      tpu.wait_indirect_dma semaphore(%arg24 : memref<!tpu.dma_semaphore, #tpu.memory_space<semaphore_mem>>) src(%arg21 : memref<128xf32, #tpu.memory_space<vmem>>) dst(%dma_wait3A_318 : memref<10240xf32, #tpu.memory_space<vmem_shared>>)
      %add3A_319 = arith.constant 4 : i32
      %add3A_320 = arith.addi %add3A_285, %add3A_319 : i32
      %lt3A_321 = arith.cmpi slt, %add3A_320, %select_n3A : i32
      %convert_element_type3A_322 = arith.extui %lt3A_321 : i1 to i32
      %cond3A_323 = arith.constant 0 : i32
      %cond3A_324 = arith.cmpi ne, %convert_element_type3A_322, %cond3A_323 : i32
      scf.if %cond3A_324 {
        %add3A_332 = arith.addi %add3A, %add3A_285 : i32
        %add3A_333 = arith.constant 4 : i32
        %add3A_334 = arith.addi %add3A_332, %add3A_333 : i32
        %dma_start3A_335 = arith.constant 0 : i32
        %dma_start3A_336 = arith.constant 0 : i32
        %dma_start3A_337 = tpu.memref_slice %arg3[%add3A_334, %dma_start3A_335, %dma_start3A_336] : memref<2560x2x128xi32, #tpu.memory_space<hbm>> -> memref<1x2x128xi32, #tpu.memory_space<hbm>>
        %dma_start3A_338 = tpu.memref_squeeze %dma_start3A_337 : memref<1x2x128xi32, #tpu.memory_space<hbm>> -> memref<2x128xi32, #tpu.memory_space<hbm>>
        %dma_start3A_339 = arith.constant 0 : i32
        %dma_start3A_340 = arith.constant 0 : i32
        %dma_start3A_341 = tpu.memref_slice %arg3[%add3A_334, %dma_start3A_339, %dma_start3A_340] : memref<2560x2x128xi32, #tpu.memory_space<hbm>> -> memref<1x2x128xi32, #tpu.memory_space<hbm>>
        %dma_start3A_342 = tpu.memref_squeeze %dma_start3A_341 : memref<1x2x128xi32, #tpu.memory_space<hbm>> -> memref<2x128xi32, #tpu.memory_space<hbm>>
        tpu.enqueue_dma source(%dma_start3A_342 : memref<2x128xi32, #tpu.memory_space<hbm>>) target(%arg9 : memref<2x128xi32, #tpu.memory_space<vmem>>) target_semaphore(%arg17 : memref<!tpu.dma_semaphore, #tpu.memory_space<semaphore_mem>>)
      } else {
      }
      %add3A_325 = arith.constant 2 : i32
      %add3A_326 = arith.addi %add3A_285, %add3A_325 : i32
      %lt3A_327 = arith.cmpi slt, %add3A_326, %select_n3A : i32
      %convert_element_type3A_328 = arith.extui %lt3A_327 : i1 to i32
      %cond3A_329 = arith.constant 0 : i32
      %cond3A_330 = arith.cmpi ne, %convert_element_type3A_328, %cond3A_329 : i32
      scf.if %cond3A_330 {
        %add3A_332 = arith.addi %add3A, %add3A_285 : i32
        %add3A_333 = arith.constant 2 : i32
        %add3A_334 = arith.addi %add3A_332, %add3A_333 : i32
        %dma_wait3A_335 = arith.constant 0 : i32
        %dma_wait3A_336 = arith.constant 0 : i32
        %dma_wait3A_337 = tpu.memref_slice %arg3[%add3A_334, %dma_wait3A_335, %dma_wait3A_336] : memref<2560x2x128xi32, #tpu.memory_space<hbm>> -> memref<1x2x128xi32, #tpu.memory_space<hbm>>
        %dma_wait3A_338 = tpu.memref_squeeze %dma_wait3A_337 : memref<1x2x128xi32, #tpu.memory_space<hbm>> -> memref<2x128xi32, #tpu.memory_space<hbm>>
        %dma_wait3A_339 = arith.constant 0 : i32
        %dma_wait3A_340 = arith.constant 0 : i32
        %dma_wait3A_341 = tpu.memref_slice %arg3[%add3A_334, %dma_wait3A_339, %dma_wait3A_340] : memref<2560x2x128xi32, #tpu.memory_space<hbm>> -> memref<1x2x128xi32, #tpu.memory_space<hbm>>
        %dma_wait3A_342 = tpu.memref_squeeze %dma_wait3A_341 : memref<1x2x128xi32, #tpu.memory_space<hbm>> -> memref<2x128xi32, #tpu.memory_space<hbm>>
        tpu.wait_dma2 semaphore(%arg15 : memref<!tpu.dma_semaphore, #tpu.memory_space<semaphore_mem>>) src(%dma_wait3A_342 : memref<2x128xi32, #tpu.memory_space<hbm>>) dst(%arg7 : memref<2x128xi32, #tpu.memory_space<vmem>>)
        %dma_start3A_343 = arith.constant 0 : i32
        %dma_start3A_344 = arith.constant 0 : i32
        %dma_start3A_345 = tpu.memref_slice %arg7[%dma_start3A_343, %dma_start3A_344] : memref<2x128xi32, #tpu.memory_space<vmem>> -> memref<1x128xi32, #tpu.memory_space<vmem>>
        %dma_start3A_346 = tpu.memref_squeeze %dma_start3A_345 : memref<1x128xi32, #tpu.memory_space<vmem>> -> memref<128xi32, #tpu.memory_space<vmem>>
        %dma_start3A_347 = arith.constant 0 : i32
        %dma_start3A_348 = arith.constant 0 : i32
        %dma_start3A_349 = tpu.memref_slice %arg2[%dma_start3A_347, %dma_start3A_348] : memref<10000x128xf32, #tpu.memory_space<hbm>> -> memref<10000x128xf32, #tpu.memory_space<hbm>>
        tpu.enqueue_indirect_dma source(%dma_start3A_349 : memref<10000x128xf32, #tpu.memory_space<hbm>>) target(%arg11 : memref<128x128xf32, #tpu.memory_space<vmem>>) offsets(%dma_start3A_346 : memref<128xi32, #tpu.memory_space<vmem>>) semaphore(%arg19 : memref<!tpu.dma_semaphore, #tpu.memory_space<semaphore_mem>>)
      } else {
      }
      %while3A_331 = arith.constant 0 : i32
      scf.yield %while3A_331 : i32
    }
    %while3A_125 = arith.constant 1 : i32
    %while3A_126 = scf.for %while3A_136 = %while3A_122 to %while3A_118 step %while3A_125 iter_args(%while3A_137 = %while3A_124) -> (i32)  : i32 {
      %mul3A_138 = arith.constant 4 : i32
      %mul3A_139 = arith.muli %mul3A_138, %while3A_136 : i32
      %add3A_140 = arith.constant 0 : i32
      %add3A_141 = arith.addi %mul3A_139, %add3A_140 : i32
      %dma_wait3A_142 = arith.constant 0 : i32
      %dma_wait3A_143 = arith.constant 0 : i32
      %dma_wait3A_144 = tpu.memref_slice %arg6[%dma_wait3A_142, %dma_wait3A_143] : memref<2x128xi32, #tpu.memory_space<vmem>> -> memref<1x128xi32, #tpu.memory_space<vmem>>
      %dma_wait3A_145 = tpu.memref_squeeze %dma_wait3A_144 : memref<1x128xi32, #tpu.memory_space<vmem>> -> memref<128xi32, #tpu.memory_space<vmem>>
      %dma_wait3A_146 = arith.constant 0 : i32
      %dma_wait3A_147 = arith.constant 0 : i32
      %dma_wait3A_148 = tpu.memref_slice %arg2[%dma_wait3A_146, %dma_wait3A_147] : memref<10000x128xf32, #tpu.memory_space<hbm>> -> memref<10000x128xf32, #tpu.memory_space<hbm>>
      tpu.wait_indirect_dma semaphore(%arg18 : memref<!tpu.dma_semaphore, #tpu.memory_space<semaphore_mem>>) src(%dma_wait3A_148 : memref<10000x128xf32, #tpu.memory_space<hbm>>) dst(%arg10 : memref<128x128xf32, #tpu.memory_space<vmem>>)
      %dma_start3A_149 = arith.constant 1 : i32
      %dma_start3A_150 = arith.constant 0 : i32
      %dma_start3A_151 = tpu.memref_slice %arg6[%dma_start3A_149, %dma_start3A_150] : memref<2x128xi32, #tpu.memory_space<vmem>> -> memref<1x128xi32, #tpu.memory_space<vmem>>
      %dma_start3A_152 = tpu.memref_squeeze %dma_start3A_151 : memref<1x128xi32, #tpu.memory_space<vmem>> -> memref<128xi32, #tpu.memory_space<vmem>>
      %dma_start3A_153 = arith.constant 0 : i32
      %dma_start3A_154 = arith.constant 0 : i32
      %dma_start3A_155 = tpu.memref_slice %arg13[%dma_start3A_153, %dma_start3A_154] : memref<10240x128xf32, #tpu.memory_space<vmem_shared>> -> memref<10240x128xf32, #tpu.memory_space<vmem_shared>>
      tpu.enqueue_indirect_dma source(%arg10 : memref<128x128xf32, #tpu.memory_space<vmem>>) target(%dma_start3A_155 : memref<10240x128xf32, #tpu.memory_space<vmem_shared>>) offsets(%dma_start3A_152 : memref<128xi32, #tpu.memory_space<vmem>>) semaphore(%arg20 : memref<!tpu.dma_semaphore, #tpu.memory_space<semaphore_mem>>) {add = true}
      %dma_start3A_156 = arith.constant 1 : i32
      %dma_start3A_157 = arith.constant 0 : i32
      %dma_start3A_158 = tpu.memref_slice %arg6[%dma_start3A_156, %dma_start3A_157] : memref<2x128xi32, #tpu.memory_space<vmem>> -> memref<1x128xi32, #tpu.memory_space<vmem>>
      %dma_start3A_159 = tpu.memref_squeeze %dma_start3A_158 : memref<1x128xi32, #tpu.memory_space<vmem>> -> memref<128xi32, #tpu.memory_space<vmem>>
      %dma_start3A_160 = arith.constant 0 : i32
      %dma_start3A_161 = tpu.memref_slice %arg23[%dma_start3A_160] : memref<10240xf32, #tpu.memory_space<vmem_shared>> -> memref<10240xf32, #tpu.memory_space<vmem_shared>>
      tpu.enqueue_indirect_dma source(%arg21 : memref<128xf32, #tpu.memory_space<vmem>>) target(%dma_start3A_161 : memref<10240xf32, #tpu.memory_space<vmem_shared>>) offsets(%dma_start3A_159 : memref<128xi32, #tpu.memory_space<vmem>>) semaphore(%arg24 : memref<!tpu.dma_semaphore, #tpu.memory_space<semaphore_mem>>) {add = true}
      %dma_wait3A_162 = arith.constant 1 : i32
      %dma_wait3A_163 = arith.constant 0 : i32
      %dma_wait3A_164 = tpu.memref_slice %arg6[%dma_wait3A_162, %dma_wait3A_163] : memref<2x128xi32, #tpu.memory_space<vmem>> -> memref<1x128xi32, #tpu.memory_space<vmem>>
      %dma_wait3A_165 = tpu.memref_squeeze %dma_wait3A_164 : memref<1x128xi32, #tpu.memory_space<vmem>> -> memref<128xi32, #tpu.memory_space<vmem>>
      %dma_wait3A_166 = arith.constant 0 : i32
      %dma_wait3A_167 = arith.constant 0 : i32
      %dma_wait3A_168 = tpu.memref_slice %arg13[%dma_wait3A_166, %dma_wait3A_167] : memref<10240x128xf32, #tpu.memory_space<vmem_shared>> -> memref<10240x128xf32, #tpu.memory_space<vmem_shared>>
      tpu.wait_indirect_dma semaphore(%arg20 : memref<!tpu.dma_semaphore, #tpu.memory_space<semaphore_mem>>) src(%arg10 : memref<128x128xf32, #tpu.memory_space<vmem>>) dst(%dma_wait3A_168 : memref<10240x128xf32, #tpu.memory_space<vmem_shared>>)
      %dma_wait3A_169 = arith.constant 1 : i32
      %dma_wait3A_170 = arith.constant 0 : i32
      %dma_wait3A_171 = tpu.memref_slice %arg6[%dma_wait3A_169, %dma_wait3A_170] : memref<2x128xi32, #tpu.memory_space<vmem>> -> memref<1x128xi32, #tpu.memory_space<vmem>>
      %dma_wait3A_172 = tpu.memref_squeeze %dma_wait3A_171 : memref<1x128xi32, #tpu.memory_space<vmem>> -> memref<128xi32, #tpu.memory_space<vmem>>
      %dma_wait3A_173 = arith.constant 0 : i32
      %dma_wait3A_174 = tpu.memref_slice %arg23[%dma_wait3A_173] : memref<10240xf32, #tpu.memory_space<vmem_shared>> -> memref<10240xf32, #tpu.memory_space<vmem_shared>>
      tpu.wait_indirect_dma semaphore(%arg24 : memref<!tpu.dma_semaphore, #tpu.memory_space<semaphore_mem>>) src(%arg21 : memref<128xf32, #tpu.memory_space<vmem>>) dst(%dma_wait3A_174 : memref<10240xf32, #tpu.memory_space<vmem_shared>>)
      %add3A_175 = arith.constant 4 : i32
      %add3A_176 = arith.addi %add3A_141, %add3A_175 : i32
      %lt3A = arith.cmpi slt, %add3A_176, %select_n3A : i32
      %convert_element_type3A = arith.extui %lt3A : i1 to i32
      %cond3A = arith.constant 0 : i32
      %cond3A_177 = arith.cmpi ne, %convert_element_type3A, %cond3A : i32
      scf.if %cond3A_177 {
        %add3A_332 = arith.addi %add3A, %add3A_141 : i32
        %add3A_333 = arith.constant 4 : i32
        %add3A_334 = arith.addi %add3A_332, %add3A_333 : i32
        %dma_start3A_335 = arith.constant 0 : i32
        %dma_start3A_336 = arith.constant 0 : i32
        %dma_start3A_337 = tpu.memref_slice %arg3[%add3A_334, %dma_start3A_335, %dma_start3A_336] : memref<2560x2x128xi32, #tpu.memory_space<hbm>> -> memref<1x2x128xi32, #tpu.memory_space<hbm>>
        %dma_start3A_338 = tpu.memref_squeeze %dma_start3A_337 : memref<1x2x128xi32, #tpu.memory_space<hbm>> -> memref<2x128xi32, #tpu.memory_space<hbm>>
        %dma_start3A_339 = arith.constant 0 : i32
        %dma_start3A_340 = arith.constant 0 : i32
        %dma_start3A_341 = tpu.memref_slice %arg3[%add3A_334, %dma_start3A_339, %dma_start3A_340] : memref<2560x2x128xi32, #tpu.memory_space<hbm>> -> memref<1x2x128xi32, #tpu.memory_space<hbm>>
        %dma_start3A_342 = tpu.memref_squeeze %dma_start3A_341 : memref<1x2x128xi32, #tpu.memory_space<hbm>> -> memref<2x128xi32, #tpu.memory_space<hbm>>
        tpu.enqueue_dma source(%dma_start3A_342 : memref<2x128xi32, #tpu.memory_space<hbm>>) target(%arg6 : memref<2x128xi32, #tpu.memory_space<vmem>>) target_semaphore(%arg14 : memref<!tpu.dma_semaphore, #tpu.memory_space<semaphore_mem>>)
      } else {
      }
      %add3A_178 = arith.constant 2 : i32
      %add3A_179 = arith.addi %add3A_141, %add3A_178 : i32
      %lt3A_180 = arith.cmpi slt, %add3A_179, %select_n3A : i32
      %convert_element_type3A_181 = arith.extui %lt3A_180 : i1 to i32
      %cond3A_182 = arith.constant 0 : i32
      %cond3A_183 = arith.cmpi ne, %convert_element_type3A_181, %cond3A_182 : i32
      scf.if %cond3A_183 {
        %add3A_332 = arith.addi %add3A, %add3A_141 : i32
        %add3A_333 = arith.constant 2 : i32
        %add3A_334 = arith.addi %add3A_332, %add3A_333 : i32
        %dma_wait3A_335 = arith.constant 0 : i32
        %dma_wait3A_336 = arith.constant 0 : i32
        %dma_wait3A_337 = tpu.memref_slice %arg3[%add3A_334, %dma_wait3A_335, %dma_wait3A_336] : memref<2560x2x128xi32, #tpu.memory_space<hbm>> -> memref<1x2x128xi32, #tpu.memory_space<hbm>>
        %dma_wait3A_338 = tpu.memref_squeeze %dma_wait3A_337 : memref<1x2x128xi32, #tpu.memory_space<hbm>> -> memref<2x128xi32, #tpu.memory_space<hbm>>
        %dma_wait3A_339 = arith.constant 0 : i32
        %dma_wait3A_340 = arith.constant 0 : i32
        %dma_wait3A_341 = tpu.memref_slice %arg3[%add3A_334, %dma_wait3A_339, %dma_wait3A_340] : memref<2560x2x128xi32, #tpu.memory_space<hbm>> -> memref<1x2x128xi32, #tpu.memory_space<hbm>>
        %dma_wait3A_342 = tpu.memref_squeeze %dma_wait3A_341 : memref<1x2x128xi32, #tpu.memory_space<hbm>> -> memref<2x128xi32, #tpu.memory_space<hbm>>
        tpu.wait_dma2 semaphore(%arg16 : memref<!tpu.dma_semaphore, #tpu.memory_space<semaphore_mem>>) src(%dma_wait3A_342 : memref<2x128xi32, #tpu.memory_space<hbm>>) dst(%arg8 : memref<2x128xi32, #tpu.memory_space<vmem>>)
        %dma_start3A_343 = arith.constant 0 : i32
        %dma_start3A_344 = arith.constant 0 : i32
        %dma_start3A_345 = tpu.memref_slice %arg8[%dma_start3A_343, %dma_start3A_344] : memref<2x128xi32, #tpu.memory_space<vmem>> -> memref<1x128xi32, #tpu.memory_space<vmem>>
        %dma_start3A_346 = tpu.memref_squeeze %dma_start3A_345 : memref<1x128xi32, #tpu.memory_space<vmem>> -> memref<128xi32, #tpu.memory_space<vmem>>
        %dma_start3A_347 = arith.constant 0 : i32
        %dma_start3A_348 = arith.constant 0 : i32
        %dma_start3A_349 = tpu.memref_slice %arg2[%dma_start3A_347, %dma_start3A_348] : memref<10000x128xf32, #tpu.memory_space<hbm>> -> memref<10000x128xf32, #tpu.memory_space<hbm>>
        tpu.enqueue_indirect_dma source(%dma_start3A_349 : memref<10000x128xf32, #tpu.memory_space<hbm>>) target(%arg10 : memref<128x128xf32, #tpu.memory_space<vmem>>) offsets(%dma_start3A_346 : memref<128xi32, #tpu.memory_space<vmem>>) semaphore(%arg18 : memref<!tpu.dma_semaphore, #tpu.memory_space<semaphore_mem>>)
      } else {
      }
      %mul3A_184 = arith.constant 4 : i32
      %mul3A_185 = arith.muli %mul3A_184, %while3A_136 : i32
      %add3A_186 = arith.constant 1 : i32
      %add3A_187 = arith.addi %mul3A_185, %add3A_186 : i32
      %dma_wait3A_188 = arith.constant 0 : i32
      %dma_wait3A_189 = arith.constant 0 : i32
      %dma_wait3A_190 = tpu.memref_slice %arg7[%dma_wait3A_188, %dma_wait3A_189] : memref<2x128xi32, #tpu.memory_space<vmem>> -> memref<1x128xi32, #tpu.memory_space<vmem>>
      %dma_wait3A_191 = tpu.memref_squeeze %dma_wait3A_190 : memref<1x128xi32, #tpu.memory_space<vmem>> -> memref<128xi32, #tpu.memory_space<vmem>>
      %dma_wait3A_192 = arith.constant 0 : i32
      %dma_wait3A_193 = arith.constant 0 : i32
      %dma_wait3A_194 = tpu.memref_slice %arg2[%dma_wait3A_192, %dma_wait3A_193] : memref<10000x128xf32, #tpu.memory_space<hbm>> -> memref<10000x128xf32, #tpu.memory_space<hbm>>
      tpu.wait_indirect_dma semaphore(%arg19 : memref<!tpu.dma_semaphore, #tpu.memory_space<semaphore_mem>>) src(%dma_wait3A_194 : memref<10000x128xf32, #tpu.memory_space<hbm>>) dst(%arg11 : memref<128x128xf32, #tpu.memory_space<vmem>>)
      %dma_start3A_195 = arith.constant 1 : i32
      %dma_start3A_196 = arith.constant 0 : i32
      %dma_start3A_197 = tpu.memref_slice %arg7[%dma_start3A_195, %dma_start3A_196] : memref<2x128xi32, #tpu.memory_space<vmem>> -> memref<1x128xi32, #tpu.memory_space<vmem>>
      %dma_start3A_198 = tpu.memref_squeeze %dma_start3A_197 : memref<1x128xi32, #tpu.memory_space<vmem>> -> memref<128xi32, #tpu.memory_space<vmem>>
      %dma_start3A_199 = arith.constant 0 : i32
      %dma_start3A_200 = arith.constant 0 : i32
      %dma_start3A_201 = tpu.memref_slice %arg13[%dma_start3A_199, %dma_start3A_200] : memref<10240x128xf32, #tpu.memory_space<vmem_shared>> -> memref<10240x128xf32, #tpu.memory_space<vmem_shared>>
      tpu.enqueue_indirect_dma source(%arg11 : memref<128x128xf32, #tpu.memory_space<vmem>>) target(%dma_start3A_201 : memref<10240x128xf32, #tpu.memory_space<vmem_shared>>) offsets(%dma_start3A_198 : memref<128xi32, #tpu.memory_space<vmem>>) semaphore(%arg20 : memref<!tpu.dma_semaphore, #tpu.memory_space<semaphore_mem>>) {add = true}
      %dma_start3A_202 = arith.constant 1 : i32
      %dma_start3A_203 = arith.constant 0 : i32
      %dma_start3A_204 = tpu.memref_slice %arg7[%dma_start3A_202, %dma_start3A_203] : memref<2x128xi32, #tpu.memory_space<vmem>> -> memref<1x128xi32, #tpu.memory_space<vmem>>
      %dma_start3A_205 = tpu.memref_squeeze %dma_start3A_204 : memref<1x128xi32, #tpu.memory_space<vmem>> -> memref<128xi32, #tpu.memory_space<vmem>>
      %dma_start3A_206 = arith.constant 0 : i32
      %dma_start3A_207 = tpu.memref_slice %arg23[%dma_start3A_206] : memref<10240xf32, #tpu.memory_space<vmem_shared>> -> memref<10240xf32, #tpu.memory_space<vmem_shared>>
      tpu.enqueue_indirect_dma source(%arg21 : memref<128xf32, #tpu.memory_space<vmem>>) target(%dma_start3A_207 : memref<10240xf32, #tpu.memory_space<vmem_shared>>) offsets(%dma_start3A_205 : memref<128xi32, #tpu.memory_space<vmem>>) semaphore(%arg24 : memref<!tpu.dma_semaphore, #tpu.memory_space<semaphore_mem>>) {add = true}
      %dma_wait3A_208 = arith.constant 1 : i32
      %dma_wait3A_209 = arith.constant 0 : i32
      %dma_wait3A_210 = tpu.memref_slice %arg7[%dma_wait3A_208, %dma_wait3A_209] : memref<2x128xi32, #tpu.memory_space<vmem>> -> memref<1x128xi32, #tpu.memory_space<vmem>>
      %dma_wait3A_211 = tpu.memref_squeeze %dma_wait3A_210 : memref<1x128xi32, #tpu.memory_space<vmem>> -> memref<128xi32, #tpu.memory_space<vmem>>
      %dma_wait3A_212 = arith.constant 0 : i32
      %dma_wait3A_213 = arith.constant 0 : i32
      %dma_wait3A_214 = tpu.memref_slice %arg13[%dma_wait3A_212, %dma_wait3A_213] : memref<10240x128xf32, #tpu.memory_space<vmem_shared>> -> memref<10240x128xf32, #tpu.memory_space<vmem_shared>>
      tpu.wait_indirect_dma semaphore(%arg20 : memref<!tpu.dma_semaphore, #tpu.memory_space<semaphore_mem>>) src(%arg11 : memref<128x128xf32, #tpu.memory_space<vmem>>) dst(%dma_wait3A_214 : memref<10240x128xf32, #tpu.memory_space<vmem_shared>>)
      %dma_wait3A_215 = arith.constant 1 : i32
      %dma_wait3A_216 = arith.constant 0 : i32
      %dma_wait3A_217 = tpu.memref_slice %arg7[%dma_wait3A_215, %dma_wait3A_216] : memref<2x128xi32, #tpu.memory_space<vmem>> -> memref<1x128xi32, #tpu.memory_space<vmem>>
      %dma_wait3A_218 = tpu.memref_squeeze %dma_wait3A_217 : memref<1x128xi32, #tpu.memory_space<vmem>> -> memref<128xi32, #tpu.memory_space<vmem>>
      %dma_wait3A_219 = arith.constant 0 : i32
      %dma_wait3A_220 = tpu.memref_slice %arg23[%dma_wait3A_219] : memref<10240xf32, #tpu.memory_space<vmem_shared>> -> memref<10240xf32, #tpu.memory_space<vmem_shared>>
      tpu.wait_indirect_dma semaphore(%arg24 : memref<!tpu.dma_semaphore, #tpu.memory_space<semaphore_mem>>) src(%arg21 : memref<128xf32, #tpu.memory_space<vmem>>) dst(%dma_wait3A_220 : memref<10240xf32, #tpu.memory_space<vmem_shared>>)
      %add3A_221 = arith.constant 4 : i32
      %add3A_222 = arith.addi %add3A_187, %add3A_221 : i32
      %lt3A_223 = arith.cmpi slt, %add3A_222, %select_n3A : i32
      %convert_element_type3A_224 = arith.extui %lt3A_223 : i1 to i32
      %cond3A_225 = arith.constant 0 : i32
      %cond3A_226 = arith.cmpi ne, %convert_element_type3A_224, %cond3A_225 : i32
      scf.if %cond3A_226 {
        %add3A_332 = arith.addi %add3A, %add3A_187 : i32
        %add3A_333 = arith.constant 4 : i32
        %add3A_334 = arith.addi %add3A_332, %add3A_333 : i32
        %dma_start3A_335 = arith.constant 0 : i32
        %dma_start3A_336 = arith.constant 0 : i32
        %dma_start3A_337 = tpu.memref_slice %arg3[%add3A_334, %dma_start3A_335, %dma_start3A_336] : memref<2560x2x128xi32, #tpu.memory_space<hbm>> -> memref<1x2x128xi32, #tpu.memory_space<hbm>>
        %dma_start3A_338 = tpu.memref_squeeze %dma_start3A_337 : memref<1x2x128xi32, #tpu.memory_space<hbm>> -> memref<2x128xi32, #tpu.memory_space<hbm>>
        %dma_start3A_339 = arith.constant 0 : i32
        %dma_start3A_340 = arith.constant 0 : i32
        %dma_start3A_341 = tpu.memref_slice %arg3[%add3A_334, %dma_start3A_339, %dma_start3A_340] : memref<2560x2x128xi32, #tpu.memory_space<hbm>> -> memref<1x2x128xi32, #tpu.memory_space<hbm>>
        %dma_start3A_342 = tpu.memref_squeeze %dma_start3A_341 : memref<1x2x128xi32, #tpu.memory_space<hbm>> -> memref<2x128xi32, #tpu.memory_space<hbm>>
        tpu.enqueue_dma source(%dma_start3A_342 : memref<2x128xi32, #tpu.memory_space<hbm>>) target(%arg7 : memref<2x128xi32, #tpu.memory_space<vmem>>) target_semaphore(%arg15 : memref<!tpu.dma_semaphore, #tpu.memory_space<semaphore_mem>>)
      } else {
      }
      %add3A_227 = arith.constant 2 : i32
      %add3A_228 = arith.addi %add3A_187, %add3A_227 : i32
      %lt3A_229 = arith.cmpi slt, %add3A_228, %select_n3A : i32
      %convert_element_type3A_230 = arith.extui %lt3A_229 : i1 to i32
      %cond3A_231 = arith.constant 0 : i32
      %cond3A_232 = arith.cmpi ne, %convert_element_type3A_230, %cond3A_231 : i32
      scf.if %cond3A_232 {
        %add3A_332 = arith.addi %add3A, %add3A_187 : i32
        %add3A_333 = arith.constant 2 : i32
        %add3A_334 = arith.addi %add3A_332, %add3A_333 : i32
        %dma_wait3A_335 = arith.constant 0 : i32
        %dma_wait3A_336 = arith.constant 0 : i32
        %dma_wait3A_337 = tpu.memref_slice %arg3[%add3A_334, %dma_wait3A_335, %dma_wait3A_336] : memref<2560x2x128xi32, #tpu.memory_space<hbm>> -> memref<1x2x128xi32, #tpu.memory_space<hbm>>
        %dma_wait3A_338 = tpu.memref_squeeze %dma_wait3A_337 : memref<1x2x128xi32, #tpu.memory_space<hbm>> -> memref<2x128xi32, #tpu.memory_space<hbm>>
        %dma_wait3A_339 = arith.constant 0 : i32
        %dma_wait3A_340 = arith.constant 0 : i32
        %dma_wait3A_341 = tpu.memref_slice %arg3[%add3A_334, %dma_wait3A_339, %dma_wait3A_340] : memref<2560x2x128xi32, #tpu.memory_space<hbm>> -> memref<1x2x128xi32, #tpu.memory_space<hbm>>
        %dma_wait3A_342 = tpu.memref_squeeze %dma_wait3A_341 : memref<1x2x128xi32, #tpu.memory_space<hbm>> -> memref<2x128xi32, #tpu.memory_space<hbm>>
        tpu.wait_dma2 semaphore(%arg17 : memref<!tpu.dma_semaphore, #tpu.memory_space<semaphore_mem>>) src(%dma_wait3A_342 : memref<2x128xi32, #tpu.memory_space<hbm>>) dst(%arg9 : memref<2x128xi32, #tpu.memory_space<vmem>>)
        %dma_start3A_343 = arith.constant 0 : i32
        %dma_start3A_344 = arith.constant 0 : i32
        %dma_start3A_345 = tpu.memref_slice %arg9[%dma_start3A_343, %dma_start3A_344] : memref<2x128xi32, #tpu.memory_space<vmem>> -> memref<1x128xi32, #tpu.memory_space<vmem>>
        %dma_start3A_346 = tpu.memref_squeeze %dma_start3A_345 : memref<1x128xi32, #tpu.memory_space<vmem>> -> memref<128xi32, #tpu.memory_space<vmem>>
        %dma_start3A_347 = arith.constant 0 : i32
        %dma_start3A_348 = arith.constant 0 : i32
        %dma_start3A_349 = tpu.memref_slice %arg2[%dma_start3A_347, %dma_start3A_348] : memref<10000x128xf32, #tpu.memory_space<hbm>> -> memref<10000x128xf32, #tpu.memory_space<hbm>>
        tpu.enqueue_indirect_dma source(%dma_start3A_349 : memref<10000x128xf32, #tpu.memory_space<hbm>>) target(%arg11 : memref<128x128xf32, #tpu.memory_space<vmem>>) offsets(%dma_start3A_346 : memref<128xi32, #tpu.memory_space<vmem>>) semaphore(%arg19 : memref<!tpu.dma_semaphore, #tpu.memory_space<semaphore_mem>>)
      } else {
      }
      %mul3A_233 = arith.constant 4 : i32
      %mul3A_234 = arith.muli %mul3A_233, %while3A_136 : i32
      %add3A_235 = arith.constant 2 : i32
      %add3A_236 = arith.addi %mul3A_234, %add3A_235 : i32
      %dma_wait3A_237 = arith.constant 0 : i32
      %dma_wait3A_238 = arith.constant 0 : i32
      %dma_wait3A_239 = tpu.memref_slice %arg8[%dma_wait3A_237, %dma_wait3A_238] : memref<2x128xi32, #tpu.memory_space<vmem>> -> memref<1x128xi32, #tpu.memory_space<vmem>>
      %dma_wait3A_240 = tpu.memref_squeeze %dma_wait3A_239 : memref<1x128xi32, #tpu.memory_space<vmem>> -> memref<128xi32, #tpu.memory_space<vmem>>
      %dma_wait3A_241 = arith.constant 0 : i32
      %dma_wait3A_242 = arith.constant 0 : i32
      %dma_wait3A_243 = tpu.memref_slice %arg2[%dma_wait3A_241, %dma_wait3A_242] : memref<10000x128xf32, #tpu.memory_space<hbm>> -> memref<10000x128xf32, #tpu.memory_space<hbm>>
      tpu.wait_indirect_dma semaphore(%arg18 : memref<!tpu.dma_semaphore, #tpu.memory_space<semaphore_mem>>) src(%dma_wait3A_243 : memref<10000x128xf32, #tpu.memory_space<hbm>>) dst(%arg10 : memref<128x128xf32, #tpu.memory_space<vmem>>)
      %dma_start3A_244 = arith.constant 1 : i32
      %dma_start3A_245 = arith.constant 0 : i32
      %dma_start3A_246 = tpu.memref_slice %arg8[%dma_start3A_244, %dma_start3A_245] : memref<2x128xi32, #tpu.memory_space<vmem>> -> memref<1x128xi32, #tpu.memory_space<vmem>>
      %dma_start3A_247 = tpu.memref_squeeze %dma_start3A_246 : memref<1x128xi32, #tpu.memory_space<vmem>> -> memref<128xi32, #tpu.memory_space<vmem>>
      %dma_start3A_248 = arith.constant 0 : i32
      %dma_start3A_249 = arith.constant 0 : i32
      %dma_start3A_250 = tpu.memref_slice %arg13[%dma_start3A_248, %dma_start3A_249] : memref<10240x128xf32, #tpu.memory_space<vmem_shared>> -> memref<10240x128xf32, #tpu.memory_space<vmem_shared>>
      tpu.enqueue_indirect_dma source(%arg10 : memref<128x128xf32, #tpu.memory_space<vmem>>) target(%dma_start3A_250 : memref<10240x128xf32, #tpu.memory_space<vmem_shared>>) offsets(%dma_start3A_247 : memref<128xi32, #tpu.memory_space<vmem>>) semaphore(%arg20 : memref<!tpu.dma_semaphore, #tpu.memory_space<semaphore_mem>>) {add = true}
      %dma_start3A_251 = arith.constant 1 : i32
      %dma_start3A_252 = arith.constant 0 : i32
      %dma_start3A_253 = tpu.memref_slice %arg8[%dma_start3A_251, %dma_start3A_252] : memref<2x128xi32, #tpu.memory_space<vmem>> -> memref<1x128xi32, #tpu.memory_space<vmem>>
      %dma_start3A_254 = tpu.memref_squeeze %dma_start3A_253 : memref<1x128xi32, #tpu.memory_space<vmem>> -> memref<128xi32, #tpu.memory_space<vmem>>
      %dma_start3A_255 = arith.constant 0 : i32
      %dma_start3A_256 = tpu.memref_slice %arg23[%dma_start3A_255] : memref<10240xf32, #tpu.memory_space<vmem_shared>> -> memref<10240xf32, #tpu.memory_space<vmem_shared>>
      tpu.enqueue_indirect_dma source(%arg21 : memref<128xf32, #tpu.memory_space<vmem>>) target(%dma_start3A_256 : memref<10240xf32, #tpu.memory_space<vmem_shared>>) offsets(%dma_start3A_254 : memref<128xi32, #tpu.memory_space<vmem>>) semaphore(%arg24 : memref<!tpu.dma_semaphore, #tpu.memory_space<semaphore_mem>>) {add = true}
      %dma_wait3A_257 = arith.constant 1 : i32
      %dma_wait3A_258 = arith.constant 0 : i32
      %dma_wait3A_259 = tpu.memref_slice %arg8[%dma_wait3A_257, %dma_wait3A_258] : memref<2x128xi32, #tpu.memory_space<vmem>> -> memref<1x128xi32, #tpu.memory_space<vmem>>
      %dma_wait3A_260 = tpu.memref_squeeze %dma_wait3A_259 : memref<1x128xi32, #tpu.memory_space<vmem>> -> memref<128xi32, #tpu.memory_space<vmem>>
      %dma_wait3A_261 = arith.constant 0 : i32
      %dma_wait3A_262 = arith.constant 0 : i32
      %dma_wait3A_263 = tpu.memref_slice %arg13[%dma_wait3A_261, %dma_wait3A_262] : memref<10240x128xf32, #tpu.memory_space<vmem_shared>> -> memref<10240x128xf32, #tpu.memory_space<vmem_shared>>
      tpu.wait_indirect_dma semaphore(%arg20 : memref<!tpu.dma_semaphore, #tpu.memory_space<semaphore_mem>>) src(%arg10 : memref<128x128xf32, #tpu.memory_space<vmem>>) dst(%dma_wait3A_263 : memref<10240x128xf32, #tpu.memory_space<vmem_shared>>)
      %dma_wait3A_264 = arith.constant 1 : i32
      %dma_wait3A_265 = arith.constant 0 : i32
      %dma_wait3A_266 = tpu.memref_slice %arg8[%dma_wait3A_264, %dma_wait3A_265] : memref<2x128xi32, #tpu.memory_space<vmem>> -> memref<1x128xi32, #tpu.memory_space<vmem>>
      %dma_wait3A_267 = tpu.memref_squeeze %dma_wait3A_266 : memref<1x128xi32, #tpu.memory_space<vmem>> -> memref<128xi32, #tpu.memory_space<vmem>>
      %dma_wait3A_268 = arith.constant 0 : i32
      %dma_wait3A_269 = tpu.memref_slice %arg23[%dma_wait3A_268] : memref<10240xf32, #tpu.memory_space<vmem_shared>> -> memref<10240xf32, #tpu.memory_space<vmem_shared>>
      tpu.wait_indirect_dma semaphore(%arg24 : memref<!tpu.dma_semaphore, #tpu.memory_space<semaphore_mem>>) src(%arg21 : memref<128xf32, #tpu.memory_space<vmem>>) dst(%dma_wait3A_269 : memref<10240xf32, #tpu.memory_space<vmem_shared>>)
      %add3A_270 = arith.constant 4 : i32
      %add3A_271 = arith.addi %add3A_236, %add3A_270 : i32
      %lt3A_272 = arith.cmpi slt, %add3A_271, %select_n3A : i32
      %convert_element_type3A_273 = arith.extui %lt3A_272 : i1 to i32
      %cond3A_274 = arith.constant 0 : i32
      %cond3A_275 = arith.cmpi ne, %convert_element_type3A_273, %cond3A_274 : i32
      scf.if %cond3A_275 {
        %add3A_332 = arith.addi %add3A, %add3A_236 : i32
        %add3A_333 = arith.constant 4 : i32
        %add3A_334 = arith.addi %add3A_332, %add3A_333 : i32
        %dma_start3A_335 = arith.constant 0 : i32
        %dma_start3A_336 = arith.constant 0 : i32
        %dma_start3A_337 = tpu.memref_slice %arg3[%add3A_334, %dma_start3A_335, %dma_start3A_336] : memref<2560x2x128xi32, #tpu.memory_space<hbm>> -> memref<1x2x128xi32, #tpu.memory_space<hbm>>
        %dma_start3A_338 = tpu.memref_squeeze %dma_start3A_337 : memref<1x2x128xi32, #tpu.memory_space<hbm>> -> memref<2x128xi32, #tpu.memory_space<hbm>>
        %dma_start3A_339 = arith.constant 0 : i32
        %dma_start3A_340 = arith.constant 0 : i32
        %dma_start3A_341 = tpu.memref_slice %arg3[%add3A_334, %dma_start3A_339, %dma_start3A_340] : memref<2560x2x128xi32, #tpu.memory_space<hbm>> -> memref<1x2x128xi32, #tpu.memory_space<hbm>>
        %dma_start3A_342 = tpu.memref_squeeze %dma_start3A_341 : memref<1x2x128xi32, #tpu.memory_space<hbm>> -> memref<2x128xi32, #tpu.memory_space<hbm>>
        tpu.enqueue_dma source(%dma_start3A_342 : memref<2x128xi32, #tpu.memory_space<hbm>>) target(%arg8 : memref<2x128xi32, #tpu.memory_space<vmem>>) target_semaphore(%arg16 : memref<!tpu.dma_semaphore, #tpu.memory_space<semaphore_mem>>)
      } else {
      }
      %add3A_276 = arith.constant 2 : i32
      %add3A_277 = arith.addi %add3A_236, %add3A_276 : i32
      %lt3A_278 = arith.cmpi slt, %add3A_277, %select_n3A : i32
      %convert_element_type3A_279 = arith.extui %lt3A_278 : i1 to i32
      %cond3A_280 = arith.constant 0 : i32
      %cond3A_281 = arith.cmpi ne, %convert_element_type3A_279, %cond3A_280 : i32
      scf.if %cond3A_281 {
        %add3A_332 = arith.addi %add3A, %add3A_236 : i32
        %add3A_333 = arith.constant 2 : i32
        %add3A_334 = arith.addi %add3A_332, %add3A_333 : i32
        %dma_wait3A_335 = arith.constant 0 : i32
        %dma_wait3A_336 = arith.constant 0 : i32
        %dma_wait3A_337 = tpu.memref_slice %arg3[%add3A_334, %dma_wait3A_335, %dma_wait3A_336] : memref<2560x2x128xi32, #tpu.memory_space<hbm>> -> memref<1x2x128xi32, #tpu.memory_space<hbm>>
        %dma_wait3A_338 = tpu.memref_squeeze %dma_wait3A_337 : memref<1x2x128xi32, #tpu.memory_space<hbm>> -> memref<2x128xi32, #tpu.memory_space<hbm>>
        %dma_wait3A_339 = arith.constant 0 : i32
        %dma_wait3A_340 = arith.constant 0 : i32
        %dma_wait3A_341 = tpu.memref_slice %arg3[%add3A_334, %dma_wait3A_339, %dma_wait3A_340] : memref<2560x2x128xi32, #tpu.memory_space<hbm>> -> memref<1x2x128xi32, #tpu.memory_space<hbm>>
        %dma_wait3A_342 = tpu.memref_squeeze %dma_wait3A_341 : memref<1x2x128xi32, #tpu.memory_space<hbm>> -> memref<2x128xi32, #tpu.memory_space<hbm>>
        tpu.wait_dma2 semaphore(%arg14 : memref<!tpu.dma_semaphore, #tpu.memory_space<semaphore_mem>>) src(%dma_wait3A_342 : memref<2x128xi32, #tpu.memory_space<hbm>>) dst(%arg6 : memref<2x128xi32, #tpu.memory_space<vmem>>)
        %dma_start3A_343 = arith.constant 0 : i32
        %dma_start3A_344 = arith.constant 0 : i32
        %dma_start3A_345 = tpu.memref_slice %arg6[%dma_start3A_343, %dma_start3A_344] : memref<2x128xi32, #tpu.memory_space<vmem>> -> memref<1x128xi32, #tpu.memory_space<vmem>>
        %dma_start3A_346 = tpu.memref_squeeze %dma_start3A_345 : memref<1x128xi32, #tpu.memory_space<vmem>> -> memref<128xi32, #tpu.memory_space<vmem>>
        %dma_start3A_347 = arith.constant 0 : i32
        %dma_start3A_348 = arith.constant 0 : i32
        %dma_start3A_349 = tpu.memref_slice %arg2[%dma_start3A_347, %dma_start3A_348] : memref<10000x128xf32, #tpu.memory_space<hbm>> -> memref<10000x128xf32, #tpu.memory_space<hbm>>
        tpu.enqueue_indirect_dma source(%dma_start3A_349 : memref<10000x128xf32, #tpu.memory_space<hbm>>) target(%arg10 : memref<128x128xf32, #tpu.memory_space<vmem>>) offsets(%dma_start3A_346 : memref<128xi32, #tpu.memory_space<vmem>>) semaphore(%arg18 : memref<!tpu.dma_semaphore, #tpu.memory_space<semaphore_mem>>)
      } else {
      }
      %mul3A_282 = arith.constant 4 : i32
      %mul3A_283 = arith.muli %mul3A_282, %while3A_136 : i32
      %add3A_284 = arith.constant 3 : i32
      %add3A_285 = arith.addi %mul3A_283, %add3A_284 : i32
      %dma_wait3A_286 = arith.constant 0 : i32
      %dma_wait3A_287 = arith.constant 0 : i32
      %dma_wait3A_288 = tpu.memref_slice %arg9[%dma_wait3A_286, %dma_wait3A_287] : memref<2x128xi32, #tpu.memory_space<vmem>> -> memref<1x128xi32, #tpu.memory_space<vmem>>
      %dma_wait3A_289 = tpu.memref_squeeze %dma_wait3A_288 : memref<1x128xi32, #tpu.memory_space<vmem>> -> memref<128xi32, #tpu.memory_space<vmem>>
      %dma_wait3A_290 = arith.constant 0 : i32
      %dma_wait3A_291 = arith.constant 0 : i32
      %dma_wait3A_292 = tpu.memref_slice %arg2[%dma_wait3A_290, %dma_wait3A_291] : memref<10000x128xf32, #tpu.memory_space<hbm>> -> memref<10000x128xf32, #tpu.memory_space<hbm>>
      tpu.wait_indirect_dma semaphore(%arg19 : memref<!tpu.dma_semaphore, #tpu.memory_space<semaphore_mem>>) src(%dma_wait3A_292 : memref<10000x128xf32, #tpu.memory_space<hbm>>) dst(%arg11 : memref<128x128xf32, #tpu.memory_space<vmem>>)
      %dma_start3A_293 = arith.constant 1 : i32
      %dma_start3A_294 = arith.constant 0 : i32
      %dma_start3A_295 = tpu.memref_slice %arg9[%dma_start3A_293, %dma_start3A_294] : memref<2x128xi32, #tpu.memory_space<vmem>> -> memref<1x128xi32, #tpu.memory_space<vmem>>
      %dma_start3A_296 = tpu.memref_squeeze %dma_start3A_295 : memref<1x128xi32, #tpu.memory_space<vmem>> -> memref<128xi32, #tpu.memory_space<vmem>>
      %dma_start3A_297 = arith.constant 0 : i32
      %dma_start3A_298 = arith.constant 0 : i32
      %dma_start3A_299 = tpu.memref_slice %arg13[%dma_start3A_297, %dma_start3A_298] : memref<10240x128xf32, #tpu.memory_space<vmem_shared>> -> memref<10240x128xf32, #tpu.memory_space<vmem_shared>>
      tpu.enqueue_indirect_dma source(%arg11 : memref<128x128xf32, #tpu.memory_space<vmem>>) target(%dma_start3A_299 : memref<10240x128xf32, #tpu.memory_space<vmem_shared>>) offsets(%dma_start3A_296 : memref<128xi32, #tpu.memory_space<vmem>>) semaphore(%arg20 : memref<!tpu.dma_semaphore, #tpu.memory_space<semaphore_mem>>) {add = true}
      %dma_start3A_300 = arith.constant 1 : i32
      %dma_start3A_301 = arith.constant 0 : i32
      %dma_start3A_302 = tpu.memref_slice %arg9[%dma_start3A_300, %dma_start3A_301] : memref<2x128xi32, #tpu.memory_space<vmem>> -> memref<1x128xi32, #tpu.memory_space<vmem>>
      %dma_start3A_303 = tpu.memref_squeeze %dma_start3A_302 : memref<1x128xi32, #tpu.memory_space<vmem>> -> memref<128xi32, #tpu.memory_space<vmem>>
      %dma_start3A_304 = arith.constant 0 : i32
      %dma_start3A_305 = tpu.memref_slice %arg23[%dma_start3A_304] : memref<10240xf32, #tpu.memory_space<vmem_shared>> -> memref<10240xf32, #tpu.memory_space<vmem_shared>>
      tpu.enqueue_indirect_dma source(%arg21 : memref<128xf32, #tpu.memory_space<vmem>>) target(%dma_start3A_305 : memref<10240xf32, #tpu.memory_space<vmem_shared>>) offsets(%dma_start3A_303 : memref<128xi32, #tpu.memory_space<vmem>>) semaphore(%arg24 : memref<!tpu.dma_semaphore, #tpu.memory_space<semaphore_mem>>) {add = true}
      %dma_wait3A_306 = arith.constant 1 : i32
      %dma_wait3A_307 = arith.constant 0 : i32
      %dma_wait3A_308 = tpu.memref_slice %arg9[%dma_wait3A_306, %dma_wait3A_307] : memref<2x128xi32, #tpu.memory_space<vmem>> -> memref<1x128xi32, #tpu.memory_space<vmem>>
      %dma_wait3A_309 = tpu.memref_squeeze %dma_wait3A_308 : memref<1x128xi32, #tpu.memory_space<vmem>> -> memref<128xi32, #tpu.memory_space<vmem>>
      %dma_wait3A_310 = arith.constant 0 : i32
      %dma_wait3A_311 = arith.constant 0 : i32
      %dma_wait3A_312 = tpu.memref_slice %arg13[%dma_wait3A_310, %dma_wait3A_311] : memref<10240x128xf32, #tpu.memory_space<vmem_shared>> -> memref<10240x128xf32, #tpu.memory_space<vmem_shared>>
      tpu.wait_indirect_dma semaphore(%arg20 : memref<!tpu.dma_semaphore, #tpu.memory_space<semaphore_mem>>) src(%arg11 : memref<128x128xf32, #tpu.memory_space<vmem>>) dst(%dma_wait3A_312 : memref<10240x128xf32, #tpu.memory_space<vmem_shared>>)
      %dma_wait3A_313 = arith.constant 1 : i32
      %dma_wait3A_314 = arith.constant 0 : i32
      %dma_wait3A_315 = tpu.memref_slice %arg9[%dma_wait3A_313, %dma_wait3A_314] : memref<2x128xi32, #tpu.memory_space<vmem>> -> memref<1x128xi32, #tpu.memory_space<vmem>>
      %dma_wait3A_316 = tpu.memref_squeeze %dma_wait3A_315 : memref<1x128xi32, #tpu.memory_space<vmem>> -> memref<128xi32, #tpu.memory_space<vmem>>
      %dma_wait3A_317 = arith.constant 0 : i32
      %dma_wait3A_318 = tpu.memref_slice %arg23[%dma_wait3A_317] : memref<10240xf32, #tpu.memory_space<vmem_shared>> -> memref<10240xf32, #tpu.memory_space<vmem_shared>>
      tpu.wait_indirect_dma semaphore(%arg24 : memref<!tpu.dma_semaphore, #tpu.memory_space<semaphore_mem>>) src(%arg21 : memref<128xf32, #tpu.memory_space<vmem>>) dst(%dma_wait3A_318 : memref<10240xf32, #tpu.memory_space<vmem_shared>>)
      %add3A_319 = arith.constant 4 : i32
      %add3A_320 = arith.addi %add3A_285, %add3A_319 : i32
      %lt3A_321 = arith.cmpi slt, %add3A_320, %select_n3A : i32
      %convert_element_type3A_322 = arith.extui %lt3A_321 : i1 to i32
      %cond3A_323 = arith.constant 0 : i32
      %cond3A_324 = arith.cmpi ne, %convert_element_type3A_322, %cond3A_323 : i32
      scf.if %cond3A_324 {
        %add3A_332 = arith.addi %add3A, %add3A_285 : i32
        %add3A_333 = arith.constant 4 : i32
        %add3A_334 = arith.addi %add3A_332, %add3A_333 : i32
        %dma_start3A_335 = arith.constant 0 : i32
        %dma_start3A_336 = arith.constant 0 : i32
        %dma_start3A_337 = tpu.memref_slice %arg3[%add3A_334, %dma_start3A_335, %dma_start3A_336] : memref<2560x2x128xi32, #tpu.memory_space<hbm>> -> memref<1x2x128xi32, #tpu.memory_space<hbm>>
        %dma_start3A_338 = tpu.memref_squeeze %dma_start3A_337 : memref<1x2x128xi32, #tpu.memory_space<hbm>> -> memref<2x128xi32, #tpu.memory_space<hbm>>
        %dma_start3A_339 = arith.constant 0 : i32
        %dma_start3A_340 = arith.constant 0 : i32
        %dma_start3A_341 = tpu.memref_slice %arg3[%add3A_334, %dma_start3A_339, %dma_start3A_340] : memref<2560x2x128xi32, #tpu.memory_space<hbm>> -> memref<1x2x128xi32, #tpu.memory_space<hbm>>
        %dma_start3A_342 = tpu.memref_squeeze %dma_start3A_341 : memref<1x2x128xi32, #tpu.memory_space<hbm>> -> memref<2x128xi32, #tpu.memory_space<hbm>>
        tpu.enqueue_dma source(%dma_start3A_342 : memref<2x128xi32, #tpu.memory_space<hbm>>) target(%arg9 : memref<2x128xi32, #tpu.memory_space<vmem>>) target_semaphore(%arg17 : memref<!tpu.dma_semaphore, #tpu.memory_space<semaphore_mem>>)
      } else {
      }
      %add3A_325 = arith.constant 2 : i32
      %add3A_326 = arith.addi %add3A_285, %add3A_325 : i32
      %lt3A_327 = arith.cmpi slt, %add3A_326, %select_n3A : i32
      %convert_element_type3A_328 = arith.extui %lt3A_327 : i1 to i32
      %cond3A_329 = arith.constant 0 : i32
      %cond3A_330 = arith.cmpi ne, %convert_element_type3A_328, %cond3A_329 : i32
      scf.if %cond3A_330 {
        %add3A_332 = arith.addi %add3A, %add3A_285 : i32
        %add3A_333 = arith.constant 2 : i32
        %add3A_334 = arith.addi %add3A_332, %add3A_333 : i32
        %dma_wait3A_335 = arith.constant 0 : i32
        %dma_wait3A_336 = arith.constant 0 : i32
        %dma_wait3A_337 = tpu.memref_slice %arg3[%add3A_334, %dma_wait3A_335, %dma_wait3A_336] : memref<2560x2x128xi32, #tpu.memory_space<hbm>> -> memref<1x2x128xi32, #tpu.memory_space<hbm>>
        %dma_wait3A_338 = tpu.memref_squeeze %dma_wait3A_337 : memref<1x2x128xi32, #tpu.memory_space<hbm>> -> memref<2x128xi32, #tpu.memory_space<hbm>>
        %dma_wait3A_339 = arith.constant 0 : i32
        %dma_wait3A_340 = arith.constant 0 : i32
        %dma_wait3A_341 = tpu.memref_slice %arg3[%add3A_334, %dma_wait3A_339, %dma_wait3A_340] : memref<2560x2x128xi32, #tpu.memory_space<hbm>> -> memref<1x2x128xi32, #tpu.memory_space<hbm>>
        %dma_wait3A_342 = tpu.memref_squeeze %dma_wait3A_341 : memref<1x2x128xi32, #tpu.memory_space<hbm>> -> memref<2x128xi32, #tpu.memory_space<hbm>>
        tpu.wait_dma2 semaphore(%arg15 : memref<!tpu.dma_semaphore, #tpu.memory_space<semaphore_mem>>) src(%dma_wait3A_342 : memref<2x128xi32, #tpu.memory_space<hbm>>) dst(%arg7 : memref<2x128xi32, #tpu.memory_space<vmem>>)
        %dma_start3A_343 = arith.constant 0 : i32
        %dma_start3A_344 = arith.constant 0 : i32
        %dma_start3A_345 = tpu.memref_slice %arg7[%dma_start3A_343, %dma_start3A_344] : memref<2x128xi32, #tpu.memory_space<vmem>> -> memref<1x128xi32, #tpu.memory_space<vmem>>
        %dma_start3A_346 = tpu.memref_squeeze %dma_start3A_345 : memref<1x128xi32, #tpu.memory_space<vmem>> -> memref<128xi32, #tpu.memory_space<vmem>>
        %dma_start3A_347 = arith.constant 0 : i32
        %dma_start3A_348 = arith.constant 0 : i32
        %dma_start3A_349 = tpu.memref_slice %arg2[%dma_start3A_347, %dma_start3A_348] : memref<10000x128xf32, #tpu.memory_space<hbm>> -> memref<10000x128xf32, #tpu.memory_space<hbm>>
        tpu.enqueue_indirect_dma source(%dma_start3A_349 : memref<10000x128xf32, #tpu.memory_space<hbm>>) target(%arg11 : memref<128x128xf32, #tpu.memory_space<vmem>>) offsets(%dma_start3A_346 : memref<128xi32, #tpu.memory_space<vmem>>) semaphore(%arg19 : memref<!tpu.dma_semaphore, #tpu.memory_space<semaphore_mem>>)
      } else {
      }
      %while3A_331 = arith.constant 0 : i32
      scf.yield %while3A_331 : i32
    }
    %barrier3A_127 = arith.constant 0 : index
    tpu.barrier barrier_id(%barrier3A_127)
    %mul3A_128 = arith.constant 640 : i32
    %mul3A_129 = arith.muli %arg1, %mul3A_128 : i32
    %mul3A_130 = arith.constant 640 : i32
    %mul3A_131 = arith.muli %arg1, %mul3A_130 : i32
    "tpu.region"() ({
      %run_scoped3A = tpu.sem_alloc : memref<!tpu.dma_semaphore, #tpu.memory_space<semaphore_mem>>
      %dma_start3A_136 = arith.constant 0 : i32
      %dma_start3A_137 = tpu.memref_slice %arg4[%arg0, %mul3A_131, %dma_start3A_136] : memref<2x10240x128xf32, #tpu.memory_space<hbm>> -> memref<1x640x128xf32, #tpu.memory_space<hbm>>
      %dma_start3A_138 = tpu.memref_squeeze %dma_start3A_137 : memref<1x640x128xf32, #tpu.memory_space<hbm>> -> memref<640x128xf32, #tpu.memory_space<hbm>>
      %dma_start3A_139 = arith.constant 0 : i32
      %dma_start3A_140 = tpu.memref_slice %arg13[%mul3A_129, %dma_start3A_139] : memref<10240x128xf32, #tpu.memory_space<vmem_shared>> -> memref<640x128xf32, #tpu.memory_space<vmem_shared>>
      tpu.enqueue_dma source(%dma_start3A_140 : memref<640x128xf32, #tpu.memory_space<vmem_shared>>) target(%dma_start3A_138 : memref<640x128xf32, #tpu.memory_space<hbm>>) target_semaphore(%run_scoped3A : memref<!tpu.dma_semaphore, #tpu.memory_space<semaphore_mem>>)
      %dma_wait3A_141 = arith.constant 0 : i32
      %dma_wait3A_142 = tpu.memref_slice %arg4[%arg0, %mul3A_131, %dma_wait3A_141] : memref<2x10240x128xf32, #tpu.memory_space<hbm>> -> memref<1x640x128xf32, #tpu.memory_space<hbm>>
      %dma_wait3A_143 = tpu.memref_squeeze %dma_wait3A_142 : memref<1x640x128xf32, #tpu.memory_space<hbm>> -> memref<640x128xf32, #tpu.memory_space<hbm>>
      %dma_wait3A_144 = arith.constant 0 : i32
      %dma_wait3A_145 = tpu.memref_slice %arg13[%mul3A_129, %dma_wait3A_144] : memref<10240x128xf32, #tpu.memory_space<vmem_shared>> -> memref<640x128xf32, #tpu.memory_space<vmem_shared>>
      tpu.wait_dma2 semaphore(%run_scoped3A : memref<!tpu.dma_semaphore, #tpu.memory_space<semaphore_mem>>) src(%dma_wait3A_145 : memref<640x128xf32, #tpu.memory_space<vmem_shared>>) dst(%dma_wait3A_143 : memref<640x128xf32, #tpu.memory_space<hbm>>)
      tpu.yield
    }) : () -> ()
    %mul3A_132 = arith.constant 640 : i32
    %mul3A_133 = arith.muli %arg1, %mul3A_132 : i32
    %mul3A_134 = arith.constant 640 : i32
    %mul3A_135 = arith.muli %arg1, %mul3A_134 : i32
    "tpu.region"() ({
      %run_scoped3A = tpu.sem_alloc : memref<!tpu.dma_semaphore, #tpu.memory_space<semaphore_mem>>
      %dma_start3A_136 = tpu.memref_slice %arg5[%arg0, %mul3A_135] : memref<2x10240xf32, #tpu.memory_space<hbm>> -> memref<1x640xf32, #tpu.memory_space<hbm>>
      %dma_start3A_137 = tpu.memref_squeeze %dma_start3A_136 : memref<1x640xf32, #tpu.memory_space<hbm>> -> memref<640xf32, #tpu.memory_space<hbm>>
      %dma_start3A_138 = tpu.memref_slice %arg23[%mul3A_133] : memref<10240xf32, #tpu.memory_space<vmem_shared>> -> memref<640xf32, #tpu.memory_space<vmem_shared>>
      tpu.enqueue_dma source(%dma_start3A_138 : memref<640xf32, #tpu.memory_space<vmem_shared>>) target(%dma_start3A_137 : memref<640xf32, #tpu.memory_space<hbm>>) target_semaphore(%run_scoped3A : memref<!tpu.dma_semaphore, #tpu.memory_space<semaphore_mem>>)
      %dma_wait3A_139 = tpu.memref_slice %arg5[%arg0, %mul3A_135] : memref<2x10240xf32, #tpu.memory_space<hbm>> -> memref<1x640xf32, #tpu.memory_space<hbm>>
      %dma_wait3A_140 = tpu.memref_squeeze %dma_wait3A_139 : memref<1x640xf32, #tpu.memory_space<hbm>> -> memref<640xf32, #tpu.memory_space<hbm>>
      %dma_wait3A_141 = tpu.memref_slice %arg23[%mul3A_133] : memref<10240xf32, #tpu.memory_space<vmem_shared>> -> memref<640xf32, #tpu.memory_space<vmem_shared>>
      tpu.wait_dma2 semaphore(%run_scoped3A : memref<!tpu.dma_semaphore, #tpu.memory_space<semaphore_mem>>) src(%dma_wait3A_141 : memref<640xf32, #tpu.memory_space<vmem_shared>>) dst(%dma_wait3A_140 : memref<640xf32, #tpu.memory_space<hbm>>)
      tpu.yield
    }) : () -> ()
    return
  }
}

#map = affine_map<(d0, d1) -> (0, 0)>
#map1 = affine_map<(d0, d1) -> (0, 0, 0)>
module attributes {stable_mosaic.version = 14 : i64} {
  func.func @body(%arg0: i32, %arg1: i32, %arg2: memref<10240x128xf32, #tpu.memory_space<hbm>>, %arg3: memref<2560x2x128xi32, #tpu.memory_space<hbm>>, %arg4: memref<2x10240x128xf32, #tpu.memory_space<hbm>>, %arg5: memref<2x128xi32, #tpu.memory_space<vmem>>, %arg6: memref<2x128xi32, #tpu.memory_space<vmem>>, %arg7: memref<2x128xi32, #tpu.memory_space<vmem>>, %arg8: memref<2x128xi32, #tpu.memory_space<vmem>>, %arg9: memref<128x128xf32, #tpu.memory_space<vmem>>, %arg10: memref<128x128xf32, #tpu.memory_space<vmem>>, %arg11: memref<16x128xf32, #tpu.memory_space<vmem>>, %arg12: memref<10240x128xf32, #tpu.memory_space<vmem_shared>>, %arg13: memref<!tpu.dma_semaphore, #tpu.memory_space<semaphore_mem>>, %arg14: memref<!tpu.dma_semaphore, #tpu.memory_space<semaphore_mem>>, %arg15: memref<!tpu.dma_semaphore, #tpu.memory_space<semaphore_mem>>, %arg16: memref<!tpu.dma_semaphore, #tpu.memory_space<semaphore_mem>>, %arg17: memref<!tpu.dma_semaphore, #tpu.memory_space<semaphore_mem>>, %arg18: memref<!tpu.dma_semaphore, #tpu.memory_space<semaphore_mem>>, %arg19: memref<!tpu.dma_semaphore, #tpu.memory_space<semaphore_mem>>) attributes {dimension_semantics = [#tpu.dimension_semantics<core_parallel>, #tpu.dimension_semantics<subcore_parallel>], iteration_bounds = array<i64: 2, 16>, scalar_prefetch = 0 : i64, scratch_operands = 15 : i64, tpu.core_type = #tpu.core_type<sc_vector_subcore>, window_params = [{transform_indices = #map}, {transform_indices = #map1}, {transform_indices = #map1}]} {
    %eq3A = arith.constant 0 : i32
    %eq3A_0 = arith.cmpi eq, %arg0, %eq3A : i32
    %jit3A = arith.constant 120 : i32
    %jit3A_1 = arith.constant 40 : i32
    %select_n3A = arith.select %eq3A_0, %jit3A, %jit3A_1 : i32
    %mul3A = arith.constant 16 : i32
    %mul3A_2 = arith.muli %arg0, %mul3A : i32
    %mul3A_3 = arith.constant 120 : i32
    %mul3A_4 = arith.muli %mul3A_2, %mul3A_3 : i32
    %mul3A_5 = arith.muli %arg1, %select_n3A : i32
    %add3A = arith.addi %mul3A_4, %mul3A_5 : i32
    %scan3A = arith.constant 0 : i32
    %scan3A_6 = arith.constant 0 : i32
    %scan3A_7 = arith.constant 128 : i32
    %scan3A_8 = arith.addi %scan3A_6, %scan3A_7 : i32
    %scan3A_9 = arith.constant 1 : i32
    %scan3A_10 = scf.for %scan3A_125 = %scan3A_6 to %scan3A_8 step %scan3A_9 iter_args(%scan3A_126 = %scan3A) -> (i32)  : i32 {
      %jit3A_127 = arith.constant 8 : i32
      %div3A_128 = arith.divsi %scan3A_125, %jit3A_127 : i32
      %sign3A_129 = arith.constant 0 : i32
      %sign3A_130 = arith.cmpi sgt, %scan3A_125, %sign3A_129 : i32
      %sign3A_131 = arith.extui %sign3A_130 : i1 to i32
      %sign3A_132 = arith.constant 0 : i32
      %sign3A_133 = arith.cmpi slt, %scan3A_125, %sign3A_132 : i32
      %sign3A_134 = arith.extui %sign3A_133 : i1 to i32
      %sign3A_135 = arith.subi %sign3A_131, %sign3A_134 : i32
      %sign3A_136 = arith.constant 0 : i32
      %sign3A_137 = arith.cmpi sgt, %jit3A_127, %sign3A_136 : i32
      %sign3A_138 = arith.extui %sign3A_137 : i1 to i32
      %sign3A_139 = arith.constant 0 : i32
      %sign3A_140 = arith.cmpi slt, %jit3A_127, %sign3A_139 : i32
      %sign3A_141 = arith.extui %sign3A_140 : i1 to i32
      %sign3A_142 = arith.subi %sign3A_138, %sign3A_141 : i32
      %ne3A_143 = arith.cmpi ne, %sign3A_135, %sign3A_142 : i32
      %rem3A_144 = arith.remsi %scan3A_125, %jit3A_127 : i32
      %ne3A_145 = arith.constant 0 : i32
      %ne3A_146 = arith.cmpi ne, %rem3A_144, %ne3A_145 : i32
      %and3A_147 = arith.andi %ne3A_143, %ne3A_146 : i1
      %sub3A_148 = arith.constant 1 : i32
      %sub3A_149 = arith.subi %div3A_128, %sub3A_148 : i32
      %select_n3A_150 = arith.select %and3A_147, %sub3A_149, %div3A_128 : i32
      %jit3A_151 = arith.constant 8 : i32
      %eq3A_152 = arith.constant 0 : i32
      %eq3A_153 = arith.cmpi eq, %jit3A_151, %eq3A_152 : i32
      %jit3A_154 = arith.constant 1 : i32
      %select_n3A_155 = arith.select %eq3A_153, %jit3A_154, %jit3A_151 : i32
      %rem3A_156 = arith.remsi %scan3A_125, %select_n3A_155 : i32
      %ne3A_157 = arith.constant 0 : i32
      %ne3A_158 = arith.cmpi ne, %rem3A_156, %ne3A_157 : i32
      %lt3A = arith.constant 0 : i32
      %lt3A_159 = arith.cmpi slt, %rem3A_156, %lt3A : i32
      %lt3A_160 = arith.constant 0 : i32
      %lt3A_161 = arith.cmpi slt, %select_n3A_155, %lt3A_160 : i32
      %ne3A_162 = arith.xori %lt3A_159, %lt3A_161 : i1
      %and3A_163 = arith.andi %ne3A_162, %ne3A_158 : i1
      %add3A_164 = arith.addi %rem3A_156, %select_n3A_155 : i32
      %select_n3A_165 = arith.select %and3A_163, %add3A_164, %rem3A_156 : i32
      %mul3A_166 = arith.constant 16 : i32
      %mul3A_167 = arith.muli %select_n3A_165, %mul3A_166 : i32
      %broadcast_in_dim3A = arith.constant 0.000000e+00 : f32
      %broadcast_in_dim3A_168 = vector.broadcast %broadcast_in_dim3A : f32 to vector<16xf32>
      %swap3A = arith.index_cast %select_n3A_150 : i32 to index
      %swap3A_169 = arith.index_cast %mul3A_167 : i32 to index
      %swap3A_170 = tpu.vector_load %arg11[%swap3A, %swap3A_169] {strides = array<i32>} : memref<16x128xf32, #tpu.memory_space<vmem>>, vector<1x16xf32>,
      %swap3A_171 = vector.shape_cast %swap3A_170 : vector<1x16xf32> to vector<16xf32>
      %swap3A_172 = vector.shape_cast %broadcast_in_dim3A_168 : vector<16xf32> to vector<1x16xf32>
      tpu.vector_store %arg11[%swap3A, %swap3A_169], %swap3A_172 {strides = array<i32>} : memref<16x128xf32, #tpu.memory_space<vmem>>, vector<1x16xf32>,
      %scan3A_173 = arith.constant 0 : i32
      scf.yield %scan3A_173 : i32
    }
    %scan3A_11 = arith.constant 128 : i32
    %add3A_12 = arith.constant 0 : i32
    %add3A_13 = arith.addi %add3A, %add3A_12 : i32
    %dma_start3A = arith.constant 0 : i32
    %dma_start3A_14 = arith.constant 0 : i32
    %dma_start3A_15 = tpu.memref_slice %arg3[%add3A_13, %dma_start3A, %dma_start3A_14] : memref<2560x2x128xi32, #tpu.memory_space<hbm>> -> memref<1x2x128xi32, #tpu.memory_space<hbm>>
    %dma_start3A_16 = tpu.memref_squeeze %dma_start3A_15 : memref<1x2x128xi32, #tpu.memory_space<hbm>> -> memref<2x128xi32, #tpu.memory_space<hbm>>
    %dma_start3A_17 = arith.constant 0 : i32
    %dma_start3A_18 = arith.constant 0 : i32
    %dma_start3A_19 = tpu.memref_slice %arg3[%add3A_13, %dma_start3A_17, %dma_start3A_18] : memref<2560x2x128xi32, #tpu.memory_space<hbm>> -> memref<1x2x128xi32, #tpu.memory_space<hbm>>
    %dma_start3A_20 = tpu.memref_squeeze %dma_start3A_19 : memref<1x2x128xi32, #tpu.memory_space<hbm>> -> memref<2x128xi32, #tpu.memory_space<hbm>>
    tpu.enqueue_dma source(%dma_start3A_20 : memref<2x128xi32, #tpu.memory_space<hbm>>) target(%arg5 : memref<2x128xi32, #tpu.memory_space<vmem>>) target_semaphore(%arg13 : memref<!tpu.dma_semaphore, #tpu.memory_space<semaphore_mem>>)
    %add3A_21 = arith.constant 1 : i32
    %add3A_22 = arith.addi %add3A, %add3A_21 : i32
    %dma_start3A_23 = arith.constant 0 : i32
    %dma_start3A_24 = arith.constant 0 : i32
    %dma_start3A_25 = tpu.memref_slice %arg3[%add3A_22, %dma_start3A_23, %dma_start3A_24] : memref<2560x2x128xi32, #tpu.memory_space<hbm>> -> memref<1x2x128xi32, #tpu.memory_space<hbm>>
    %dma_start3A_26 = tpu.memref_squeeze %dma_start3A_25 : memref<1x2x128xi32, #tpu.memory_space<hbm>> -> memref<2x128xi32, #tpu.memory_space<hbm>>
    %dma_start3A_27 = arith.constant 0 : i32
    %dma_start3A_28 = arith.constant 0 : i32
    %dma_start3A_29 = tpu.memref_slice %arg3[%add3A_22, %dma_start3A_27, %dma_start3A_28] : memref<2560x2x128xi32, #tpu.memory_space<hbm>> -> memref<1x2x128xi32, #tpu.memory_space<hbm>>
    %dma_start3A_30 = tpu.memref_squeeze %dma_start3A_29 : memref<1x2x128xi32, #tpu.memory_space<hbm>> -> memref<2x128xi32, #tpu.memory_space<hbm>>
    tpu.enqueue_dma source(%dma_start3A_30 : memref<2x128xi32, #tpu.memory_space<hbm>>) target(%arg6 : memref<2x128xi32, #tpu.memory_space<vmem>>) target_semaphore(%arg14 : memref<!tpu.dma_semaphore, #tpu.memory_space<semaphore_mem>>)
    %add3A_31 = arith.constant 2 : i32
    %add3A_32 = arith.addi %add3A, %add3A_31 : i32
    %dma_start3A_33 = arith.constant 0 : i32
    %dma_start3A_34 = arith.constant 0 : i32
    %dma_start3A_35 = tpu.memref_slice %arg3[%add3A_32, %dma_start3A_33, %dma_start3A_34] : memref<2560x2x128xi32, #tpu.memory_space<hbm>> -> memref<1x2x128xi32, #tpu.memory_space<hbm>>
    %dma_start3A_36 = tpu.memref_squeeze %dma_start3A_35 : memref<1x2x128xi32, #tpu.memory_space<hbm>> -> memref<2x128xi32, #tpu.memory_space<hbm>>
    %dma_start3A_37 = arith.constant 0 : i32
    %dma_start3A_38 = arith.constant 0 : i32
    %dma_start3A_39 = tpu.memref_slice %arg3[%add3A_32, %dma_start3A_37, %dma_start3A_38] : memref<2560x2x128xi32, #tpu.memory_space<hbm>> -> memref<1x2x128xi32, #tpu.memory_space<hbm>>
    %dma_start3A_40 = tpu.memref_squeeze %dma_start3A_39 : memref<1x2x128xi32, #tpu.memory_space<hbm>> -> memref<2x128xi32, #tpu.memory_space<hbm>>
    tpu.enqueue_dma source(%dma_start3A_40 : memref<2x128xi32, #tpu.memory_space<hbm>>) target(%arg7 : memref<2x128xi32, #tpu.memory_space<vmem>>) target_semaphore(%arg15 : memref<!tpu.dma_semaphore, #tpu.memory_space<semaphore_mem>>)
    %add3A_41 = arith.constant 3 : i32
    %add3A_42 = arith.addi %add3A, %add3A_41 : i32
    %dma_start3A_43 = arith.constant 0 : i32
    %dma_start3A_44 = arith.constant 0 : i32
    %dma_start3A_45 = tpu.memref_slice %arg3[%add3A_42, %dma_start3A_43, %dma_start3A_44] : memref<2560x2x128xi32, #tpu.memory_space<hbm>> -> memref<1x2x128xi32, #tpu.memory_space<hbm>>
    %dma_start3A_46 = tpu.memref_squeeze %dma_start3A_45 : memref<1x2x128xi32, #tpu.memory_space<hbm>> -> memref<2x128xi32, #tpu.memory_space<hbm>>
    %dma_start3A_47 = arith.constant 0 : i32
    %dma_start3A_48 = arith.constant 0 : i32
    %dma_start3A_49 = tpu.memref_slice %arg3[%add3A_42, %dma_start3A_47, %dma_start3A_48] : memref<2560x2x128xi32, #tpu.memory_space<hbm>> -> memref<1x2x128xi32, #tpu.memory_space<hbm>>
    %dma_start3A_50 = tpu.memref_squeeze %dma_start3A_49 : memref<1x2x128xi32, #tpu.memory_space<hbm>> -> memref<2x128xi32, #tpu.memory_space<hbm>>
    tpu.enqueue_dma source(%dma_start3A_50 : memref<2x128xi32, #tpu.memory_space<hbm>>) target(%arg8 : memref<2x128xi32, #tpu.memory_space<vmem>>) target_semaphore(%arg16 : memref<!tpu.dma_semaphore, #tpu.memory_space<semaphore_mem>>)
    %add3A_51 = arith.constant 0 : i32
    %add3A_52 = arith.addi %add3A, %add3A_51 : i32
    %dma_wait3A = arith.constant 0 : i32
    %dma_wait3A_53 = arith.constant 0 : i32
    %dma_wait3A_54 = tpu.memref_slice %arg3[%add3A_52, %dma_wait3A, %dma_wait3A_53] : memref<2560x2x128xi32, #tpu.memory_space<hbm>> -> memref<1x2x128xi32, #tpu.memory_space<hbm>>
    %dma_wait3A_55 = tpu.memref_squeeze %dma_wait3A_54 : memref<1x2x128xi32, #tpu.memory_space<hbm>> -> memref<2x128xi32, #tpu.memory_space<hbm>>
    %dma_wait3A_56 = arith.constant 0 : i32
    %dma_wait3A_57 = arith.constant 0 : i32
    %dma_wait3A_58 = tpu.memref_slice %arg3[%add3A_52, %dma_wait3A_56, %dma_wait3A_57] : memref<2560x2x128xi32, #tpu.memory_space<hbm>> -> memref<1x2x128xi32, #tpu.memory_space<hbm>>
    %dma_wait3A_59 = tpu.memref_squeeze %dma_wait3A_58 : memref<1x2x128xi32, #tpu.memory_space<hbm>> -> memref<2x128xi32, #tpu.memory_space<hbm>>
    tpu.wait_dma2 semaphore(%arg13 : memref<!tpu.dma_semaphore, #tpu.memory_space<semaphore_mem>>) src(%dma_wait3A_59 : memref<2x128xi32, #tpu.memory_space<hbm>>) dst(%arg5 : memref<2x128xi32, #tpu.memory_space<vmem>>)
    %dma_start3A_60 = arith.constant 0 : i32
    %dma_start3A_61 = arith.constant 0 : i32
    %dma_start3A_62 = tpu.memref_slice %arg5[%dma_start3A_60, %dma_start3A_61] : memref<2x128xi32, #tpu.memory_space<vmem>> -> memref<1x128xi32, #tpu.memory_space<vmem>>
    %dma_start3A_63 = tpu.memref_squeeze %dma_start3A_62 : memref<1x128xi32, #tpu.memory_space<vmem>> -> memref<128xi32, #tpu.memory_space<vmem>>
    %dma_start3A_64 = arith.constant 0 : i32
    %dma_start3A_65 = arith.constant 0 : i32
    %dma_start3A_66 = tpu.memref_slice %arg2[%dma_start3A_64, %dma_start3A_65] : memref<10240x128xf32, #tpu.memory_space<hbm>> -> memref<10240x128xf32, #tpu.memory_space<hbm>>
    tpu.enqueue_indirect_dma source(%dma_start3A_66 : memref<10240x128xf32, #tpu.memory_space<hbm>>) target(%arg9 : memref<128x128xf32, #tpu.memory_space<vmem>>) offsets(%dma_start3A_63 : memref<128xi32, #tpu.memory_space<vmem>>) semaphore(%arg17 : memref<!tpu.dma_semaphore, #tpu.memory_space<semaphore_mem>>)
    %add3A_67 = arith.constant 1 : i32
    %add3A_68 = arith.addi %add3A, %add3A_67 : i32
    %dma_wait3A_69 = arith.constant 0 : i32
    %dma_wait3A_70 = arith.constant 0 : i32
    %dma_wait3A_71 = tpu.memref_slice %arg3[%add3A_68, %dma_wait3A_69, %dma_wait3A_70] : memref<2560x2x128xi32, #tpu.memory_space<hbm>> -> memref<1x2x128xi32, #tpu.memory_space<hbm>>
    %dma_wait3A_72 = tpu.memref_squeeze %dma_wait3A_71 : memref<1x2x128xi32, #tpu.memory_space<hbm>> -> memref<2x128xi32, #tpu.memory_space<hbm>>
    %dma_wait3A_73 = arith.constant 0 : i32
    %dma_wait3A_74 = arith.constant 0 : i32
    %dma_wait3A_75 = tpu.memref_slice %arg3[%add3A_68, %dma_wait3A_73, %dma_wait3A_74] : memref<2560x2x128xi32, #tpu.memory_space<hbm>> -> memref<1x2x128xi32, #tpu.memory_space<hbm>>
    %dma_wait3A_76 = tpu.memref_squeeze %dma_wait3A_75 : memref<1x2x128xi32, #tpu.memory_space<hbm>> -> memref<2x128xi32, #tpu.memory_space<hbm>>
    tpu.wait_dma2 semaphore(%arg14 : memref<!tpu.dma_semaphore, #tpu.memory_space<semaphore_mem>>) src(%dma_wait3A_76 : memref<2x128xi32, #tpu.memory_space<hbm>>) dst(%arg6 : memref<2x128xi32, #tpu.memory_space<vmem>>)
    %dma_start3A_77 = arith.constant 0 : i32
    %dma_start3A_78 = arith.constant 0 : i32
    %dma_start3A_79 = tpu.memref_slice %arg6[%dma_start3A_77, %dma_start3A_78] : memref<2x128xi32, #tpu.memory_space<vmem>> -> memref<1x128xi32, #tpu.memory_space<vmem>>
    %dma_start3A_80 = tpu.memref_squeeze %dma_start3A_79 : memref<1x128xi32, #tpu.memory_space<vmem>> -> memref<128xi32, #tpu.memory_space<vmem>>
    %dma_start3A_81 = arith.constant 0 : i32
    %dma_start3A_82 = arith.constant 0 : i32
    %dma_start3A_83 = tpu.memref_slice %arg2[%dma_start3A_81, %dma_start3A_82] : memref<10240x128xf32, #tpu.memory_space<hbm>> -> memref<10240x128xf32, #tpu.memory_space<hbm>>
    tpu.enqueue_indirect_dma source(%dma_start3A_83 : memref<10240x128xf32, #tpu.memory_space<hbm>>) target(%arg10 : memref<128x128xf32, #tpu.memory_space<vmem>>) offsets(%dma_start3A_80 : memref<128xi32, #tpu.memory_space<vmem>>) semaphore(%arg18 : memref<!tpu.dma_semaphore, #tpu.memory_space<semaphore_mem>>)
    %scan3A_84 = arith.constant 0 : i32
    %scan3A_85 = arith.constant 0 : i32
    %scan3A_86 = arith.constant 40 : i32
    %scan3A_87 = arith.addi %scan3A_85, %scan3A_86 : i32
    %scan3A_88 = arith.constant 1 : i32
    %scan3A_89 = scf.for %scan3A_125 = %scan3A_85 to %scan3A_87 step %scan3A_88 iter_args(%scan3A_126 = %scan3A_84) -> (i32)  : i32 {
      %mul3A_127 = arith.constant 640 : i32
      %mul3A_128 = arith.muli %arg1, %mul3A_127 : i32
      %mul3A_129 = arith.constant 16 : i32
      %mul3A_130 = arith.muli %scan3A_125, %mul3A_129 : i32
      %add3A_131 = arith.addi %mul3A_128, %mul3A_130 : i32
      "tpu.region"() ({
        %run_scoped3A = tpu.sem_alloc : memref<!tpu.dma_semaphore, #tpu.memory_space<semaphore_mem>>
        %dma_start3A_133 = arith.constant 0 : i32
        %dma_start3A_134 = tpu.memref_slice %arg12[%add3A_131, %dma_start3A_133] : memref<10240x128xf32, #tpu.memory_space<vmem_shared>> -> memref<16x128xf32, #tpu.memory_space<vmem_shared>>
        %dma_start3A_135 = arith.constant 0 : i32
        %dma_start3A_136 = tpu.memref_slice %arg12[%add3A_131, %dma_start3A_135] : memref<10240x128xf32, #tpu.memory_space<vmem_shared>> -> memref<16x128xf32, #tpu.memory_space<vmem_shared>>
        tpu.enqueue_dma source(%arg11 : memref<16x128xf32, #tpu.memory_space<vmem>>) target(%dma_start3A_136 : memref<16x128xf32, #tpu.memory_space<vmem_shared>>) target_semaphore(%run_scoped3A : memref<!tpu.dma_semaphore, #tpu.memory_space<semaphore_mem>>)
        %dma_wait3A_137 = arith.constant 0 : i32
        %dma_wait3A_138 = tpu.memref_slice %arg12[%add3A_131, %dma_wait3A_137] : memref<10240x128xf32, #tpu.memory_space<vmem_shared>> -> memref<16x128xf32, #tpu.memory_space<vmem_shared>>
        %dma_wait3A_139 = arith.constant 0 : i32
        %dma_wait3A_140 = tpu.memref_slice %arg12[%add3A_131, %dma_wait3A_139] : memref<10240x128xf32, #tpu.memory_space<vmem_shared>> -> memref<16x128xf32, #tpu.memory_space<vmem_shared>>
        tpu.wait_dma2 semaphore(%run_scoped3A : memref<!tpu.dma_semaphore, #tpu.memory_space<semaphore_mem>>) src(%arg11 : memref<16x128xf32, #tpu.memory_space<vmem>>) dst(%dma_wait3A_140 : memref<16x128xf32, #tpu.memory_space<vmem_shared>>)
        tpu.yield
      }) : () -> ()
      %scan3A_132 = arith.constant 0 : i32
      scf.yield %scan3A_132 : i32
    }
    %scan3A_90 = arith.constant 40 : i32
    %barrier3A = arith.constant 0 : index
    tpu.barrier barrier_id(%barrier3A)
    %jit3A_91 = arith.constant 4 : i32
    %div3A = arith.divsi %select_n3A, %jit3A_91 : i32
    %sign3A = arith.constant 0 : i32
    %sign3A_92 = arith.cmpi sgt, %select_n3A, %sign3A : i32
    %sign3A_93 = arith.extui %sign3A_92 : i1 to i32
    %sign3A_94 = arith.constant 0 : i32
    %sign3A_95 = arith.cmpi slt, %select_n3A, %sign3A_94 : i32
    %sign3A_96 = arith.extui %sign3A_95 : i1 to i32
    %sign3A_97 = arith.subi %sign3A_93, %sign3A_96 : i32
    %sign3A_98 = arith.constant 0 : i32
    %sign3A_99 = arith.cmpi sgt, %jit3A_91, %sign3A_98 : i32
    %sign3A_100 = arith.extui %sign3A_99 : i1 to i32
    %sign3A_101 = arith.constant 0 : i32
    %sign3A_102 = arith.cmpi slt, %jit3A_91, %sign3A_101 : i32
    %sign3A_103 = arith.extui %sign3A_102 : i1 to i32
    %sign3A_104 = arith.subi %sign3A_100, %sign3A_103 : i32
    %ne3A = arith.cmpi ne, %sign3A_97, %sign3A_104 : i32
    %rem3A = arith.remsi %select_n3A, %jit3A_91 : i32
    %ne3A_105 = arith.constant 0 : i32
    %ne3A_106 = arith.cmpi ne, %rem3A, %ne3A_105 : i32
    %and3A = arith.andi %ne3A, %ne3A_106 : i1
    %sub3A = arith.constant 1 : i32
    %sub3A_107 = arith.subi %div3A, %sub3A : i32
    %select_n3A_108 = arith.select %and3A, %sub3A_107, %div3A : i32
    %while3A = arith.constant 0 : i32
    %while3A_109 = arith.constant 0 : i32
    %while3A_110 = arith.subi %select_n3A_108, %while3A : i32
    %while3A_111 = arith.addi %while3A, %while3A_110 : i32
    %while3A_112 = arith.constant 1 : i32
    %while3A_113 = arith.divsi %while3A_110, %while3A_112 : i32
    %while3A_114 = arith.muli %while3A_113, %while3A_112 : i32
    %while3A_115 = arith.addi %while3A, %while3A_114 : i32
    %while3A_116 = arith.constant 1 : i32
    %while3A_117 = scf.for %while3A_125 = %while3A to %while3A_115 step %while3A_116 iter_args(%while3A_126 = %while3A_109) -> (i32)  : i32 {
      %mul3A_127 = arith.constant 4 : i32
      %mul3A_128 = arith.muli %mul3A_127, %while3A_125 : i32
      %add3A_129 = arith.constant 0 : i32
      %add3A_130 = arith.addi %mul3A_128, %add3A_129 : i32
      %dma_wait3A_131 = arith.constant 0 : i32
      %dma_wait3A_132 = arith.constant 0 : i32
      %dma_wait3A_133 = tpu.memref_slice %arg5[%dma_wait3A_131, %dma_wait3A_132] : memref<2x128xi32, #tpu.memory_space<vmem>> -> memref<1x128xi32, #tpu.memory_space<vmem>>
      %dma_wait3A_134 = tpu.memref_squeeze %dma_wait3A_133 : memref<1x128xi32, #tpu.memory_space<vmem>> -> memref<128xi32, #tpu.memory_space<vmem>>
      %dma_wait3A_135 = arith.constant 0 : i32
      %dma_wait3A_136 = arith.constant 0 : i32
      %dma_wait3A_137 = tpu.memref_slice %arg2[%dma_wait3A_135, %dma_wait3A_136] : memref<10240x128xf32, #tpu.memory_space<hbm>> -> memref<10240x128xf32, #tpu.memory_space<hbm>>
      tpu.wait_indirect_dma semaphore(%arg17 : memref<!tpu.dma_semaphore, #tpu.memory_space<semaphore_mem>>) src(%dma_wait3A_137 : memref<10240x128xf32, #tpu.memory_space<hbm>>) dst(%arg9 : memref<128x128xf32, #tpu.memory_space<vmem>>)
      %dma_start3A_138 = arith.constant 1 : i32
      %dma_start3A_139 = arith.constant 0 : i32
      %dma_start3A_140 = tpu.memref_slice %arg5[%dma_start3A_138, %dma_start3A_139] : memref<2x128xi32, #tpu.memory_space<vmem>> -> memref<1x128xi32, #tpu.memory_space<vmem>>
      %dma_start3A_141 = tpu.memref_squeeze %dma_start3A_140 : memref<1x128xi32, #tpu.memory_space<vmem>> -> memref<128xi32, #tpu.memory_space<vmem>>
      %dma_start3A_142 = arith.constant 0 : i32
      %dma_start3A_143 = arith.constant 0 : i32
      %dma_start3A_144 = tpu.memref_slice %arg12[%dma_start3A_142, %dma_start3A_143] : memref<10240x128xf32, #tpu.memory_space<vmem_shared>> -> memref<10240x128xf32, #tpu.memory_space<vmem_shared>>
      tpu.enqueue_indirect_dma source(%arg9 : memref<128x128xf32, #tpu.memory_space<vmem>>) target(%dma_start3A_144 : memref<10240x128xf32, #tpu.memory_space<vmem_shared>>) offsets(%dma_start3A_141 : memref<128xi32, #tpu.memory_space<vmem>>) semaphore(%arg19 : memref<!tpu.dma_semaphore, #tpu.memory_space<semaphore_mem>>) {add = true}
      %dma_wait3A_145 = arith.constant 1 : i32
      %dma_wait3A_146 = arith.constant 0 : i32
      %dma_wait3A_147 = tpu.memref_slice %arg5[%dma_wait3A_145, %dma_wait3A_146] : memref<2x128xi32, #tpu.memory_space<vmem>> -> memref<1x128xi32, #tpu.memory_space<vmem>>
      %dma_wait3A_148 = tpu.memref_squeeze %dma_wait3A_147 : memref<1x128xi32, #tpu.memory_space<vmem>> -> memref<128xi32, #tpu.memory_space<vmem>>
      %dma_wait3A_149 = arith.constant 0 : i32
      %dma_wait3A_150 = arith.constant 0 : i32
      %dma_wait3A_151 = tpu.memref_slice %arg12[%dma_wait3A_149, %dma_wait3A_150] : memref<10240x128xf32, #tpu.memory_space<vmem_shared>> -> memref<10240x128xf32, #tpu.memory_space<vmem_shared>>
      tpu.wait_indirect_dma semaphore(%arg19 : memref<!tpu.dma_semaphore, #tpu.memory_space<semaphore_mem>>) src(%arg9 : memref<128x128xf32, #tpu.memory_space<vmem>>) dst(%dma_wait3A_151 : memref<10240x128xf32, #tpu.memory_space<vmem_shared>>)
      %add3A_152 = arith.constant 4 : i32
      %add3A_153 = arith.addi %add3A_130, %add3A_152 : i32
      %lt3A = arith.cmpi slt, %add3A_153, %select_n3A : i32
      %convert_element_type3A = arith.extui %lt3A : i1 to i32
      %cond3A = arith.constant 0 : i32
      %cond3A_154 = arith.cmpi ne, %convert_element_type3A, %cond3A : i32
      scf.if %cond3A_154 {
        %add3A_273 = arith.addi %add3A, %add3A_130 : i32
        %add3A_274 = arith.constant 4 : i32
        %add3A_275 = arith.addi %add3A_273, %add3A_274 : i32
        %dma_start3A_276 = arith.constant 0 : i32
        %dma_start3A_277 = arith.constant 0 : i32
        %dma_start3A_278 = tpu.memref_slice %arg3[%add3A_275, %dma_start3A_276, %dma_start3A_277] : memref<2560x2x128xi32, #tpu.memory_space<hbm>> -> memref<1x2x128xi32, #tpu.memory_space<hbm>>
        %dma_start3A_279 = tpu.memref_squeeze %dma_start3A_278 : memref<1x2x128xi32, #tpu.memory_space<hbm>> -> memref<2x128xi32, #tpu.memory_space<hbm>>
        %dma_start3A_280 = arith.constant 0 : i32
        %dma_start3A_281 = arith.constant 0 : i32
        %dma_start3A_282 = tpu.memref_slice %arg3[%add3A_275, %dma_start3A_280, %dma_start3A_281] : memref<2560x2x128xi32, #tpu.memory_space<hbm>> -> memref<1x2x128xi32, #tpu.memory_space<hbm>>
        %dma_start3A_283 = tpu.memref_squeeze %dma_start3A_282 : memref<1x2x128xi32, #tpu.memory_space<hbm>> -> memref<2x128xi32, #tpu.memory_space<hbm>>
        tpu.enqueue_dma source(%dma_start3A_283 : memref<2x128xi32, #tpu.memory_space<hbm>>) target(%arg5 : memref<2x128xi32, #tpu.memory_space<vmem>>) target_semaphore(%arg13 : memref<!tpu.dma_semaphore, #tpu.memory_space<semaphore_mem>>)
      } else {
      }
      %add3A_155 = arith.constant 2 : i32
      %add3A_156 = arith.addi %add3A_130, %add3A_155 : i32
      %lt3A_157 = arith.cmpi slt, %add3A_156, %select_n3A : i32
      %convert_element_type3A_158 = arith.extui %lt3A_157 : i1 to i32
      %cond3A_159 = arith.constant 0 : i32
      %cond3A_160 = arith.cmpi ne, %convert_element_type3A_158, %cond3A_159 : i32
      scf.if %cond3A_160 {
        %add3A_273 = arith.addi %add3A, %add3A_130 : i32
        %add3A_274 = arith.constant 2 : i32
        %add3A_275 = arith.addi %add3A_273, %add3A_274 : i32
        %dma_wait3A_276 = arith.constant 0 : i32
        %dma_wait3A_277 = arith.constant 0 : i32
        %dma_wait3A_278 = tpu.memref_slice %arg3[%add3A_275, %dma_wait3A_276, %dma_wait3A_277] : memref<2560x2x128xi32, #tpu.memory_space<hbm>> -> memref<1x2x128xi32, #tpu.memory_space<hbm>>
        %dma_wait3A_279 = tpu.memref_squeeze %dma_wait3A_278 : memref<1x2x128xi32, #tpu.memory_space<hbm>> -> memref<2x128xi32, #tpu.memory_space<hbm>>
        %dma_wait3A_280 = arith.constant 0 : i32
        %dma_wait3A_281 = arith.constant 0 : i32
        %dma_wait3A_282 = tpu.memref_slice %arg3[%add3A_275, %dma_wait3A_280, %dma_wait3A_281] : memref<2560x2x128xi32, #tpu.memory_space<hbm>> -> memref<1x2x128xi32, #tpu.memory_space<hbm>>
        %dma_wait3A_283 = tpu.memref_squeeze %dma_wait3A_282 : memref<1x2x128xi32, #tpu.memory_space<hbm>> -> memref<2x128xi32, #tpu.memory_space<hbm>>
        tpu.wait_dma2 semaphore(%arg15 : memref<!tpu.dma_semaphore, #tpu.memory_space<semaphore_mem>>) src(%dma_wait3A_283 : memref<2x128xi32, #tpu.memory_space<hbm>>) dst(%arg7 : memref<2x128xi32, #tpu.memory_space<vmem>>)
        %dma_start3A_284 = arith.constant 0 : i32
        %dma_start3A_285 = arith.constant 0 : i32
        %dma_start3A_286 = tpu.memref_slice %arg7[%dma_start3A_284, %dma_start3A_285] : memref<2x128xi32, #tpu.memory_space<vmem>> -> memref<1x128xi32, #tpu.memory_space<vmem>>
        %dma_start3A_287 = tpu.memref_squeeze %dma_start3A_286 : memref<1x128xi32, #tpu.memory_space<vmem>> -> memref<128xi32, #tpu.memory_space<vmem>>
        %dma_start3A_288 = arith.constant 0 : i32
        %dma_start3A_289 = arith.constant 0 : i32
        %dma_start3A_290 = tpu.memref_slice %arg2[%dma_start3A_288, %dma_start3A_289] : memref<10240x128xf32, #tpu.memory_space<hbm>> -> memref<10240x128xf32, #tpu.memory_space<hbm>>
        tpu.enqueue_indirect_dma source(%dma_start3A_290 : memref<10240x128xf32, #tpu.memory_space<hbm>>) target(%arg9 : memref<128x128xf32, #tpu.memory_space<vmem>>) offsets(%dma_start3A_287 : memref<128xi32, #tpu.memory_space<vmem>>) semaphore(%arg17 : memref<!tpu.dma_semaphore, #tpu.memory_space<semaphore_mem>>)
      } else {
      }
      %mul3A_161 = arith.constant 4 : i32
      %mul3A_162 = arith.muli %mul3A_161, %while3A_125 : i32
      %add3A_163 = arith.constant 1 : i32
      %add3A_164 = arith.addi %mul3A_162, %add3A_163 : i32
      %dma_wait3A_165 = arith.constant 0 : i32
      %dma_wait3A_166 = arith.constant 0 : i32
      %dma_wait3A_167 = tpu.memref_slice %arg6[%dma_wait3A_165, %dma_wait3A_166] : memref<2x128xi32, #tpu.memory_space<vmem>> -> memref<1x128xi32, #tpu.memory_space<vmem>>
      %dma_wait3A_168 = tpu.memref_squeeze %dma_wait3A_167 : memref<1x128xi32, #tpu.memory_space<vmem>> -> memref<128xi32, #tpu.memory_space<vmem>>
      %dma_wait3A_169 = arith.constant 0 : i32
      %dma_wait3A_170 = arith.constant 0 : i32
      %dma_wait3A_171 = tpu.memref_slice %arg2[%dma_wait3A_169, %dma_wait3A_170] : memref<10240x128xf32, #tpu.memory_space<hbm>> -> memref<10240x128xf32, #tpu.memory_space<hbm>>
      tpu.wait_indirect_dma semaphore(%arg18 : memref<!tpu.dma_semaphore, #tpu.memory_space<semaphore_mem>>) src(%dma_wait3A_171 : memref<10240x128xf32, #tpu.memory_space<hbm>>) dst(%arg10 : memref<128x128xf32, #tpu.memory_space<vmem>>)
      %dma_start3A_172 = arith.constant 1 : i32
      %dma_start3A_173 = arith.constant 0 : i32
      %dma_start3A_174 = tpu.memref_slice %arg6[%dma_start3A_172, %dma_start3A_173] : memref<2x128xi32, #tpu.memory_space<vmem>> -> memref<1x128xi32, #tpu.memory_space<vmem>>
      %dma_start3A_175 = tpu.memref_squeeze %dma_start3A_174 : memref<1x128xi32, #tpu.memory_space<vmem>> -> memref<128xi32, #tpu.memory_space<vmem>>
      %dma_start3A_176 = arith.constant 0 : i32
      %dma_start3A_177 = arith.constant 0 : i32
      %dma_start3A_178 = tpu.memref_slice %arg12[%dma_start3A_176, %dma_start3A_177] : memref<10240x128xf32, #tpu.memory_space<vmem_shared>> -> memref<10240x128xf32, #tpu.memory_space<vmem_shared>>
      tpu.enqueue_indirect_dma source(%arg10 : memref<128x128xf32, #tpu.memory_space<vmem>>) target(%dma_start3A_178 : memref<10240x128xf32, #tpu.memory_space<vmem_shared>>) offsets(%dma_start3A_175 : memref<128xi32, #tpu.memory_space<vmem>>) semaphore(%arg19 : memref<!tpu.dma_semaphore, #tpu.memory_space<semaphore_mem>>) {add = true}
      %dma_wait3A_179 = arith.constant 1 : i32
      %dma_wait3A_180 = arith.constant 0 : i32
      %dma_wait3A_181 = tpu.memref_slice %arg6[%dma_wait3A_179, %dma_wait3A_180] : memref<2x128xi32, #tpu.memory_space<vmem>> -> memref<1x128xi32, #tpu.memory_space<vmem>>
      %dma_wait3A_182 = tpu.memref_squeeze %dma_wait3A_181 : memref<1x128xi32, #tpu.memory_space<vmem>> -> memref<128xi32, #tpu.memory_space<vmem>>
      %dma_wait3A_183 = arith.constant 0 : i32
      %dma_wait3A_184 = arith.constant 0 : i32
      %dma_wait3A_185 = tpu.memref_slice %arg12[%dma_wait3A_183, %dma_wait3A_184] : memref<10240x128xf32, #tpu.memory_space<vmem_shared>> -> memref<10240x128xf32, #tpu.memory_space<vmem_shared>>
      tpu.wait_indirect_dma semaphore(%arg19 : memref<!tpu.dma_semaphore, #tpu.memory_space<semaphore_mem>>) src(%arg10 : memref<128x128xf32, #tpu.memory_space<vmem>>) dst(%dma_wait3A_185 : memref<10240x128xf32, #tpu.memory_space<vmem_shared>>)
      %add3A_186 = arith.constant 4 : i32
      %add3A_187 = arith.addi %add3A_164, %add3A_186 : i32
      %lt3A_188 = arith.cmpi slt, %add3A_187, %select_n3A : i32
      %convert_element_type3A_189 = arith.extui %lt3A_188 : i1 to i32
      %cond3A_190 = arith.constant 0 : i32
      %cond3A_191 = arith.cmpi ne, %convert_element_type3A_189, %cond3A_190 : i32
      scf.if %cond3A_191 {
        %add3A_273 = arith.addi %add3A, %add3A_164 : i32
        %add3A_274 = arith.constant 4 : i32
        %add3A_275 = arith.addi %add3A_273, %add3A_274 : i32
        %dma_start3A_276 = arith.constant 0 : i32
        %dma_start3A_277 = arith.constant 0 : i32
        %dma_start3A_278 = tpu.memref_slice %arg3[%add3A_275, %dma_start3A_276, %dma_start3A_277] : memref<2560x2x128xi32, #tpu.memory_space<hbm>> -> memref<1x2x128xi32, #tpu.memory_space<hbm>>
        %dma_start3A_279 = tpu.memref_squeeze %dma_start3A_278 : memref<1x2x128xi32, #tpu.memory_space<hbm>> -> memref<2x128xi32, #tpu.memory_space<hbm>>
        %dma_start3A_280 = arith.constant 0 : i32
        %dma_start3A_281 = arith.constant 0 : i32
        %dma_start3A_282 = tpu.memref_slice %arg3[%add3A_275, %dma_start3A_280, %dma_start3A_281] : memref<2560x2x128xi32, #tpu.memory_space<hbm>> -> memref<1x2x128xi32, #tpu.memory_space<hbm>>
        %dma_start3A_283 = tpu.memref_squeeze %dma_start3A_282 : memref<1x2x128xi32, #tpu.memory_space<hbm>> -> memref<2x128xi32, #tpu.memory_space<hbm>>
        tpu.enqueue_dma source(%dma_start3A_283 : memref<2x128xi32, #tpu.memory_space<hbm>>) target(%arg6 : memref<2x128xi32, #tpu.memory_space<vmem>>) target_semaphore(%arg14 : memref<!tpu.dma_semaphore, #tpu.memory_space<semaphore_mem>>)
      } else {
      }
      %add3A_192 = arith.constant 2 : i32
      %add3A_193 = arith.addi %add3A_164, %add3A_192 : i32
      %lt3A_194 = arith.cmpi slt, %add3A_193, %select_n3A : i32
      %convert_element_type3A_195 = arith.extui %lt3A_194 : i1 to i32
      %cond3A_196 = arith.constant 0 : i32
      %cond3A_197 = arith.cmpi ne, %convert_element_type3A_195, %cond3A_196 : i32
      scf.if %cond3A_197 {
        %add3A_273 = arith.addi %add3A, %add3A_164 : i32
        %add3A_274 = arith.constant 2 : i32
        %add3A_275 = arith.addi %add3A_273, %add3A_274 : i32
        %dma_wait3A_276 = arith.constant 0 : i32
        %dma_wait3A_277 = arith.constant 0 : i32
        %dma_wait3A_278 = tpu.memref_slice %arg3[%add3A_275, %dma_wait3A_276, %dma_wait3A_277] : memref<2560x2x128xi32, #tpu.memory_space<hbm>> -> memref<1x2x128xi32, #tpu.memory_space<hbm>>
        %dma_wait3A_279 = tpu.memref_squeeze %dma_wait3A_278 : memref<1x2x128xi32, #tpu.memory_space<hbm>> -> memref<2x128xi32, #tpu.memory_space<hbm>>
        %dma_wait3A_280 = arith.constant 0 : i32
        %dma_wait3A_281 = arith.constant 0 : i32
        %dma_wait3A_282 = tpu.memref_slice %arg3[%add3A_275, %dma_wait3A_280, %dma_wait3A_281] : memref<2560x2x128xi32, #tpu.memory_space<hbm>> -> memref<1x2x128xi32, #tpu.memory_space<hbm>>
        %dma_wait3A_283 = tpu.memref_squeeze %dma_wait3A_282 : memref<1x2x128xi32, #tpu.memory_space<hbm>> -> memref<2x128xi32, #tpu.memory_space<hbm>>
        tpu.wait_dma2 semaphore(%arg16 : memref<!tpu.dma_semaphore, #tpu.memory_space<semaphore_mem>>) src(%dma_wait3A_283 : memref<2x128xi32, #tpu.memory_space<hbm>>) dst(%arg8 : memref<2x128xi32, #tpu.memory_space<vmem>>)
        %dma_start3A_284 = arith.constant 0 : i32
        %dma_start3A_285 = arith.constant 0 : i32
        %dma_start3A_286 = tpu.memref_slice %arg8[%dma_start3A_284, %dma_start3A_285] : memref<2x128xi32, #tpu.memory_space<vmem>> -> memref<1x128xi32, #tpu.memory_space<vmem>>
        %dma_start3A_287 = tpu.memref_squeeze %dma_start3A_286 : memref<1x128xi32, #tpu.memory_space<vmem>> -> memref<128xi32, #tpu.memory_space<vmem>>
        %dma_start3A_288 = arith.constant 0 : i32
        %dma_start3A_289 = arith.constant 0 : i32
        %dma_start3A_290 = tpu.memref_slice %arg2[%dma_start3A_288, %dma_start3A_289] : memref<10240x128xf32, #tpu.memory_space<hbm>> -> memref<10240x128xf32, #tpu.memory_space<hbm>>
        tpu.enqueue_indirect_dma source(%dma_start3A_290 : memref<10240x128xf32, #tpu.memory_space<hbm>>) target(%arg10 : memref<128x128xf32, #tpu.memory_space<vmem>>) offsets(%dma_start3A_287 : memref<128xi32, #tpu.memory_space<vmem>>) semaphore(%arg18 : memref<!tpu.dma_semaphore, #tpu.memory_space<semaphore_mem>>)
      } else {
      }
      %mul3A_198 = arith.constant 4 : i32
      %mul3A_199 = arith.muli %mul3A_198, %while3A_125 : i32
      %add3A_200 = arith.constant 2 : i32
      %add3A_201 = arith.addi %mul3A_199, %add3A_200 : i32
      %dma_wait3A_202 = arith.constant 0 : i32
      %dma_wait3A_203 = arith.constant 0 : i32
      %dma_wait3A_204 = tpu.memref_slice %arg7[%dma_wait3A_202, %dma_wait3A_203] : memref<2x128xi32, #tpu.memory_space<vmem>> -> memref<1x128xi32, #tpu.memory_space<vmem>>
      %dma_wait3A_205 = tpu.memref_squeeze %dma_wait3A_204 : memref<1x128xi32, #tpu.memory_space<vmem>> -> memref<128xi32, #tpu.memory_space<vmem>>
      %dma_wait3A_206 = arith.constant 0 : i32
      %dma_wait3A_207 = arith.constant 0 : i32
      %dma_wait3A_208 = tpu.memref_slice %arg2[%dma_wait3A_206, %dma_wait3A_207] : memref<10240x128xf32, #tpu.memory_space<hbm>> -> memref<10240x128xf32, #tpu.memory_space<hbm>>
      tpu.wait_indirect_dma semaphore(%arg17 : memref<!tpu.dma_semaphore, #tpu.memory_space<semaphore_mem>>) src(%dma_wait3A_208 : memref<10240x128xf32, #tpu.memory_space<hbm>>) dst(%arg9 : memref<128x128xf32, #tpu.memory_space<vmem>>)
      %dma_start3A_209 = arith.constant 1 : i32
      %dma_start3A_210 = arith.constant 0 : i32
      %dma_start3A_211 = tpu.memref_slice %arg7[%dma_start3A_209, %dma_start3A_210] : memref<2x128xi32, #tpu.memory_space<vmem>> -> memref<1x128xi32, #tpu.memory_space<vmem>>
      %dma_start3A_212 = tpu.memref_squeeze %dma_start3A_211 : memref<1x128xi32, #tpu.memory_space<vmem>> -> memref<128xi32, #tpu.memory_space<vmem>>
      %dma_start3A_213 = arith.constant 0 : i32
      %dma_start3A_214 = arith.constant 0 : i32
      %dma_start3A_215 = tpu.memref_slice %arg12[%dma_start3A_213, %dma_start3A_214] : memref<10240x128xf32, #tpu.memory_space<vmem_shared>> -> memref<10240x128xf32, #tpu.memory_space<vmem_shared>>
      tpu.enqueue_indirect_dma source(%arg9 : memref<128x128xf32, #tpu.memory_space<vmem>>) target(%dma_start3A_215 : memref<10240x128xf32, #tpu.memory_space<vmem_shared>>) offsets(%dma_start3A_212 : memref<128xi32, #tpu.memory_space<vmem>>) semaphore(%arg19 : memref<!tpu.dma_semaphore, #tpu.memory_space<semaphore_mem>>) {add = true}
      %dma_wait3A_216 = arith.constant 1 : i32
      %dma_wait3A_217 = arith.constant 0 : i32
      %dma_wait3A_218 = tpu.memref_slice %arg7[%dma_wait3A_216, %dma_wait3A_217] : memref<2x128xi32, #tpu.memory_space<vmem>> -> memref<1x128xi32, #tpu.memory_space<vmem>>
      %dma_wait3A_219 = tpu.memref_squeeze %dma_wait3A_218 : memref<1x128xi32, #tpu.memory_space<vmem>> -> memref<128xi32, #tpu.memory_space<vmem>>
      %dma_wait3A_220 = arith.constant 0 : i32
      %dma_wait3A_221 = arith.constant 0 : i32
      %dma_wait3A_222 = tpu.memref_slice %arg12[%dma_wait3A_220, %dma_wait3A_221] : memref<10240x128xf32, #tpu.memory_space<vmem_shared>> -> memref<10240x128xf32, #tpu.memory_space<vmem_shared>>
      tpu.wait_indirect_dma semaphore(%arg19 : memref<!tpu.dma_semaphore, #tpu.memory_space<semaphore_mem>>) src(%arg9 : memref<128x128xf32, #tpu.memory_space<vmem>>) dst(%dma_wait3A_222 : memref<10240x128xf32, #tpu.memory_space<vmem_shared>>)
      %add3A_223 = arith.constant 4 : i32
      %add3A_224 = arith.addi %add3A_201, %add3A_223 : i32
      %lt3A_225 = arith.cmpi slt, %add3A_224, %select_n3A : i32
      %convert_element_type3A_226 = arith.extui %lt3A_225 : i1 to i32
      %cond3A_227 = arith.constant 0 : i32
      %cond3A_228 = arith.cmpi ne, %convert_element_type3A_226, %cond3A_227 : i32
      scf.if %cond3A_228 {
        %add3A_273 = arith.addi %add3A, %add3A_201 : i32
        %add3A_274 = arith.constant 4 : i32
        %add3A_275 = arith.addi %add3A_273, %add3A_274 : i32
        %dma_start3A_276 = arith.constant 0 : i32
        %dma_start3A_277 = arith.constant 0 : i32
        %dma_start3A_278 = tpu.memref_slice %arg3[%add3A_275, %dma_start3A_276, %dma_start3A_277] : memref<2560x2x128xi32, #tpu.memory_space<hbm>> -> memref<1x2x128xi32, #tpu.memory_space<hbm>>
        %dma_start3A_279 = tpu.memref_squeeze %dma_start3A_278 : memref<1x2x128xi32, #tpu.memory_space<hbm>> -> memref<2x128xi32, #tpu.memory_space<hbm>>
        %dma_start3A_280 = arith.constant 0 : i32
        %dma_start3A_281 = arith.constant 0 : i32
        %dma_start3A_282 = tpu.memref_slice %arg3[%add3A_275, %dma_start3A_280, %dma_start3A_281] : memref<2560x2x128xi32, #tpu.memory_space<hbm>> -> memref<1x2x128xi32, #tpu.memory_space<hbm>>
        %dma_start3A_283 = tpu.memref_squeeze %dma_start3A_282 : memref<1x2x128xi32, #tpu.memory_space<hbm>> -> memref<2x128xi32, #tpu.memory_space<hbm>>
        tpu.enqueue_dma source(%dma_start3A_283 : memref<2x128xi32, #tpu.memory_space<hbm>>) target(%arg7 : memref<2x128xi32, #tpu.memory_space<vmem>>) target_semaphore(%arg15 : memref<!tpu.dma_semaphore, #tpu.memory_space<semaphore_mem>>)
      } else {
      }
      %add3A_229 = arith.constant 2 : i32
      %add3A_230 = arith.addi %add3A_201, %add3A_229 : i32
      %lt3A_231 = arith.cmpi slt, %add3A_230, %select_n3A : i32
      %convert_element_type3A_232 = arith.extui %lt3A_231 : i1 to i32
      %cond3A_233 = arith.constant 0 : i32
      %cond3A_234 = arith.cmpi ne, %convert_element_type3A_232, %cond3A_233 : i32
      scf.if %cond3A_234 {
        %add3A_273 = arith.addi %add3A, %add3A_201 : i32
        %add3A_274 = arith.constant 2 : i32
        %add3A_275 = arith.addi %add3A_273, %add3A_274 : i32
        %dma_wait3A_276 = arith.constant 0 : i32
        %dma_wait3A_277 = arith.constant 0 : i32
        %dma_wait3A_278 = tpu.memref_slice %arg3[%add3A_275, %dma_wait3A_276, %dma_wait3A_277] : memref<2560x2x128xi32, #tpu.memory_space<hbm>> -> memref<1x2x128xi32, #tpu.memory_space<hbm>>
        %dma_wait3A_279 = tpu.memref_squeeze %dma_wait3A_278 : memref<1x2x128xi32, #tpu.memory_space<hbm>> -> memref<2x128xi32, #tpu.memory_space<hbm>>
        %dma_wait3A_280 = arith.constant 0 : i32
        %dma_wait3A_281 = arith.constant 0 : i32
        %dma_wait3A_282 = tpu.memref_slice %arg3[%add3A_275, %dma_wait3A_280, %dma_wait3A_281] : memref<2560x2x128xi32, #tpu.memory_space<hbm>> -> memref<1x2x128xi32, #tpu.memory_space<hbm>>
        %dma_wait3A_283 = tpu.memref_squeeze %dma_wait3A_282 : memref<1x2x128xi32, #tpu.memory_space<hbm>> -> memref<2x128xi32, #tpu.memory_space<hbm>>
        tpu.wait_dma2 semaphore(%arg13 : memref<!tpu.dma_semaphore, #tpu.memory_space<semaphore_mem>>) src(%dma_wait3A_283 : memref<2x128xi32, #tpu.memory_space<hbm>>) dst(%arg5 : memref<2x128xi32, #tpu.memory_space<vmem>>)
        %dma_start3A_284 = arith.constant 0 : i32
        %dma_start3A_285 = arith.constant 0 : i32
        %dma_start3A_286 = tpu.memref_slice %arg5[%dma_start3A_284, %dma_start3A_285] : memref<2x128xi32, #tpu.memory_space<vmem>> -> memref<1x128xi32, #tpu.memory_space<vmem>>
        %dma_start3A_287 = tpu.memref_squeeze %dma_start3A_286 : memref<1x128xi32, #tpu.memory_space<vmem>> -> memref<128xi32, #tpu.memory_space<vmem>>
        %dma_start3A_288 = arith.constant 0 : i32
        %dma_start3A_289 = arith.constant 0 : i32
        %dma_start3A_290 = tpu.memref_slice %arg2[%dma_start3A_288, %dma_start3A_289] : memref<10240x128xf32, #tpu.memory_space<hbm>> -> memref<10240x128xf32, #tpu.memory_space<hbm>>
        tpu.enqueue_indirect_dma source(%dma_start3A_290 : memref<10240x128xf32, #tpu.memory_space<hbm>>) target(%arg9 : memref<128x128xf32, #tpu.memory_space<vmem>>) offsets(%dma_start3A_287 : memref<128xi32, #tpu.memory_space<vmem>>) semaphore(%arg17 : memref<!tpu.dma_semaphore, #tpu.memory_space<semaphore_mem>>)
      } else {
      }
      %mul3A_235 = arith.constant 4 : i32
      %mul3A_236 = arith.muli %mul3A_235, %while3A_125 : i32
      %add3A_237 = arith.constant 3 : i32
      %add3A_238 = arith.addi %mul3A_236, %add3A_237 : i32
      %dma_wait3A_239 = arith.constant 0 : i32
      %dma_wait3A_240 = arith.constant 0 : i32
      %dma_wait3A_241 = tpu.memref_slice %arg8[%dma_wait3A_239, %dma_wait3A_240] : memref<2x128xi32, #tpu.memory_space<vmem>> -> memref<1x128xi32, #tpu.memory_space<vmem>>
      %dma_wait3A_242 = tpu.memref_squeeze %dma_wait3A_241 : memref<1x128xi32, #tpu.memory_space<vmem>> -> memref<128xi32, #tpu.memory_space<vmem>>
      %dma_wait3A_243 = arith.constant 0 : i32
      %dma_wait3A_244 = arith.constant 0 : i32
      %dma_wait3A_245 = tpu.memref_slice %arg2[%dma_wait3A_243, %dma_wait3A_244] : memref<10240x128xf32, #tpu.memory_space<hbm>> -> memref<10240x128xf32, #tpu.memory_space<hbm>>
      tpu.wait_indirect_dma semaphore(%arg18 : memref<!tpu.dma_semaphore, #tpu.memory_space<semaphore_mem>>) src(%dma_wait3A_245 : memref<10240x128xf32, #tpu.memory_space<hbm>>) dst(%arg10 : memref<128x128xf32, #tpu.memory_space<vmem>>)
      %dma_start3A_246 = arith.constant 1 : i32
      %dma_start3A_247 = arith.constant 0 : i32
      %dma_start3A_248 = tpu.memref_slice %arg8[%dma_start3A_246, %dma_start3A_247] : memref<2x128xi32, #tpu.memory_space<vmem>> -> memref<1x128xi32, #tpu.memory_space<vmem>>
      %dma_start3A_249 = tpu.memref_squeeze %dma_start3A_248 : memref<1x128xi32, #tpu.memory_space<vmem>> -> memref<128xi32, #tpu.memory_space<vmem>>
      %dma_start3A_250 = arith.constant 0 : i32
      %dma_start3A_251 = arith.constant 0 : i32
      %dma_start3A_252 = tpu.memref_slice %arg12[%dma_start3A_250, %dma_start3A_251] : memref<10240x128xf32, #tpu.memory_space<vmem_shared>> -> memref<10240x128xf32, #tpu.memory_space<vmem_shared>>
      tpu.enqueue_indirect_dma source(%arg10 : memref<128x128xf32, #tpu.memory_space<vmem>>) target(%dma_start3A_252 : memref<10240x128xf32, #tpu.memory_space<vmem_shared>>) offsets(%dma_start3A_249 : memref<128xi32, #tpu.memory_space<vmem>>) semaphore(%arg19 : memref<!tpu.dma_semaphore, #tpu.memory_space<semaphore_mem>>) {add = true}
      %dma_wait3A_253 = arith.constant 1 : i32
      %dma_wait3A_254 = arith.constant 0 : i32
      %dma_wait3A_255 = tpu.memref_slice %arg8[%dma_wait3A_253, %dma_wait3A_254] : memref<2x128xi32, #tpu.memory_space<vmem>> -> memref<1x128xi32, #tpu.memory_space<vmem>>
      %dma_wait3A_256 = tpu.memref_squeeze %dma_wait3A_255 : memref<1x128xi32, #tpu.memory_space<vmem>> -> memref<128xi32, #tpu.memory_space<vmem>>
      %dma_wait3A_257 = arith.constant 0 : i32
      %dma_wait3A_258 = arith.constant 0 : i32
      %dma_wait3A_259 = tpu.memref_slice %arg12[%dma_wait3A_257, %dma_wait3A_258] : memref<10240x128xf32, #tpu.memory_space<vmem_shared>> -> memref<10240x128xf32, #tpu.memory_space<vmem_shared>>
      tpu.wait_indirect_dma semaphore(%arg19 : memref<!tpu.dma_semaphore, #tpu.memory_space<semaphore_mem>>) src(%arg10 : memref<128x128xf32, #tpu.memory_space<vmem>>) dst(%dma_wait3A_259 : memref<10240x128xf32, #tpu.memory_space<vmem_shared>>)
      %add3A_260 = arith.constant 4 : i32
      %add3A_261 = arith.addi %add3A_238, %add3A_260 : i32
      %lt3A_262 = arith.cmpi slt, %add3A_261, %select_n3A : i32
      %convert_element_type3A_263 = arith.extui %lt3A_262 : i1 to i32
      %cond3A_264 = arith.constant 0 : i32
      %cond3A_265 = arith.cmpi ne, %convert_element_type3A_263, %cond3A_264 : i32
      scf.if %cond3A_265 {
        %add3A_273 = arith.addi %add3A, %add3A_238 : i32
        %add3A_274 = arith.constant 4 : i32
        %add3A_275 = arith.addi %add3A_273, %add3A_274 : i32
        %dma_start3A_276 = arith.constant 0 : i32
        %dma_start3A_277 = arith.constant 0 : i32
        %dma_start3A_278 = tpu.memref_slice %arg3[%add3A_275, %dma_start3A_276, %dma_start3A_277] : memref<2560x2x128xi32, #tpu.memory_space<hbm>> -> memref<1x2x128xi32, #tpu.memory_space<hbm>>
        %dma_start3A_279 = tpu.memref_squeeze %dma_start3A_278 : memref<1x2x128xi32, #tpu.memory_space<hbm>> -> memref<2x128xi32, #tpu.memory_space<hbm>>
        %dma_start3A_280 = arith.constant 0 : i32
        %dma_start3A_281 = arith.constant 0 : i32
        %dma_start3A_282 = tpu.memref_slice %arg3[%add3A_275, %dma_start3A_280, %dma_start3A_281] : memref<2560x2x128xi32, #tpu.memory_space<hbm>> -> memref<1x2x128xi32, #tpu.memory_space<hbm>>
        %dma_start3A_283 = tpu.memref_squeeze %dma_start3A_282 : memref<1x2x128xi32, #tpu.memory_space<hbm>> -> memref<2x128xi32, #tpu.memory_space<hbm>>
        tpu.enqueue_dma source(%dma_start3A_283 : memref<2x128xi32, #tpu.memory_space<hbm>>) target(%arg8 : memref<2x128xi32, #tpu.memory_space<vmem>>) target_semaphore(%arg16 : memref<!tpu.dma_semaphore, #tpu.memory_space<semaphore_mem>>)
      } else {
      }
      %add3A_266 = arith.constant 2 : i32
      %add3A_267 = arith.addi %add3A_238, %add3A_266 : i32
      %lt3A_268 = arith.cmpi slt, %add3A_267, %select_n3A : i32
      %convert_element_type3A_269 = arith.extui %lt3A_268 : i1 to i32
      %cond3A_270 = arith.constant 0 : i32
      %cond3A_271 = arith.cmpi ne, %convert_element_type3A_269, %cond3A_270 : i32
      scf.if %cond3A_271 {
        %add3A_273 = arith.addi %add3A, %add3A_238 : i32
        %add3A_274 = arith.constant 2 : i32
        %add3A_275 = arith.addi %add3A_273, %add3A_274 : i32
        %dma_wait3A_276 = arith.constant 0 : i32
        %dma_wait3A_277 = arith.constant 0 : i32
        %dma_wait3A_278 = tpu.memref_slice %arg3[%add3A_275, %dma_wait3A_276, %dma_wait3A_277] : memref<2560x2x128xi32, #tpu.memory_space<hbm>> -> memref<1x2x128xi32, #tpu.memory_space<hbm>>
        %dma_wait3A_279 = tpu.memref_squeeze %dma_wait3A_278 : memref<1x2x128xi32, #tpu.memory_space<hbm>> -> memref<2x128xi32, #tpu.memory_space<hbm>>
        %dma_wait3A_280 = arith.constant 0 : i32
        %dma_wait3A_281 = arith.constant 0 : i32
        %dma_wait3A_282 = tpu.memref_slice %arg3[%add3A_275, %dma_wait3A_280, %dma_wait3A_281] : memref<2560x2x128xi32, #tpu.memory_space<hbm>> -> memref<1x2x128xi32, #tpu.memory_space<hbm>>
        %dma_wait3A_283 = tpu.memref_squeeze %dma_wait3A_282 : memref<1x2x128xi32, #tpu.memory_space<hbm>> -> memref<2x128xi32, #tpu.memory_space<hbm>>
        tpu.wait_dma2 semaphore(%arg14 : memref<!tpu.dma_semaphore, #tpu.memory_space<semaphore_mem>>) src(%dma_wait3A_283 : memref<2x128xi32, #tpu.memory_space<hbm>>) dst(%arg6 : memref<2x128xi32, #tpu.memory_space<vmem>>)
        %dma_start3A_284 = arith.constant 0 : i32
        %dma_start3A_285 = arith.constant 0 : i32
        %dma_start3A_286 = tpu.memref_slice %arg6[%dma_start3A_284, %dma_start3A_285] : memref<2x128xi32, #tpu.memory_space<vmem>> -> memref<1x128xi32, #tpu.memory_space<vmem>>
        %dma_start3A_287 = tpu.memref_squeeze %dma_start3A_286 : memref<1x128xi32, #tpu.memory_space<vmem>> -> memref<128xi32, #tpu.memory_space<vmem>>
        %dma_start3A_288 = arith.constant 0 : i32
        %dma_start3A_289 = arith.constant 0 : i32
        %dma_start3A_290 = tpu.memref_slice %arg2[%dma_start3A_288, %dma_start3A_289] : memref<10240x128xf32, #tpu.memory_space<hbm>> -> memref<10240x128xf32, #tpu.memory_space<hbm>>
        tpu.enqueue_indirect_dma source(%dma_start3A_290 : memref<10240x128xf32, #tpu.memory_space<hbm>>) target(%arg10 : memref<128x128xf32, #tpu.memory_space<vmem>>) offsets(%dma_start3A_287 : memref<128xi32, #tpu.memory_space<vmem>>) semaphore(%arg18 : memref<!tpu.dma_semaphore, #tpu.memory_space<semaphore_mem>>)
      } else {
      }
      %while3A_272 = arith.constant 0 : i32
      scf.yield %while3A_272 : i32
    }
    %while3A_118 = arith.constant 1 : i32
    %while3A_119 = scf.for %while3A_125 = %while3A_115 to %while3A_111 step %while3A_118 iter_args(%while3A_126 = %while3A_117) -> (i32)  : i32 {
      %mul3A_127 = arith.constant 4 : i32
      %mul3A_128 = arith.muli %mul3A_127, %while3A_125 : i32
      %add3A_129 = arith.constant 0 : i32
      %add3A_130 = arith.addi %mul3A_128, %add3A_129 : i32
      %dma_wait3A_131 = arith.constant 0 : i32
      %dma_wait3A_132 = arith.constant 0 : i32
      %dma_wait3A_133 = tpu.memref_slice %arg5[%dma_wait3A_131, %dma_wait3A_132] : memref<2x128xi32, #tpu.memory_space<vmem>> -> memref<1x128xi32, #tpu.memory_space<vmem>>
      %dma_wait3A_134 = tpu.memref_squeeze %dma_wait3A_133 : memref<1x128xi32, #tpu.memory_space<vmem>> -> memref<128xi32, #tpu.memory_space<vmem>>
      %dma_wait3A_135 = arith.constant 0 : i32
      %dma_wait3A_136 = arith.constant 0 : i32
      %dma_wait3A_137 = tpu.memref_slice %arg2[%dma_wait3A_135, %dma_wait3A_136] : memref<10240x128xf32, #tpu.memory_space<hbm>> -> memref<10240x128xf32, #tpu.memory_space<hbm>>
      tpu.wait_indirect_dma semaphore(%arg17 : memref<!tpu.dma_semaphore, #tpu.memory_space<semaphore_mem>>) src(%dma_wait3A_137 : memref<10240x128xf32, #tpu.memory_space<hbm>>) dst(%arg9 : memref<128x128xf32, #tpu.memory_space<vmem>>)
      %dma_start3A_138 = arith.constant 1 : i32
      %dma_start3A_139 = arith.constant 0 : i32
      %dma_start3A_140 = tpu.memref_slice %arg5[%dma_start3A_138, %dma_start3A_139] : memref<2x128xi32, #tpu.memory_space<vmem>> -> memref<1x128xi32, #tpu.memory_space<vmem>>
      %dma_start3A_141 = tpu.memref_squeeze %dma_start3A_140 : memref<1x128xi32, #tpu.memory_space<vmem>> -> memref<128xi32, #tpu.memory_space<vmem>>
      %dma_start3A_142 = arith.constant 0 : i32
      %dma_start3A_143 = arith.constant 0 : i32
      %dma_start3A_144 = tpu.memref_slice %arg12[%dma_start3A_142, %dma_start3A_143] : memref<10240x128xf32, #tpu.memory_space<vmem_shared>> -> memref<10240x128xf32, #tpu.memory_space<vmem_shared>>
      tpu.enqueue_indirect_dma source(%arg9 : memref<128x128xf32, #tpu.memory_space<vmem>>) target(%dma_start3A_144 : memref<10240x128xf32, #tpu.memory_space<vmem_shared>>) offsets(%dma_start3A_141 : memref<128xi32, #tpu.memory_space<vmem>>) semaphore(%arg19 : memref<!tpu.dma_semaphore, #tpu.memory_space<semaphore_mem>>) {add = true}
      %dma_wait3A_145 = arith.constant 1 : i32
      %dma_wait3A_146 = arith.constant 0 : i32
      %dma_wait3A_147 = tpu.memref_slice %arg5[%dma_wait3A_145, %dma_wait3A_146] : memref<2x128xi32, #tpu.memory_space<vmem>> -> memref<1x128xi32, #tpu.memory_space<vmem>>
      %dma_wait3A_148 = tpu.memref_squeeze %dma_wait3A_147 : memref<1x128xi32, #tpu.memory_space<vmem>> -> memref<128xi32, #tpu.memory_space<vmem>>
      %dma_wait3A_149 = arith.constant 0 : i32
      %dma_wait3A_150 = arith.constant 0 : i32
      %dma_wait3A_151 = tpu.memref_slice %arg12[%dma_wait3A_149, %dma_wait3A_150] : memref<10240x128xf32, #tpu.memory_space<vmem_shared>> -> memref<10240x128xf32, #tpu.memory_space<vmem_shared>>
      tpu.wait_indirect_dma semaphore(%arg19 : memref<!tpu.dma_semaphore, #tpu.memory_space<semaphore_mem>>) src(%arg9 : memref<128x128xf32, #tpu.memory_space<vmem>>) dst(%dma_wait3A_151 : memref<10240x128xf32, #tpu.memory_space<vmem_shared>>)
      %add3A_152 = arith.constant 4 : i32
      %add3A_153 = arith.addi %add3A_130, %add3A_152 : i32
      %lt3A = arith.cmpi slt, %add3A_153, %select_n3A : i32
      %convert_element_type3A = arith.extui %lt3A : i1 to i32
      %cond3A = arith.constant 0 : i32
      %cond3A_154 = arith.cmpi ne, %convert_element_type3A, %cond3A : i32
      scf.if %cond3A_154 {
        %add3A_273 = arith.addi %add3A, %add3A_130 : i32
        %add3A_274 = arith.constant 4 : i32
        %add3A_275 = arith.addi %add3A_273, %add3A_274 : i32
        %dma_start3A_276 = arith.constant 0 : i32
        %dma_start3A_277 = arith.constant 0 : i32
        %dma_start3A_278 = tpu.memref_slice %arg3[%add3A_275, %dma_start3A_276, %dma_start3A_277] : memref<2560x2x128xi32, #tpu.memory_space<hbm>> -> memref<1x2x128xi32, #tpu.memory_space<hbm>>
        %dma_start3A_279 = tpu.memref_squeeze %dma_start3A_278 : memref<1x2x128xi32, #tpu.memory_space<hbm>> -> memref<2x128xi32, #tpu.memory_space<hbm>>
        %dma_start3A_280 = arith.constant 0 : i32
        %dma_start3A_281 = arith.constant 0 : i32
        %dma_start3A_282 = tpu.memref_slice %arg3[%add3A_275, %dma_start3A_280, %dma_start3A_281] : memref<2560x2x128xi32, #tpu.memory_space<hbm>> -> memref<1x2x128xi32, #tpu.memory_space<hbm>>
        %dma_start3A_283 = tpu.memref_squeeze %dma_start3A_282 : memref<1x2x128xi32, #tpu.memory_space<hbm>> -> memref<2x128xi32, #tpu.memory_space<hbm>>
        tpu.enqueue_dma source(%dma_start3A_283 : memref<2x128xi32, #tpu.memory_space<hbm>>) target(%arg5 : memref<2x128xi32, #tpu.memory_space<vmem>>) target_semaphore(%arg13 : memref<!tpu.dma_semaphore, #tpu.memory_space<semaphore_mem>>)
      } else {
      }
      %add3A_155 = arith.constant 2 : i32
      %add3A_156 = arith.addi %add3A_130, %add3A_155 : i32
      %lt3A_157 = arith.cmpi slt, %add3A_156, %select_n3A : i32
      %convert_element_type3A_158 = arith.extui %lt3A_157 : i1 to i32
      %cond3A_159 = arith.constant 0 : i32
      %cond3A_160 = arith.cmpi ne, %convert_element_type3A_158, %cond3A_159 : i32
      scf.if %cond3A_160 {
        %add3A_273 = arith.addi %add3A, %add3A_130 : i32
        %add3A_274 = arith.constant 2 : i32
        %add3A_275 = arith.addi %add3A_273, %add3A_274 : i32
        %dma_wait3A_276 = arith.constant 0 : i32
        %dma_wait3A_277 = arith.constant 0 : i32
        %dma_wait3A_278 = tpu.memref_slice %arg3[%add3A_275, %dma_wait3A_276, %dma_wait3A_277] : memref<2560x2x128xi32, #tpu.memory_space<hbm>> -> memref<1x2x128xi32, #tpu.memory_space<hbm>>
        %dma_wait3A_279 = tpu.memref_squeeze %dma_wait3A_278 : memref<1x2x128xi32, #tpu.memory_space<hbm>> -> memref<2x128xi32, #tpu.memory_space<hbm>>
        %dma_wait3A_280 = arith.constant 0 : i32
        %dma_wait3A_281 = arith.constant 0 : i32
        %dma_wait3A_282 = tpu.memref_slice %arg3[%add3A_275, %dma_wait3A_280, %dma_wait3A_281] : memref<2560x2x128xi32, #tpu.memory_space<hbm>> -> memref<1x2x128xi32, #tpu.memory_space<hbm>>
        %dma_wait3A_283 = tpu.memref_squeeze %dma_wait3A_282 : memref<1x2x128xi32, #tpu.memory_space<hbm>> -> memref<2x128xi32, #tpu.memory_space<hbm>>
        tpu.wait_dma2 semaphore(%arg15 : memref<!tpu.dma_semaphore, #tpu.memory_space<semaphore_mem>>) src(%dma_wait3A_283 : memref<2x128xi32, #tpu.memory_space<hbm>>) dst(%arg7 : memref<2x128xi32, #tpu.memory_space<vmem>>)
        %dma_start3A_284 = arith.constant 0 : i32
        %dma_start3A_285 = arith.constant 0 : i32
        %dma_start3A_286 = tpu.memref_slice %arg7[%dma_start3A_284, %dma_start3A_285] : memref<2x128xi32, #tpu.memory_space<vmem>> -> memref<1x128xi32, #tpu.memory_space<vmem>>
        %dma_start3A_287 = tpu.memref_squeeze %dma_start3A_286 : memref<1x128xi32, #tpu.memory_space<vmem>> -> memref<128xi32, #tpu.memory_space<vmem>>
        %dma_start3A_288 = arith.constant 0 : i32
        %dma_start3A_289 = arith.constant 0 : i32
        %dma_start3A_290 = tpu.memref_slice %arg2[%dma_start3A_288, %dma_start3A_289] : memref<10240x128xf32, #tpu.memory_space<hbm>> -> memref<10240x128xf32, #tpu.memory_space<hbm>>
        tpu.enqueue_indirect_dma source(%dma_start3A_290 : memref<10240x128xf32, #tpu.memory_space<hbm>>) target(%arg9 : memref<128x128xf32, #tpu.memory_space<vmem>>) offsets(%dma_start3A_287 : memref<128xi32, #tpu.memory_space<vmem>>) semaphore(%arg17 : memref<!tpu.dma_semaphore, #tpu.memory_space<semaphore_mem>>)
      } else {
      }
      %mul3A_161 = arith.constant 4 : i32
      %mul3A_162 = arith.muli %mul3A_161, %while3A_125 : i32
      %add3A_163 = arith.constant 1 : i32
      %add3A_164 = arith.addi %mul3A_162, %add3A_163 : i32
      %dma_wait3A_165 = arith.constant 0 : i32
      %dma_wait3A_166 = arith.constant 0 : i32
      %dma_wait3A_167 = tpu.memref_slice %arg6[%dma_wait3A_165, %dma_wait3A_166] : memref<2x128xi32, #tpu.memory_space<vmem>> -> memref<1x128xi32, #tpu.memory_space<vmem>>
      %dma_wait3A_168 = tpu.memref_squeeze %dma_wait3A_167 : memref<1x128xi32, #tpu.memory_space<vmem>> -> memref<128xi32, #tpu.memory_space<vmem>>
      %dma_wait3A_169 = arith.constant 0 : i32
      %dma_wait3A_170 = arith.constant 0 : i32
      %dma_wait3A_171 = tpu.memref_slice %arg2[%dma_wait3A_169, %dma_wait3A_170] : memref<10240x128xf32, #tpu.memory_space<hbm>> -> memref<10240x128xf32, #tpu.memory_space<hbm>>
      tpu.wait_indirect_dma semaphore(%arg18 : memref<!tpu.dma_semaphore, #tpu.memory_space<semaphore_mem>>) src(%dma_wait3A_171 : memref<10240x128xf32, #tpu.memory_space<hbm>>) dst(%arg10 : memref<128x128xf32, #tpu.memory_space<vmem>>)
      %dma_start3A_172 = arith.constant 1 : i32
      %dma_start3A_173 = arith.constant 0 : i32
      %dma_start3A_174 = tpu.memref_slice %arg6[%dma_start3A_172, %dma_start3A_173] : memref<2x128xi32, #tpu.memory_space<vmem>> -> memref<1x128xi32, #tpu.memory_space<vmem>>
      %dma_start3A_175 = tpu.memref_squeeze %dma_start3A_174 : memref<1x128xi32, #tpu.memory_space<vmem>> -> memref<128xi32, #tpu.memory_space<vmem>>
      %dma_start3A_176 = arith.constant 0 : i32
      %dma_start3A_177 = arith.constant 0 : i32
      %dma_start3A_178 = tpu.memref_slice %arg12[%dma_start3A_176, %dma_start3A_177] : memref<10240x128xf32, #tpu.memory_space<vmem_shared>> -> memref<10240x128xf32, #tpu.memory_space<vmem_shared>>
      tpu.enqueue_indirect_dma source(%arg10 : memref<128x128xf32, #tpu.memory_space<vmem>>) target(%dma_start3A_178 : memref<10240x128xf32, #tpu.memory_space<vmem_shared>>) offsets(%dma_start3A_175 : memref<128xi32, #tpu.memory_space<vmem>>) semaphore(%arg19 : memref<!tpu.dma_semaphore, #tpu.memory_space<semaphore_mem>>) {add = true}
      %dma_wait3A_179 = arith.constant 1 : i32
      %dma_wait3A_180 = arith.constant 0 : i32
      %dma_wait3A_181 = tpu.memref_slice %arg6[%dma_wait3A_179, %dma_wait3A_180] : memref<2x128xi32, #tpu.memory_space<vmem>> -> memref<1x128xi32, #tpu.memory_space<vmem>>
      %dma_wait3A_182 = tpu.memref_squeeze %dma_wait3A_181 : memref<1x128xi32, #tpu.memory_space<vmem>> -> memref<128xi32, #tpu.memory_space<vmem>>
      %dma_wait3A_183 = arith.constant 0 : i32
      %dma_wait3A_184 = arith.constant 0 : i32
      %dma_wait3A_185 = tpu.memref_slice %arg12[%dma_wait3A_183, %dma_wait3A_184] : memref<10240x128xf32, #tpu.memory_space<vmem_shared>> -> memref<10240x128xf32, #tpu.memory_space<vmem_shared>>
      tpu.wait_indirect_dma semaphore(%arg19 : memref<!tpu.dma_semaphore, #tpu.memory_space<semaphore_mem>>) src(%arg10 : memref<128x128xf32, #tpu.memory_space<vmem>>) dst(%dma_wait3A_185 : memref<10240x128xf32, #tpu.memory_space<vmem_shared>>)
      %add3A_186 = arith.constant 4 : i32
      %add3A_187 = arith.addi %add3A_164, %add3A_186 : i32
      %lt3A_188 = arith.cmpi slt, %add3A_187, %select_n3A : i32
      %convert_element_type3A_189 = arith.extui %lt3A_188 : i1 to i32
      %cond3A_190 = arith.constant 0 : i32
      %cond3A_191 = arith.cmpi ne, %convert_element_type3A_189, %cond3A_190 : i32
      scf.if %cond3A_191 {
        %add3A_273 = arith.addi %add3A, %add3A_164 : i32
        %add3A_274 = arith.constant 4 : i32
        %add3A_275 = arith.addi %add3A_273, %add3A_274 : i32
        %dma_start3A_276 = arith.constant 0 : i32
        %dma_start3A_277 = arith.constant 0 : i32
        %dma_start3A_278 = tpu.memref_slice %arg3[%add3A_275, %dma_start3A_276, %dma_start3A_277] : memref<2560x2x128xi32, #tpu.memory_space<hbm>> -> memref<1x2x128xi32, #tpu.memory_space<hbm>>
        %dma_start3A_279 = tpu.memref_squeeze %dma_start3A_278 : memref<1x2x128xi32, #tpu.memory_space<hbm>> -> memref<2x128xi32, #tpu.memory_space<hbm>>
        %dma_start3A_280 = arith.constant 0 : i32
        %dma_start3A_281 = arith.constant 0 : i32
        %dma_start3A_282 = tpu.memref_slice %arg3[%add3A_275, %dma_start3A_280, %dma_start3A_281] : memref<2560x2x128xi32, #tpu.memory_space<hbm>> -> memref<1x2x128xi32, #tpu.memory_space<hbm>>
        %dma_start3A_283 = tpu.memref_squeeze %dma_start3A_282 : memref<1x2x128xi32, #tpu.memory_space<hbm>> -> memref<2x128xi32, #tpu.memory_space<hbm>>
        tpu.enqueue_dma source(%dma_start3A_283 : memref<2x128xi32, #tpu.memory_space<hbm>>) target(%arg6 : memref<2x128xi32, #tpu.memory_space<vmem>>) target_semaphore(%arg14 : memref<!tpu.dma_semaphore, #tpu.memory_space<semaphore_mem>>)
      } else {
      }
      %add3A_192 = arith.constant 2 : i32
      %add3A_193 = arith.addi %add3A_164, %add3A_192 : i32
      %lt3A_194 = arith.cmpi slt, %add3A_193, %select_n3A : i32
      %convert_element_type3A_195 = arith.extui %lt3A_194 : i1 to i32
      %cond3A_196 = arith.constant 0 : i32
      %cond3A_197 = arith.cmpi ne, %convert_element_type3A_195, %cond3A_196 : i32
      scf.if %cond3A_197 {
        %add3A_273 = arith.addi %add3A, %add3A_164 : i32
        %add3A_274 = arith.constant 2 : i32
        %add3A_275 = arith.addi %add3A_273, %add3A_274 : i32
        %dma_wait3A_276 = arith.constant 0 : i32
        %dma_wait3A_277 = arith.constant 0 : i32
        %dma_wait3A_278 = tpu.memref_slice %arg3[%add3A_275, %dma_wait3A_276, %dma_wait3A_277] : memref<2560x2x128xi32, #tpu.memory_space<hbm>> -> memref<1x2x128xi32, #tpu.memory_space<hbm>>
        %dma_wait3A_279 = tpu.memref_squeeze %dma_wait3A_278 : memref<1x2x128xi32, #tpu.memory_space<hbm>> -> memref<2x128xi32, #tpu.memory_space<hbm>>
        %dma_wait3A_280 = arith.constant 0 : i32
        %dma_wait3A_281 = arith.constant 0 : i32
        %dma_wait3A_282 = tpu.memref_slice %arg3[%add3A_275, %dma_wait3A_280, %dma_wait3A_281] : memref<2560x2x128xi32, #tpu.memory_space<hbm>> -> memref<1x2x128xi32, #tpu.memory_space<hbm>>
        %dma_wait3A_283 = tpu.memref_squeeze %dma_wait3A_282 : memref<1x2x128xi32, #tpu.memory_space<hbm>> -> memref<2x128xi32, #tpu.memory_space<hbm>>
        tpu.wait_dma2 semaphore(%arg16 : memref<!tpu.dma_semaphore, #tpu.memory_space<semaphore_mem>>) src(%dma_wait3A_283 : memref<2x128xi32, #tpu.memory_space<hbm>>) dst(%arg8 : memref<2x128xi32, #tpu.memory_space<vmem>>)
        %dma_start3A_284 = arith.constant 0 : i32
        %dma_start3A_285 = arith.constant 0 : i32
        %dma_start3A_286 = tpu.memref_slice %arg8[%dma_start3A_284, %dma_start3A_285] : memref<2x128xi32, #tpu.memory_space<vmem>> -> memref<1x128xi32, #tpu.memory_space<vmem>>
        %dma_start3A_287 = tpu.memref_squeeze %dma_start3A_286 : memref<1x128xi32, #tpu.memory_space<vmem>> -> memref<128xi32, #tpu.memory_space<vmem>>
        %dma_start3A_288 = arith.constant 0 : i32
        %dma_start3A_289 = arith.constant 0 : i32
        %dma_start3A_290 = tpu.memref_slice %arg2[%dma_start3A_288, %dma_start3A_289] : memref<10240x128xf32, #tpu.memory_space<hbm>> -> memref<10240x128xf32, #tpu.memory_space<hbm>>
        tpu.enqueue_indirect_dma source(%dma_start3A_290 : memref<10240x128xf32, #tpu.memory_space<hbm>>) target(%arg10 : memref<128x128xf32, #tpu.memory_space<vmem>>) offsets(%dma_start3A_287 : memref<128xi32, #tpu.memory_space<vmem>>) semaphore(%arg18 : memref<!tpu.dma_semaphore, #tpu.memory_space<semaphore_mem>>)
      } else {
      }
      %mul3A_198 = arith.constant 4 : i32
      %mul3A_199 = arith.muli %mul3A_198, %while3A_125 : i32
      %add3A_200 = arith.constant 2 : i32
      %add3A_201 = arith.addi %mul3A_199, %add3A_200 : i32
      %dma_wait3A_202 = arith.constant 0 : i32
      %dma_wait3A_203 = arith.constant 0 : i32
      %dma_wait3A_204 = tpu.memref_slice %arg7[%dma_wait3A_202, %dma_wait3A_203] : memref<2x128xi32, #tpu.memory_space<vmem>> -> memref<1x128xi32, #tpu.memory_space<vmem>>
      %dma_wait3A_205 = tpu.memref_squeeze %dma_wait3A_204 : memref<1x128xi32, #tpu.memory_space<vmem>> -> memref<128xi32, #tpu.memory_space<vmem>>
      %dma_wait3A_206 = arith.constant 0 : i32
      %dma_wait3A_207 = arith.constant 0 : i32
      %dma_wait3A_208 = tpu.memref_slice %arg2[%dma_wait3A_206, %dma_wait3A_207] : memref<10240x128xf32, #tpu.memory_space<hbm>> -> memref<10240x128xf32, #tpu.memory_space<hbm>>
      tpu.wait_indirect_dma semaphore(%arg17 : memref<!tpu.dma_semaphore, #tpu.memory_space<semaphore_mem>>) src(%dma_wait3A_208 : memref<10240x128xf32, #tpu.memory_space<hbm>>) dst(%arg9 : memref<128x128xf32, #tpu.memory_space<vmem>>)
      %dma_start3A_209 = arith.constant 1 : i32
      %dma_start3A_210 = arith.constant 0 : i32
      %dma_start3A_211 = tpu.memref_slice %arg7[%dma_start3A_209, %dma_start3A_210] : memref<2x128xi32, #tpu.memory_space<vmem>> -> memref<1x128xi32, #tpu.memory_space<vmem>>
      %dma_start3A_212 = tpu.memref_squeeze %dma_start3A_211 : memref<1x128xi32, #tpu.memory_space<vmem>> -> memref<128xi32, #tpu.memory_space<vmem>>
      %dma_start3A_213 = arith.constant 0 : i32
      %dma_start3A_214 = arith.constant 0 : i32
      %dma_start3A_215 = tpu.memref_slice %arg12[%dma_start3A_213, %dma_start3A_214] : memref<10240x128xf32, #tpu.memory_space<vmem_shared>> -> memref<10240x128xf32, #tpu.memory_space<vmem_shared>>
      tpu.enqueue_indirect_dma source(%arg9 : memref<128x128xf32, #tpu.memory_space<vmem>>) target(%dma_start3A_215 : memref<10240x128xf32, #tpu.memory_space<vmem_shared>>) offsets(%dma_start3A_212 : memref<128xi32, #tpu.memory_space<vmem>>) semaphore(%arg19 : memref<!tpu.dma_semaphore, #tpu.memory_space<semaphore_mem>>) {add = true}
      %dma_wait3A_216 = arith.constant 1 : i32
      %dma_wait3A_217 = arith.constant 0 : i32
      %dma_wait3A_218 = tpu.memref_slice %arg7[%dma_wait3A_216, %dma_wait3A_217] : memref<2x128xi32, #tpu.memory_space<vmem>> -> memref<1x128xi32, #tpu.memory_space<vmem>>
      %dma_wait3A_219 = tpu.memref_squeeze %dma_wait3A_218 : memref<1x128xi32, #tpu.memory_space<vmem>> -> memref<128xi32, #tpu.memory_space<vmem>>
      %dma_wait3A_220 = arith.constant 0 : i32
      %dma_wait3A_221 = arith.constant 0 : i32
      %dma_wait3A_222 = tpu.memref_slice %arg12[%dma_wait3A_220, %dma_wait3A_221] : memref<10240x128xf32, #tpu.memory_space<vmem_shared>> -> memref<10240x128xf32, #tpu.memory_space<vmem_shared>>
      tpu.wait_indirect_dma semaphore(%arg19 : memref<!tpu.dma_semaphore, #tpu.memory_space<semaphore_mem>>) src(%arg9 : memref<128x128xf32, #tpu.memory_space<vmem>>) dst(%dma_wait3A_222 : memref<10240x128xf32, #tpu.memory_space<vmem_shared>>)
      %add3A_223 = arith.constant 4 : i32
      %add3A_224 = arith.addi %add3A_201, %add3A_223 : i32
      %lt3A_225 = arith.cmpi slt, %add3A_224, %select_n3A : i32
      %convert_element_type3A_226 = arith.extui %lt3A_225 : i1 to i32
      %cond3A_227 = arith.constant 0 : i32
      %cond3A_228 = arith.cmpi ne, %convert_element_type3A_226, %cond3A_227 : i32
      scf.if %cond3A_228 {
        %add3A_273 = arith.addi %add3A, %add3A_201 : i32
        %add3A_274 = arith.constant 4 : i32
        %add3A_275 = arith.addi %add3A_273, %add3A_274 : i32
        %dma_start3A_276 = arith.constant 0 : i32
        %dma_start3A_277 = arith.constant 0 : i32
        %dma_start3A_278 = tpu.memref_slice %arg3[%add3A_275, %dma_start3A_276, %dma_start3A_277] : memref<2560x2x128xi32, #tpu.memory_space<hbm>> -> memref<1x2x128xi32, #tpu.memory_space<hbm>>
        %dma_start3A_279 = tpu.memref_squeeze %dma_start3A_278 : memref<1x2x128xi32, #tpu.memory_space<hbm>> -> memref<2x128xi32, #tpu.memory_space<hbm>>
        %dma_start3A_280 = arith.constant 0 : i32
        %dma_start3A_281 = arith.constant 0 : i32
        %dma_start3A_282 = tpu.memref_slice %arg3[%add3A_275, %dma_start3A_280, %dma_start3A_281] : memref<2560x2x128xi32, #tpu.memory_space<hbm>> -> memref<1x2x128xi32, #tpu.memory_space<hbm>>
        %dma_start3A_283 = tpu.memref_squeeze %dma_start3A_282 : memref<1x2x128xi32, #tpu.memory_space<hbm>> -> memref<2x128xi32, #tpu.memory_space<hbm>>
        tpu.enqueue_dma source(%dma_start3A_283 : memref<2x128xi32, #tpu.memory_space<hbm>>) target(%arg7 : memref<2x128xi32, #tpu.memory_space<vmem>>) target_semaphore(%arg15 : memref<!tpu.dma_semaphore, #tpu.memory_space<semaphore_mem>>)
      } else {
      }
      %add3A_229 = arith.constant 2 : i32
      %add3A_230 = arith.addi %add3A_201, %add3A_229 : i32
      %lt3A_231 = arith.cmpi slt, %add3A_230, %select_n3A : i32
      %convert_element_type3A_232 = arith.extui %lt3A_231 : i1 to i32
      %cond3A_233 = arith.constant 0 : i32
      %cond3A_234 = arith.cmpi ne, %convert_element_type3A_232, %cond3A_233 : i32
      scf.if %cond3A_234 {
        %add3A_273 = arith.addi %add3A, %add3A_201 : i32
        %add3A_274 = arith.constant 2 : i32
        %add3A_275 = arith.addi %add3A_273, %add3A_274 : i32
        %dma_wait3A_276 = arith.constant 0 : i32
        %dma_wait3A_277 = arith.constant 0 : i32
        %dma_wait3A_278 = tpu.memref_slice %arg3[%add3A_275, %dma_wait3A_276, %dma_wait3A_277] : memref<2560x2x128xi32, #tpu.memory_space<hbm>> -> memref<1x2x128xi32, #tpu.memory_space<hbm>>
        %dma_wait3A_279 = tpu.memref_squeeze %dma_wait3A_278 : memref<1x2x128xi32, #tpu.memory_space<hbm>> -> memref<2x128xi32, #tpu.memory_space<hbm>>
        %dma_wait3A_280 = arith.constant 0 : i32
        %dma_wait3A_281 = arith.constant 0 : i32
        %dma_wait3A_282 = tpu.memref_slice %arg3[%add3A_275, %dma_wait3A_280, %dma_wait3A_281] : memref<2560x2x128xi32, #tpu.memory_space<hbm>> -> memref<1x2x128xi32, #tpu.memory_space<hbm>>
        %dma_wait3A_283 = tpu.memref_squeeze %dma_wait3A_282 : memref<1x2x128xi32, #tpu.memory_space<hbm>> -> memref<2x128xi32, #tpu.memory_space<hbm>>
        tpu.wait_dma2 semaphore(%arg13 : memref<!tpu.dma_semaphore, #tpu.memory_space<semaphore_mem>>) src(%dma_wait3A_283 : memref<2x128xi32, #tpu.memory_space<hbm>>) dst(%arg5 : memref<2x128xi32, #tpu.memory_space<vmem>>)
        %dma_start3A_284 = arith.constant 0 : i32
        %dma_start3A_285 = arith.constant 0 : i32
        %dma_start3A_286 = tpu.memref_slice %arg5[%dma_start3A_284, %dma_start3A_285] : memref<2x128xi32, #tpu.memory_space<vmem>> -> memref<1x128xi32, #tpu.memory_space<vmem>>
        %dma_start3A_287 = tpu.memref_squeeze %dma_start3A_286 : memref<1x128xi32, #tpu.memory_space<vmem>> -> memref<128xi32, #tpu.memory_space<vmem>>
        %dma_start3A_288 = arith.constant 0 : i32
        %dma_start3A_289 = arith.constant 0 : i32
        %dma_start3A_290 = tpu.memref_slice %arg2[%dma_start3A_288, %dma_start3A_289] : memref<10240x128xf32, #tpu.memory_space<hbm>> -> memref<10240x128xf32, #tpu.memory_space<hbm>>
        tpu.enqueue_indirect_dma source(%dma_start3A_290 : memref<10240x128xf32, #tpu.memory_space<hbm>>) target(%arg9 : memref<128x128xf32, #tpu.memory_space<vmem>>) offsets(%dma_start3A_287 : memref<128xi32, #tpu.memory_space<vmem>>) semaphore(%arg17 : memref<!tpu.dma_semaphore, #tpu.memory_space<semaphore_mem>>)
      } else {
      }
      %mul3A_235 = arith.constant 4 : i32
      %mul3A_236 = arith.muli %mul3A_235, %while3A_125 : i32
      %add3A_237 = arith.constant 3 : i32
      %add3A_238 = arith.addi %mul3A_236, %add3A_237 : i32
      %dma_wait3A_239 = arith.constant 0 : i32
      %dma_wait3A_240 = arith.constant 0 : i32
      %dma_wait3A_241 = tpu.memref_slice %arg8[%dma_wait3A_239, %dma_wait3A_240] : memref<2x128xi32, #tpu.memory_space<vmem>> -> memref<1x128xi32, #tpu.memory_space<vmem>>
      %dma_wait3A_242 = tpu.memref_squeeze %dma_wait3A_241 : memref<1x128xi32, #tpu.memory_space<vmem>> -> memref<128xi32, #tpu.memory_space<vmem>>
      %dma_wait3A_243 = arith.constant 0 : i32
      %dma_wait3A_244 = arith.constant 0 : i32
      %dma_wait3A_245 = tpu.memref_slice %arg2[%dma_wait3A_243, %dma_wait3A_244] : memref<10240x128xf32, #tpu.memory_space<hbm>> -> memref<10240x128xf32, #tpu.memory_space<hbm>>
      tpu.wait_indirect_dma semaphore(%arg18 : memref<!tpu.dma_semaphore, #tpu.memory_space<semaphore_mem>>) src(%dma_wait3A_245 : memref<10240x128xf32, #tpu.memory_space<hbm>>) dst(%arg10 : memref<128x128xf32, #tpu.memory_space<vmem>>)
      %dma_start3A_246 = arith.constant 1 : i32
      %dma_start3A_247 = arith.constant 0 : i32
      %dma_start3A_248 = tpu.memref_slice %arg8[%dma_start3A_246, %dma_start3A_247] : memref<2x128xi32, #tpu.memory_space<vmem>> -> memref<1x128xi32, #tpu.memory_space<vmem>>
      %dma_start3A_249 = tpu.memref_squeeze %dma_start3A_248 : memref<1x128xi32, #tpu.memory_space<vmem>> -> memref<128xi32, #tpu.memory_space<vmem>>
      %dma_start3A_250 = arith.constant 0 : i32
      %dma_start3A_251 = arith.constant 0 : i32
      %dma_start3A_252 = tpu.memref_slice %arg12[%dma_start3A_250, %dma_start3A_251] : memref<10240x128xf32, #tpu.memory_space<vmem_shared>> -> memref<10240x128xf32, #tpu.memory_space<vmem_shared>>
      tpu.enqueue_indirect_dma source(%arg10 : memref<128x128xf32, #tpu.memory_space<vmem>>) target(%dma_start3A_252 : memref<10240x128xf32, #tpu.memory_space<vmem_shared>>) offsets(%dma_start3A_249 : memref<128xi32, #tpu.memory_space<vmem>>) semaphore(%arg19 : memref<!tpu.dma_semaphore, #tpu.memory_space<semaphore_mem>>) {add = true}
      %dma_wait3A_253 = arith.constant 1 : i32
      %dma_wait3A_254 = arith.constant 0 : i32
      %dma_wait3A_255 = tpu.memref_slice %arg8[%dma_wait3A_253, %dma_wait3A_254] : memref<2x128xi32, #tpu.memory_space<vmem>> -> memref<1x128xi32, #tpu.memory_space<vmem>>
      %dma_wait3A_256 = tpu.memref_squeeze %dma_wait3A_255 : memref<1x128xi32, #tpu.memory_space<vmem>> -> memref<128xi32, #tpu.memory_space<vmem>>
      %dma_wait3A_257 = arith.constant 0 : i32
      %dma_wait3A_258 = arith.constant 0 : i32
      %dma_wait3A_259 = tpu.memref_slice %arg12[%dma_wait3A_257, %dma_wait3A_258] : memref<10240x128xf32, #tpu.memory_space<vmem_shared>> -> memref<10240x128xf32, #tpu.memory_space<vmem_shared>>
      tpu.wait_indirect_dma semaphore(%arg19 : memref<!tpu.dma_semaphore, #tpu.memory_space<semaphore_mem>>) src(%arg10 : memref<128x128xf32, #tpu.memory_space<vmem>>) dst(%dma_wait3A_259 : memref<10240x128xf32, #tpu.memory_space<vmem_shared>>)
      %add3A_260 = arith.constant 4 : i32
      %add3A_261 = arith.addi %add3A_238, %add3A_260 : i32
      %lt3A_262 = arith.cmpi slt, %add3A_261, %select_n3A : i32
      %convert_element_type3A_263 = arith.extui %lt3A_262 : i1 to i32
      %cond3A_264 = arith.constant 0 : i32
      %cond3A_265 = arith.cmpi ne, %convert_element_type3A_263, %cond3A_264 : i32
      scf.if %cond3A_265 {
        %add3A_273 = arith.addi %add3A, %add3A_238 : i32
        %add3A_274 = arith.constant 4 : i32
        %add3A_275 = arith.addi %add3A_273, %add3A_274 : i32
        %dma_start3A_276 = arith.constant 0 : i32
        %dma_start3A_277 = arith.constant 0 : i32
        %dma_start3A_278 = tpu.memref_slice %arg3[%add3A_275, %dma_start3A_276, %dma_start3A_277] : memref<2560x2x128xi32, #tpu.memory_space<hbm>> -> memref<1x2x128xi32, #tpu.memory_space<hbm>>
        %dma_start3A_279 = tpu.memref_squeeze %dma_start3A_278 : memref<1x2x128xi32, #tpu.memory_space<hbm>> -> memref<2x128xi32, #tpu.memory_space<hbm>>
        %dma_start3A_280 = arith.constant 0 : i32
        %dma_start3A_281 = arith.constant 0 : i32
        %dma_start3A_282 = tpu.memref_slice %arg3[%add3A_275, %dma_start3A_280, %dma_start3A_281] : memref<2560x2x128xi32, #tpu.memory_space<hbm>> -> memref<1x2x128xi32, #tpu.memory_space<hbm>>
        %dma_start3A_283 = tpu.memref_squeeze %dma_start3A_282 : memref<1x2x128xi32, #tpu.memory_space<hbm>> -> memref<2x128xi32, #tpu.memory_space<hbm>>
        tpu.enqueue_dma source(%dma_start3A_283 : memref<2x128xi32, #tpu.memory_space<hbm>>) target(%arg8 : memref<2x128xi32, #tpu.memory_space<vmem>>) target_semaphore(%arg16 : memref<!tpu.dma_semaphore, #tpu.memory_space<semaphore_mem>>)
      } else {
      }
      %add3A_266 = arith.constant 2 : i32
      %add3A_267 = arith.addi %add3A_238, %add3A_266 : i32
      %lt3A_268 = arith.cmpi slt, %add3A_267, %select_n3A : i32
      %convert_element_type3A_269 = arith.extui %lt3A_268 : i1 to i32
      %cond3A_270 = arith.constant 0 : i32
      %cond3A_271 = arith.cmpi ne, %convert_element_type3A_269, %cond3A_270 : i32
      scf.if %cond3A_271 {
        %add3A_273 = arith.addi %add3A, %add3A_238 : i32
        %add3A_274 = arith.constant 2 : i32
        %add3A_275 = arith.addi %add3A_273, %add3A_274 : i32
        %dma_wait3A_276 = arith.constant 0 : i32
        %dma_wait3A_277 = arith.constant 0 : i32
        %dma_wait3A_278 = tpu.memref_slice %arg3[%add3A_275, %dma_wait3A_276, %dma_wait3A_277] : memref<2560x2x128xi32, #tpu.memory_space<hbm>> -> memref<1x2x128xi32, #tpu.memory_space<hbm>>
        %dma_wait3A_279 = tpu.memref_squeeze %dma_wait3A_278 : memref<1x2x128xi32, #tpu.memory_space<hbm>> -> memref<2x128xi32, #tpu.memory_space<hbm>>
        %dma_wait3A_280 = arith.constant 0 : i32
        %dma_wait3A_281 = arith.constant 0 : i32
        %dma_wait3A_282 = tpu.memref_slice %arg3[%add3A_275, %dma_wait3A_280, %dma_wait3A_281] : memref<2560x2x128xi32, #tpu.memory_space<hbm>> -> memref<1x2x128xi32, #tpu.memory_space<hbm>>
        %dma_wait3A_283 = tpu.memref_squeeze %dma_wait3A_282 : memref<1x2x128xi32, #tpu.memory_space<hbm>> -> memref<2x128xi32, #tpu.memory_space<hbm>>
        tpu.wait_dma2 semaphore(%arg14 : memref<!tpu.dma_semaphore, #tpu.memory_space<semaphore_mem>>) src(%dma_wait3A_283 : memref<2x128xi32, #tpu.memory_space<hbm>>) dst(%arg6 : memref<2x128xi32, #tpu.memory_space<vmem>>)
        %dma_start3A_284 = arith.constant 0 : i32
        %dma_start3A_285 = arith.constant 0 : i32
        %dma_start3A_286 = tpu.memref_slice %arg6[%dma_start3A_284, %dma_start3A_285] : memref<2x128xi32, #tpu.memory_space<vmem>> -> memref<1x128xi32, #tpu.memory_space<vmem>>
        %dma_start3A_287 = tpu.memref_squeeze %dma_start3A_286 : memref<1x128xi32, #tpu.memory_space<vmem>> -> memref<128xi32, #tpu.memory_space<vmem>>
        %dma_start3A_288 = arith.constant 0 : i32
        %dma_start3A_289 = arith.constant 0 : i32
        %dma_start3A_290 = tpu.memref_slice %arg2[%dma_start3A_288, %dma_start3A_289] : memref<10240x128xf32, #tpu.memory_space<hbm>> -> memref<10240x128xf32, #tpu.memory_space<hbm>>
        tpu.enqueue_indirect_dma source(%dma_start3A_290 : memref<10240x128xf32, #tpu.memory_space<hbm>>) target(%arg10 : memref<128x128xf32, #tpu.memory_space<vmem>>) offsets(%dma_start3A_287 : memref<128xi32, #tpu.memory_space<vmem>>) semaphore(%arg18 : memref<!tpu.dma_semaphore, #tpu.memory_space<semaphore_mem>>)
      } else {
      }
      %while3A_272 = arith.constant 0 : i32
      scf.yield %while3A_272 : i32
    }
    %barrier3A_120 = arith.constant 0 : index
    tpu.barrier barrier_id(%barrier3A_120)
    %mul3A_121 = arith.constant 640 : i32
    %mul3A_122 = arith.muli %arg1, %mul3A_121 : i32
    %mul3A_123 = arith.constant 640 : i32
    %mul3A_124 = arith.muli %arg1, %mul3A_123 : i32
    "tpu.region"() ({
      %run_scoped3A = tpu.sem_alloc : memref<!tpu.dma_semaphore, #tpu.memory_space<semaphore_mem>>
      %dma_start3A_125 = arith.constant 0 : i32
      %dma_start3A_126 = tpu.memref_slice %arg4[%arg0, %mul3A_124, %dma_start3A_125] : memref<2x10240x128xf32, #tpu.memory_space<hbm>> -> memref<1x640x128xf32, #tpu.memory_space<hbm>>
      %dma_start3A_127 = tpu.memref_squeeze %dma_start3A_126 : memref<1x640x128xf32, #tpu.memory_space<hbm>> -> memref<640x128xf32, #tpu.memory_space<hbm>>
      %dma_start3A_128 = arith.constant 0 : i32
      %dma_start3A_129 = tpu.memref_slice %arg12[%mul3A_122, %dma_start3A_128] : memref<10240x128xf32, #tpu.memory_space<vmem_shared>> -> memref<640x128xf32, #tpu.memory_space<vmem_shared>>
      tpu.enqueue_dma source(%dma_start3A_129 : memref<640x128xf32, #tpu.memory_space<vmem_shared>>) target(%dma_start3A_127 : memref<640x128xf32, #tpu.memory_space<hbm>>) target_semaphore(%run_scoped3A : memref<!tpu.dma_semaphore, #tpu.memory_space<semaphore_mem>>)
      %dma_wait3A_130 = arith.constant 0 : i32
      %dma_wait3A_131 = tpu.memref_slice %arg4[%arg0, %mul3A_124, %dma_wait3A_130] : memref<2x10240x128xf32, #tpu.memory_space<hbm>> -> memref<1x640x128xf32, #tpu.memory_space<hbm>>
      %dma_wait3A_132 = tpu.memref_squeeze %dma_wait3A_131 : memref<1x640x128xf32, #tpu.memory_space<hbm>> -> memref<640x128xf32, #tpu.memory_space<hbm>>
      %dma_wait3A_133 = arith.constant 0 : i32
      %dma_wait3A_134 = tpu.memref_slice %arg12[%mul3A_122, %dma_wait3A_133] : memref<10240x128xf32, #tpu.memory_space<vmem_shared>> -> memref<640x128xf32, #tpu.memory_space<vmem_shared>>
      tpu.wait_dma2 semaphore(%run_scoped3A : memref<!tpu.dma_semaphore, #tpu.memory_space<semaphore_mem>>) src(%dma_wait3A_134 : memref<640x128xf32, #tpu.memory_space<vmem_shared>>) dst(%dma_wait3A_132 : memref<640x128xf32, #tpu.memory_space<hbm>>)
      tpu.yield
    }) : () -> ()
    return
  }
}

module attributes {stable_mosaic.version = 14 : i64} {
  func.func @_dense_body(%arg0: i32, %arg1: memref<1024x128xf32, #tpu.memory_space<vmem>>, %arg2: memref<1024x128xf32, #tpu.memory_space<vmem>>, %arg3: memref<1024x1xf32, #tpu.memory_space<vmem>>, %arg4: memref<128x128xf32, #tpu.memory_space<vmem>>, %arg5: memref<1x128xf32, #tpu.memory_space<vmem>>, %arg6: memref<128x128xf32, #tpu.memory_space<vmem>>, %arg7: memref<1x128xf32, #tpu.memory_space<vmem>>, %arg8: memref<128x128xf32, #tpu.memory_space<vmem>>, %arg9: memref<1x128xf32, #tpu.memory_space<vmem>>, %arg10: memref<128x128xf32, #tpu.memory_space<vmem>>, %arg11: memref<1x128xf32, #tpu.memory_space<vmem>>, %arg12: memref<1024x128xf32, #tpu.memory_space<vmem>>) attributes {dimension_semantics = [#tpu.dimension_semantics<arbitrary>], iteration_bounds = array<i64: 10>, scalar_prefetch = 0 : i64, scratch_operands = 0 : i64, tpu.core_type = #tpu.core_type<tc>, window_params = [{transform_indices = @transform_0, window_bounds = array<i64: 1024, 128>}, {transform_indices = @transform_1, window_bounds = array<i64: 1024, 128>}, {transform_indices = @transform_2, window_bounds = array<i64: 1024, 1>}, {pipeline_mode = #tpu.pipeline_mode<synchronous>, transform_indices = @transform_3, window_bounds = array<i64: 128, 128>}, {pipeline_mode = #tpu.pipeline_mode<synchronous>, transform_indices = @transform_4, window_bounds = array<i64: 1, 128>}, {pipeline_mode = #tpu.pipeline_mode<synchronous>, transform_indices = @transform_5, window_bounds = array<i64: 128, 128>}, {pipeline_mode = #tpu.pipeline_mode<synchronous>, transform_indices = @transform_6, window_bounds = array<i64: 1, 128>}, {pipeline_mode = #tpu.pipeline_mode<synchronous>, transform_indices = @transform_7, window_bounds = array<i64: 128, 128>}, {pipeline_mode = #tpu.pipeline_mode<synchronous>, transform_indices = @transform_8, window_bounds = array<i64: 1, 128>}, {pipeline_mode = #tpu.pipeline_mode<synchronous>, transform_indices = @transform_9, window_bounds = array<i64: 128, 128>}, {pipeline_mode = #tpu.pipeline_mode<synchronous>, transform_indices = @transform_10, window_bounds = array<i64: 1, 128>}, {transform_indices = @transform_11, window_bounds = array<i64: 1024, 128>}]} {
    %get3A = arith.constant 0 : index
    %get3A_0 = arith.constant 0 : index
    %get3A_1 = vector.load %arg3[%get3A, %get3A_0] : memref<1024x1xf32, #tpu.memory_space<vmem>>, vector<1024x1xf32>
    %max3A = arith.constant 1.000000e+00 : f32
    %max3A_2 = vector.broadcast %max3A : f32 to vector<1024x1xf32>
    %max3A_3 = arith.maximumf %get3A_1, %max3A_2 : vector<1024x1xf32>
    %div3A = arith.constant 1.000000e+00 : f32
    %div3A_4 = vector.broadcast %div3A : f32 to vector<1024x1xf32>
    %div3A_5 = arith.divf %div3A_4, %max3A_3 : vector<1024x1xf32>
    %get3A_6 = arith.constant 0 : index
    %get3A_7 = arith.constant 0 : index
    %get3A_8 = vector.load %arg1[%get3A_6, %get3A_7] : memref<1024x128xf32, #tpu.memory_space<vmem>>, vector<1024x128xf32>
    %get3A_9 = arith.constant 0 : index
    %get3A_10 = arith.constant 0 : index
    %get3A_11 = vector.load %arg2[%get3A_9, %get3A_10] : memref<1024x128xf32, #tpu.memory_space<vmem>>, vector<1024x128xf32>
    %add3A = arith.addf %get3A_8, %get3A_11 : vector<1024x128xf32>
    %mul3A = vector.broadcast %div3A_5 : vector<1024x1xf32> to vector<1024x128xf32>
    %mul3A_12 = arith.mulf %add3A, %mul3A : vector<1024x128xf32>
    %get3A_13 = arith.constant 0 : index
    %get3A_14 = arith.constant 0 : index
    %get3A_15 = vector.load %arg4[%get3A_13, %get3A_14] : memref<128x128xf32, #tpu.memory_space<vmem>>, vector<128x128xf32>
    %dot_general3A = arith.constant dense<0.000000e+00> : vector<1024x128xf32>
    %dot_general3A_16 = tpu.matmul %mul3A_12, %get3A_15, %dot_general3A {dimension_numbers = #tpu.dot_dimension_numbers<[1], [0], [0], [1], [0, 0, 1, 1], [], []>, precision = #tpu.contract_precision<fp32>, transpose_lhs_hint = false} : vector<1024x128xf32>, vector<128x128xf32>, vector<1024x128xf32> -> vector<1024x128xf32>
    %get3A_17 = arith.constant 0 : index
    %get3A_18 = arith.constant 0 : index
    %get3A_19 = vector.load %arg5[%get3A_17, %get3A_18] : memref<1x128xf32, #tpu.memory_space<vmem>>, vector<1x128xf32>
    %add3A_20 = vector.broadcast %get3A_19 : vector<1x128xf32> to vector<1024x128xf32>
    %add3A_21 = arith.addf %dot_general3A_16, %add3A_20 : vector<1024x128xf32>
    %max3A_22 = arith.constant 0.000000e+00 : f32
    %max3A_23 = vector.broadcast %max3A_22 : f32 to vector<1024x128xf32>
    %max3A_24 = arith.maximumf %add3A_21, %max3A_23 : vector<1024x128xf32>
    %get3A_25 = arith.constant 0 : index
    %get3A_26 = arith.constant 0 : index
    %get3A_27 = vector.load %arg8[%get3A_25, %get3A_26] : memref<128x128xf32, #tpu.memory_space<vmem>>, vector<128x128xf32>
    %dot_general3A_28 = arith.constant dense<0.000000e+00> : vector<1024x128xf32>
    %dot_general3A_29 = tpu.matmul %mul3A_12, %get3A_27, %dot_general3A_28 {dimension_numbers = #tpu.dot_dimension_numbers<[1], [0], [0], [1], [0, 0, 1, 1], [], []>, precision = #tpu.contract_precision<fp32>, transpose_lhs_hint = false} : vector<1024x128xf32>, vector<128x128xf32>, vector<1024x128xf32> -> vector<1024x128xf32>
    %get3A_30 = arith.constant 0 : index
    %get3A_31 = arith.constant 0 : index
    %get3A_32 = vector.load %arg9[%get3A_30, %get3A_31] : memref<1x128xf32, #tpu.memory_space<vmem>>, vector<1x128xf32>
    %add3A_33 = vector.broadcast %get3A_32 : vector<1x128xf32> to vector<1024x128xf32>
    %add3A_34 = arith.addf %dot_general3A_29, %add3A_33 : vector<1024x128xf32>
    %max3A_35 = arith.constant 0.000000e+00 : f32
    %max3A_36 = vector.broadcast %max3A_35 : f32 to vector<1024x128xf32>
    %max3A_37 = arith.maximumf %add3A_34, %max3A_36 : vector<1024x128xf32>
    %get3A_38 = arith.constant 0 : index
    %get3A_39 = arith.constant 0 : index
    %get3A_40 = vector.load %arg6[%get3A_38, %get3A_39] : memref<128x128xf32, #tpu.memory_space<vmem>>, vector<128x128xf32>
    %dot_general3A_41 = arith.constant dense<0.000000e+00> : vector<1024x128xf32>
    %dot_general3A_42 = tpu.matmul %max3A_24, %get3A_40, %dot_general3A_41 {dimension_numbers = #tpu.dot_dimension_numbers<[1], [0], [0], [1], [0, 0, 1, 1], [], []>, precision = #tpu.contract_precision<fp32>, transpose_lhs_hint = false} : vector<1024x128xf32>, vector<128x128xf32>, vector<1024x128xf32> -> vector<1024x128xf32>
    %get3A_43 = arith.constant 0 : index
    %get3A_44 = arith.constant 0 : index
    %get3A_45 = vector.load %arg10[%get3A_43, %get3A_44] : memref<128x128xf32, #tpu.memory_space<vmem>>, vector<128x128xf32>
    %dot_general3A_46 = arith.constant dense<0.000000e+00> : vector<1024x128xf32>
    %dot_general3A_47 = tpu.matmul %max3A_37, %get3A_45, %dot_general3A_46 {dimension_numbers = #tpu.dot_dimension_numbers<[1], [0], [0], [1], [0, 0, 1, 1], [], []>, precision = #tpu.contract_precision<fp32>, transpose_lhs_hint = false} : vector<1024x128xf32>, vector<128x128xf32>, vector<1024x128xf32> -> vector<1024x128xf32>
    %sub3A = arith.subf %dot_general3A_42, %dot_general3A_47 : vector<1024x128xf32>
    %swap3A = arith.constant 0 : index
    %swap3A_48 = arith.constant 0 : index
    %swap3A_49 = vector.load %arg12[%swap3A, %swap3A_48] : memref<1024x128xf32, #tpu.memory_space<vmem>>, vector<1024x128xf32>
    tpu.vector_store %arg12[%swap3A, %swap3A_48], %sub3A {strides = array<i32>} : memref<1024x128xf32, #tpu.memory_space<vmem>>, vector<1024x128xf32>,
    return
  }
  func.func @transform_0(%arg0: i32) -> (i32, i32) {
    %c0_i32 = arith.constant 0 : i32
    %c0_i32_0 = arith.constant 0 : i32
    return %arg0, %c0_i32 : i32, i32
  }
  func.func @transform_1(%arg0: i32) -> (i32, i32) {
    %c0_i32 = arith.constant 0 : i32
    %c0_i32_0 = arith.constant 0 : i32
    return %arg0, %c0_i32 : i32, i32
  }
  func.func @transform_2(%arg0: i32) -> (i32, i32) {
    %c0_i32 = arith.constant 0 : i32
    %c0_i32_0 = arith.constant 0 : i32
    return %arg0, %c0_i32 : i32, i32
  }
  func.func @transform_3(%arg0: i32) -> (i32, i32) {
    %c0_i32 = arith.constant 0 : i32
    %c0_i32_0 = arith.constant 0 : i32
    %c0_i32_1 = arith.constant 0 : i32
    return %c0_i32, %c0_i32_0 : i32, i32
  }
  func.func @transform_4(%arg0: i32) -> (i32, i32) {
    %c0_i32 = arith.constant 0 : i32
    %c0_i32_0 = arith.constant 0 : i32
    %c0_i32_1 = arith.constant 0 : i32
    return %c0_i32, %c0_i32_0 : i32, i32
  }
  func.func @transform_5(%arg0: i32) -> (i32, i32) {
    %c0_i32 = arith.constant 0 : i32
    %c0_i32_0 = arith.constant 0 : i32
    %c0_i32_1 = arith.constant 0 : i32
    return %c0_i32, %c0_i32_0 : i32, i32
  }
  func.func @transform_6(%arg0: i32) -> (i32, i32) {
    %c0_i32 = arith.constant 0 : i32
    %c0_i32_0 = arith.constant 0 : i32
    %c0_i32_1 = arith.constant 0 : i32
    return %c0_i32, %c0_i32_0 : i32, i32
  }
  func.func @transform_7(%arg0: i32) -> (i32, i32) {
    %c0_i32 = arith.constant 0 : i32
    %c0_i32_0 = arith.constant 0 : i32
    %c0_i32_1 = arith.constant 0 : i32
    return %c0_i32, %c0_i32_0 : i32, i32
  }
  func.func @transform_8(%arg0: i32) -> (i32, i32) {
    %c0_i32 = arith.constant 0 : i32
    %c0_i32_0 = arith.constant 0 : i32
    %c0_i32_1 = arith.constant 0 : i32
    return %c0_i32, %c0_i32_0 : i32, i32
  }
  func.func @transform_9(%arg0: i32) -> (i32, i32) {
    %c0_i32 = arith.constant 0 : i32
    %c0_i32_0 = arith.constant 0 : i32
    %c0_i32_1 = arith.constant 0 : i32
    return %c0_i32, %c0_i32_0 : i32, i32
  }
  func.func @transform_10(%arg0: i32) -> (i32, i32) {
    %c0_i32 = arith.constant 0 : i32
    %c0_i32_0 = arith.constant 0 : i32
    %c0_i32_1 = arith.constant 0 : i32
    return %c0_i32, %c0_i32_0 : i32, i32
  }
  func.func @transform_11(%arg0: i32) -> (i32, i32) {
    %c0_i32 = arith.constant 0 : i32
    %c0_i32_0 = arith.constant 0 : i32
    return %arg0, %c0_i32 : i32, i32
  }
}

module attributes {stable_mosaic.version = 14 : i64} {
  func.func @_loss_body(%arg0: i32, %arg1: memref<1024x128xf32, #tpu.memory_space<vmem>>, %arg2: memref<1024x128xf32, #tpu.memory_space<vmem>>, %arg3: memref<1024x1xf32, #tpu.memory_space<vmem>>, %arg4: memref<1x128xf32, #tpu.memory_space<vmem>>, %arg5: memref<1x1xf32, #tpu.memory_space<vmem>>) attributes {dimension_semantics = [#tpu.dimension_semantics<arbitrary>], iteration_bounds = array<i64: 10>, scalar_prefetch = 0 : i64, scratch_operands = 0 : i64, tpu.core_type = #tpu.core_type<tc>, window_params = [{transform_indices = @transform_0, window_bounds = array<i64: 1024, 128>}, {transform_indices = @transform_1, window_bounds = array<i64: 1024, 128>}, {transform_indices = @transform_2, window_bounds = array<i64: 1024, 1>}, {pipeline_mode = #tpu.pipeline_mode<synchronous>, transform_indices = @transform_3, window_bounds = array<i64: 1, 128>}, {pipeline_mode = #tpu.pipeline_mode<synchronous>, transform_indices = @transform_4, window_bounds = array<i64: 1, 1>}]} {
    %get3A = arith.constant 0 : index
    %get3A_0 = arith.constant 0 : index
    %get3A_1 = vector.load %arg3[%get3A, %get3A_0] : memref<1024x1xf32, #tpu.memory_space<vmem>>, vector<1024x1xf32>
    %max3A = arith.constant 1.000000e+00 : f32
    %max3A_2 = vector.broadcast %max3A : f32 to vector<1024x1xf32>
    %max3A_3 = arith.maximumf %get3A_1, %max3A_2 : vector<1024x1xf32>
    %div3A = arith.constant 1.000000e+00 : f32
    %div3A_4 = vector.broadcast %div3A : f32 to vector<1024x1xf32>
    %div3A_5 = arith.divf %div3A_4, %max3A_3 : vector<1024x1xf32>
    %get3A_6 = arith.constant 0 : index
    %get3A_7 = arith.constant 0 : index
    %get3A_8 = vector.load %arg1[%get3A_6, %get3A_7] : memref<1024x128xf32, #tpu.memory_space<vmem>>, vector<1024x128xf32>
    %get3A_9 = arith.constant 0 : index
    %get3A_10 = arith.constant 0 : index
    %get3A_11 = vector.load %arg2[%get3A_9, %get3A_10] : memref<1024x128xf32, #tpu.memory_space<vmem>>, vector<1024x128xf32>
    %add3A = arith.addf %get3A_8, %get3A_11 : vector<1024x128xf32>
    %mul3A = vector.broadcast %div3A_5 : vector<1024x1xf32> to vector<1024x128xf32>
    %mul3A_12 = arith.mulf %add3A, %mul3A : vector<1024x128xf32>
    %get3A_13 = arith.constant 0 : index
    %get3A_14 = arith.constant 0 : index
    %get3A_15 = vector.load %arg4[%get3A_13, %get3A_14] : memref<1x128xf32, #tpu.memory_space<vmem>>, vector<1x128xf32>
    %add3A_16 = vector.broadcast %get3A_15 : vector<1x128xf32> to vector<1024x128xf32>
    %add3A_17 = arith.addf %mul3A_12, %add3A_16 : vector<1024x128xf32>
    %mul3A_18 = arith.constant 1024 : i32
    %mul3A_19 = arith.muli %arg0, %mul3A_18 : i32
    %iota3A = tpu.iota {dimensions = array<i32: 0>} : vector<1024x128xi32>
    %add3A_20 = vector.broadcast %mul3A_19 : i32 to vector<1024x128xi32>
    %add3A_21 = arith.addi %add3A_20, %iota3A : vector<1024x128xi32>
    %lt3A = arith.constant 10000 : i32
    %lt3A_22 = vector.broadcast %lt3A : i32 to vector<1024x128xi32>
    %lt3A_23 = arith.cmpi slt, %add3A_21, %lt3A_22 : vector<1024x128xi32>
    %jit3A = arith.constant 0.000000e+00 : f32
    %broadcast_in_dim3A = vector.broadcast %jit3A : f32 to vector<1024x128xf32>
    %select_n3A = arith.select %lt3A_23, %add3A_17, %broadcast_in_dim3A : vector<1024x128xi1>, vector<1024x128xf32>
    %mul3A_24 = arith.mulf %select_n3A, %select_n3A : vector<1024x128xf32>
    %reduce_sum3A = vector.shape_cast %mul3A_24 : vector<1024x128xf32> to vector<1x1024x128xf32>
    %reduce_sum3A_25 = arith.constant dense<0.000000e+00> : vector<1xf32>
    %reduce_sum3A_26 = vector.multi_reduction <add>, %reduce_sum3A, %reduce_sum3A_25 [1, 2] : vector<1x1024x128xf32> to vector<1xf32>
    %reduce_sum3A_27 = vector.shape_cast %reduce_sum3A_26 : vector<1xf32> to vector<1x1x1xf32>
    %reduce_sum3A_28 = vector.extract %reduce_sum3A_27[0, 0, 0] : f32 from vector<1x1x1xf32>
    %mul3A_29 = arith.constant 7.812500e-07 : f32
    %mul3A_30 = arith.mulf %reduce_sum3A_28, %mul3A_29 : f32
    %reshape3A = vector.broadcast %mul3A_30 : f32 to vector<1x1xf32>
    %eq3A = arith.constant 0 : i32
    %eq3A_31 = arith.cmpi eq, %arg0, %eq3A : i32
    %convert_element_type3A = arith.extui %eq3A_31 : i1 to i32
    %cond3A = arith.constant 0 : i32
    %cond3A_32 = arith.cmpi ne, %convert_element_type3A, %cond3A : i32
    scf.if %cond3A_32 {
      %swap3A = arith.constant 0 : index
      %swap3A_37 = arith.constant 0 : index
      %swap3A_38 = vector.load %arg5[%swap3A, %swap3A_37] : memref<1x1xf32, #tpu.memory_space<vmem>>, vector<1x1xf32>
      tpu.vector_store %arg5[%swap3A, %swap3A_37], %reshape3A {strides = array<i32>} : memref<1x1xf32, #tpu.memory_space<vmem>>, vector<1x1xf32>,
    } else {
    }
    %gt3A = arith.constant 0 : i32
    %gt3A_33 = arith.cmpi sgt, %arg0, %gt3A : i32
    %convert_element_type3A_34 = arith.extui %gt3A_33 : i1 to i32
    %cond3A_35 = arith.constant 0 : i32
    %cond3A_36 = arith.cmpi ne, %convert_element_type3A_34, %cond3A_35 : i32
    scf.if %cond3A_36 {
      %get3A_37 = arith.constant 0 : index
      %get3A_38 = arith.constant 0 : index
      %get3A_39 = vector.load %arg5[%get3A_37, %get3A_38] : memref<1x1xf32, #tpu.memory_space<vmem>>, vector<1x1xf32>
      %add3A_40 = arith.addf %get3A_39, %reshape3A : vector<1x1xf32>
      %swap3A = arith.constant 0 : index
      %swap3A_41 = arith.constant 0 : index
      %swap3A_42 = vector.load %arg5[%swap3A, %swap3A_41] : memref<1x1xf32, #tpu.memory_space<vmem>>, vector<1x1xf32>
      tpu.vector_store %arg5[%swap3A, %swap3A_41], %add3A_40 {strides = array<i32>} : memref<1x1xf32, #tpu.memory_space<vmem>>, vector<1x1xf32>,
    } else {
    }
    return
  }
  func.func @transform_0(%arg0: i32) -> (i32, i32) {
    %c0_i32 = arith.constant 0 : i32
    %c0_i32_0 = arith.constant 0 : i32
    return %arg0, %c0_i32 : i32, i32
  }
  func.func @transform_1(%arg0: i32) -> (i32, i32) {
    %c0_i32 = arith.constant 0 : i32
    %c0_i32_0 = arith.constant 0 : i32
    return %arg0, %c0_i32 : i32, i32
  }
  func.func @transform_2(%arg0: i32) -> (i32, i32) {
    %c0_i32 = arith.constant 0 : i32
    %c0_i32_0 = arith.constant 0 : i32
    return %arg0, %c0_i32 : i32, i32
  }
  func.func @transform_3(%arg0: i32) -> (i32, i32) {
    %c0_i32 = arith.constant 0 : i32
    %c0_i32_0 = arith.constant 0 : i32
    %c0_i32_1 = arith.constant 0 : i32
    return %c0_i32, %c0_i32_0 : i32, i32
  }
  func.func @transform_4(%arg0: i32) -> (i32, i32) {
    %c0_i32 = arith.constant 0 : i32
    %c0_i32_0 = arith.constant 0 : i32
    %c0_i32_1 = arith.constant 0 : i32
    return %c0_i32, %c0_i32_0 : i32, i32
  }
}

</mosaic_0001>

<sc_bundles>
// kernel: kernel.6.cloned.1.call-start
scs
__scs_entry_jumppad:
0x0: {  	(pc) =	sbr.rel $0x88, $3  }
0x1: {  	(tag) =	ssettag $0x0;
	lr =	simm.s32 $0x1  }
0x2: {  	[smem:$0x3F97] =	sst lr;
	_ =	strace $0xD0000000  }
0x3: {  	_ = 	snop  }
0x4: {  	_ = 	snop  }
0x5: {  	_ = 	snop  }
0x6: {  	_ = 	snop  }
0x7: {  	_ = 	snop  }
__scs_overlays_trampoline_lowered:
0x8: {  	[smem:$0x3FA6] =	sst s0  }
0x9: {  	[smem:$0x3FA7] =	sst s1  }
0xa: {  	[smem:$0x3FA8] =	sst s2  }
0xb: {  	[smem:$0x3FA9] =	sst s3  }
0xc: {  	[smem:$0x3FAA] =	sst s4  }
0xd: {  	[smem:$0x3FAB] =	sst s5  }
0xe: {  	[smem:$0x3FAC] =	sst s6  }
0xf: {  	[smem:$0x3FAD] =	sst s7  }
0x10: {  	[smem:$0x3FAE] =	sst s8  }
0x11: {  	[smem:$0x3FAF] =	sst s9;
	s0 =	simm.s32 @!p0 $0x0  }
0x12: {  	s1 =	sld [smem:$0x3F95];
	s0 =	simm.s32 @p0 $0x1  }
0x13: {  	[smem:$0x3FB0] =	sst s0;
	s0 =	simm.s32 @!p1 $0x0  }
0x14: {  	s2 =	sld [smem:$0x3F94];
	s0 =	simm.s32 @p1 $0x1  }
0x15: {  	[smem:$0x3FB1] =	sst s0;
	s0 =	simm.s32 @!p2 $0x0  }
0x16: {  	s3 =	sld [smem:$0x3FDB];
	s0 =	simm.s32 @p2 $0x1  }
0x17: {  	s4 =	simm.s32 $0x1BF5;
	[smem:$0x3FB3] =	sst s0  }
0x18: {  	s0 =	sld [smem:$0x3F96];
	_ =	swait.ge [sflag:s4], $0x0  }
0x19: {  	s7 =	sld [smem:$0x3F97]  }
0x1a: {  	s8 =	sadd.s32 $0xFFFFE003, lr  }
0x1b: {  	s9 =	sadd.s32 $0xFFFFFEF7, lr;
	s5 =	simm.s32 $0xFFFFFFFF;
	p2 =	slt.u32 s8, $0xFFFFF086  }
0x1c: {  	p1 =	slt.u32 s9, $0xF7A;
	s5 =	simm.s32 @!p2 $0x0  }
0x1d: {  	s5 =	simm.s32 @p1 $0x1;
	p0 =	seq.s32 s7, s2  }
0x1e: {  	s7 =	smul.u32 @!p0 $0xF7A, s2;
	p2 =	seq.s32 @!p0 s5, $0x0  }
0x1f: {  	s9 =	smul.u32 $0xF7A, s1;
	s8 =	simm.s32 @!p0 $0x1BF5;
	p2 =	por !p2, p0  }
0x20: {  	[sflag:s8] =	ssyncset.s32 @!p0 $0xFFFFF086;
	s6 =	sadd.s32 @!p0 s3, s7;
	s7 =	simm.s32 @!p0 $0x108  }
0x21: {  	s3 =	sadd.s32 s3, s9;
	s6 =	sadd.s32 @!p0 $0x88, s6;
	s7 =	simm.s32 @p2 $0x1082  }
0x22: {  	[simem:s7], [sflag:s8] =	dma.local @!p0 [hbm:s6], $0xF7A  }
0x23: {  	s9 =	sor.u32 $0xD0000000, s2;
	s6 =	simm.s32 $0x108;
	_ =	swait.ge @!p0 [sflag:s8], $0x0  }
0x24: {  	s3 =	sadd.s32 $0x88, s3;
	s6 =	simm.s32 @!p1 $0x1082;
	[sflag:s4] =	ssyncset.s32 $0xFFFFF086  }
0x25: {  	[simem:s6], [sflag:s4] =	dma.local [hbm:s3], $0xF7A  }
0x26: {  	[smem:$0x3F97] =	sst s1;
	(tag) =	ssettag s2;
	_ =	strace s9  }
0x27: {  	s1 =	sld [smem:$0x3FA7]  }
0x28: {  	s2 =	sld [smem:$0x3FA8]  }
0x29: {  	s4 =	sld [smem:$0x3FAA]  }
0x2a: {  	p0 =	seq.s32 s5, $0x0;
	s5 =	sld [smem:$0x3FAB]  }
0x2b: {  	s6 =	sld [smem:$0x3FAC]  }
0x2c: {  	s7 =	sld [smem:$0x3FAD]  }
0x2d: {  	s3 =	simm.s32 $0x108;
	s8 =	sld [smem:$0x3FAE]  }
0x2e: {  	s3 =	simm.s32 @!p0 $0x1082;
	s9 =	sld [smem:$0x3FAF]  }
0x2f: {  	lr =	sadd.s32 s0, s3;
	s0 =	sld [smem:$0x3FA6]  }
0x30: {  	s3 =	sld [smem:$0x3FA9]  }
0x31: {  	[smem:$0x3FB2] =	sst s10  }
0x32: {  	s10 =	sld [smem:$0x3FB0];
	_ =	sdelay $0x3  }
0x33: {  	p0 =	seq.s32 s10, $0x1;
	s10 =	sld [smem:$0x3FB2];
	_ =	sdelay $0x3  }
0x34: {  	[smem:$0x3FB2] =	sst s10  }
0x35: {  	s10 =	sld [smem:$0x3FB1];
	_ =	sdelay $0x3  }
0x36: {  	p1 =	seq.s32 s10, $0x1;
	s10 =	sld [smem:$0x3FB2];
	_ =	sdelay $0x3  }
0x37: {  	[smem:$0x3FB2] =	sst s10  }
0x38: {  	s10 =	sld [smem:$0x3FB3]  }
0x39: {  	_ = 	snop;
	(pc) =	sbr.ind lr, $3  }
0x3a: {  	_ = 	snop  }
0x3b: {  	_ = 	snop  }
0x3c: {  	p2 =	seq.s32 s10, $0x1;
	s10 =	sld [smem:$0x3FB2]  }
0x3d: {  	_ =	shalt  }
0x3e: {  	_ =	shalt  }
0x3f: {  	_ =	shalt  }
0x40: {  	_ =	shalt  }
0x41: {  	_ =	shalt  }
0x42: {  	_ =	shalt  }
0x43: {  	_ =	shalt  }
0x44: {  	_ =	shalt  }
0x45: {  	_ =	shalt  }
0x46: {  	_ =	shalt  }
0x47: {  	_ =	shalt  }
0x48: {  	_ =	shalt  }
0x49: {  	_ =	shalt  }
0x4a: {  	_ =	shalt  }
0x4b: {  	_ =	shalt  }
0x4c: {  	_ =	shalt  }
0x4d: {  	_ =	shalt  }
0x4e: {  	_ =	shalt  }
0x4f: {  	_ =	shalt  }
0x50: {  	_ =	shalt  }
0x51: {  	_ =	shalt  }
0x52: {  	_ =	shalt  }
0x53: {  	_ =	shalt  }
0x54: {  	_ =	shalt  }
0x55: {  	_ =	shalt  }
0x56: {  	_ =	shalt  }
0x57: {  	_ =	shalt  }
0x58: {  	_ =	shalt  }
0x59: {  	_ =	shalt  }
0x5a: {  	_ =	shalt  }
0x5b: {  	_ =	shalt  }
0x5c: {  	_ =	shalt  }
0x5d: {  	_ =	shalt  }
0x5e: {  	_ =	shalt  }
0x5f: {  	_ =	shalt  }
0x60: {  	_ =	shalt  }
0x61: {  	_ =	shalt  }
0x62: {  	_ =	shalt  }
0x63: {  	_ =	shalt  }
0x64: {  	_ =	shalt  }
0x65: {  	_ =	shalt  }
0x66: {  	_ =	shalt  }
0x67: {  	_ =	shalt  }
0x68: {  	_ =	shalt  }
0x69: {  	_ =	shalt  }
0x6a: {  	_ =	shalt  }
0x6b: {  	_ =	shalt  }
0x6c: {  	_ =	shalt  }
0x6d: {  	_ =	shalt  }
0x6e: {  	_ =	shalt  }
0x6f: {  	_ =	shalt  }
0x70: {  	_ =	shalt  }
0x71: {  	_ =	shalt  }
0x72: {  	_ =	shalt  }
0x73: {  	_ =	shalt  }
0x74: {  	_ =	shalt  }
0x75: {  	_ =	shalt  }
0x76: {  	_ =	shalt  }
0x77: {  	_ =	shalt  }
0x78: {  	_ =	shalt  }
0x79: {  	_ =	shalt  }
0x7a: {  	_ =	shalt  }
0x7b: {  	_ =	shalt  }
0x7c: {  	_ =	shalt  }
0x7d: {  	_ =	shalt  }
0x7e: {  	_ =	shalt  }
0x7f: {  	_ =	shalt  }
0x80: {  	_ =	shalt  }
0x81: {  	_ =	shalt  }
0x82: {  	_ =	shalt  }
0x83: {  	_ =	shalt  }
0x84: {  	_ =	shalt  }
0x85: {  	_ =	shalt  }
0x86: {  	_ =	shalt  }
0x87: {  	_ =	shalt  }
.Lfunc_end0:
.L_simem_size_0:
called_computation_lowered:
.L_overlay_start_0:
0x88: {  	s2 =	sld [smem:$0x3FD9]  }
0x89: {  	s3 =	sld [smem:$0x3FFE];
	_ =	sdelay $0x1  }
0x8a: {  	s1 =	srdreg.scid  }
0x8b: {  	s0 =	sand.u32 $0x1, s1  }
0x8c: {  	s17 =	sshll.u32 s0, $0xA;
	s2 =	sadd.s32 s3, s2  }
0x8d: {  	s2 =	sadd.s32 s2, s17  }
0x8e: {  	[smem:$0x3FBE] =	sst s2  }
0x8f: {  	_ = 	snop  }
0x90: {  	s2 =	sld [smem:$0x3FC9];
	(tm) =	ssettm $0x1  }
0x91: {  	s18 =	sld [smem:$0x3FFB];
	_ =	sdelay $0x3  }
0x92: {  	_ =	strace s18  }
0x93: {  	s3 =	sld [smem:$0x3FFC];
	_ =	sdelay $0x3  }
0x94: {  	_ =	strace s3  }
0x95: {  	s3 =	sld [smem:$0x3FFD];
	_ =	sdelay $0x3  }
0x96: {  	_ =	strace s3  }
0x97: {  	_ =	strace $0x8FFFFFFF  }
0x98: {  	s19 =	sld [smem:$0x3FDB];
	_ =	sdelay $0x1  }
0x99: {  	s4 =	simm.s32 $_scs_section_size  }
0x9a: {  	s5 =	simm.s32 $_size__tile_overlayer_lowered;
	s6 =	simm.s32 $_tile_overlayer_lowered  }
0x9b: {  	s22 =	simm.s32 $0x1BFF;
	s21 =	sshll.u32 s6, $0x1;
	s3 =	sadd.s32 s4, s19  }
0x9c: {  	s7 =	simm.s32 $0x0;
	s20 =	sshll.u32 s5, $0x1;
	s5 =	sadd.s32 s21, s3  }
0x9d: {  	[timem:s7], [sflag:s22] =	dma.local [hbm:s5], s20  }
0x9e: {  	_ =	swait.ge [sflag:s22], s20  }
0x9f: {  	s4 =	ssub.s32 $0x0, s20;
	[sflag:s22] =	ssyncset.done $0x0  }
0xa0: {  	[sflag:s22] =	ssyncadd.s32 s4;
	_ =	sdelay $0x1  }
0xa1: {  	s23 =	simm.s32 $0x1B8B  }
0xa2: {  	_ =	swait.ge [sflag:s23], $0x1  }
0xa3: {  	[sflag:s23] =	ssyncset.done $0x0  }
0xa4: {  	s25 =	simm.s32 $0x1B8E;
	s24 =	sld [smem:$0x3FFE];
	[sflag:s23] =	ssyncadd.s32 $0xFFFFFFFF  }
0xa5: {  	s26 =	simm.s32 $execute0_lowered;
	[smem:$0x3FD2] =	sst s25  }
0xa6: {  	s5 =	sshll.u32 s26, $0x1;
	_ =	strace $0x80000046;
	[dreg:$0x1] =	wrdreg $0xFFFFFFFF  }
0xa7: {  	s28 =	simm.s32 $_size_execute0_lowered;
	s3 =	sadd.s32 s3, s5;
	[dreg:$0x0] =	wrdreg $0x0  }
0xa8: {  	s5 =	sshll.u32 s28, $0x1;
	[dreg:$0x2] =	wrdreg s3  }
0xa9: {  	[dreg:$0x3] =	wrdreg s5  }
0xaa: {  	[dreg:$0x4] =	wrdreg $0xC0  }
0xab: {  	_ =	task [dreg:s7], $0x5FFFF  }
0xac: {  	[dreg:$0x1] =	wrdreg $0xFFFFFFFF  }
0xad: {  	[dreg:$0x0] =	wrdreg $0x60  }
0xae: {  	[dreg:$0x2] =	wrdreg s2  }
0xaf: {  	[dreg:$0x3] =	wrdreg s24  }
0xb0: {  	[dreg:$0x4] =	wrdreg $0x8C000  }
0xb1: {  	[dreg:$0x5] =	wrdreg $0x1CD000  }
0xb2: {  	[dreg:$0x6] =	wrdreg $0x9  }
0xb3: {  	_ =	task.clear_ibuf [dreg:s7], $0x7FFFF;
	_ =	strace $0x90000046  }
0xb4: {  	s29 =	simm.s32 $0x9;
	_ =	strace $0x80000048  }
0xb5: {  	_ =	swait.ge [sflag:s29], $0x1  }
0xb6: {  	[sflag:s29] =	ssyncadd.s32 $0xFFFFFFFF  }
0xb7: {  	_ =	strace $0x90000048  }
0xb8: {  	_ =	sfence  }
0xb9: {  	s30 =	sld [smem:$0x0];
	_ =	sdelay $0x2  }
0xba: {  	s31 =	sshll.u32 s1, $0xD;
	s1 =	sshrl.u32 s1, $0x2  }
0xbb: {  	s3 =	sand.u32 $0x4000, s31;
	s1 =	sadd.s32 s1, s30  }
0xbc: {  	s0 =	sor.u32 s3, s0;
	s1 =	sshll.u32 s1, $0x11  }
0xbd: {  	s0 =	sor.u32 s1, s0  }
0xbe: {  	s0 =	sadd.s32 $0x8F2B, s0  }
0xbf: {  	[sflag:s0] =	ssyncadd.remote.s32 $0x1  }
0xc0: {  	_ =	sfence.sel $0xFFFF  }
0xc1: {  	[dreg:$0x0] =	wrdreg $0xFFFFFFFF;
	(pc) =	sbr.abs _section_cstart, $3  }
0xc2: {  	[dreg:$0x1] =	wrdreg $0xFFFFFFFF  }
0xc3: {  	_ =	task.clear_ibuf [dreg:s7], $0x2FFFF;
	_ =	strace $0x9FFFFFFF  }
0xc4: {  	(tm) =	ssettm $0x7FFFFFFF  }
0xc5: {  	_ =	shalt  }
tec
execute0_lowered:
.L_overlay_start_1:
0x0: {  	(tag) =	ssettag $0x1  }
0x1: {  	s0 =	rddreg [dreg:$0x0]  }
0x2: {  	s1 =	rddreg [dreg:$0x1]  }
0x3: {  	s3 =	rddreg [dreg:$0x2]  }
0x4: {  	s2 =	srdreg.scid;
	s13 =	stileid.u32  }
0x5: {  	s4 =	rddreg [dreg:$0x3];
	s7 =	simm.s32 $0x0;
	s6 =	smul.u32 $0x14000, s13  }
0x6: {  	s30 =	simm.s32 $0x80;
	s31 =	simm.s32 $0x400;
	s18 =	smul.u32 $0x500, s13  }
0x7: {  	s28 =	simm.s32 $0x8400;
	s2 =	sand.u32 $0x1, s2;
	s12 =	smul.u32 $0x50000, s13  }
0x8: {  	[smem:$0x7FF] =	sst s7;
	s10 =	sadd.s32 $0x1C00, s1;
	s22 =	smul.u32 $0xA00, s13  }
0x9: {  	s5 =	smul.u32 $0x140000, s2;
	_ =	strace $0x80000047;
	p0 =	seq.s32 s2, $0x0  }
0xa: {  	s8 =	sshll.u32 s2, $0x7;
	s9 =	smul.u32 $0x780, s2;
	s21 =	ssub.s32 $0x2, s2  }
0xb: {  	s16 =	smul.u32 $0x78000, s2;
	s7 =	sor.u32 s8, s18;
	s11 =	sshrl.u32 s21, $0x1  }
0xc: {  	s25 =	sshrl.u32 s12, $0x2;
	s5 =	sadd.s32 s6, s5;
	s6 =	simm.s32 $0x78  }
0xd: {  	s7 =	sshrl.u32 s7, $0x3;
	s6 =	simm.s32 @!p0 $0x28;
	s5 =	sshrl.u32 s5, $0x3  }
0xe: {  	s19 =	smul.u32 s13, s6;
	s5 =	sadd.s32 s5, s1;
	s29 =	sshrl.u32 s6, $0x2  }
0xf: {  	s1 =	sadd.s32 s7, s1;
	s18 =	sadd.s32 $0xFFFFFFFC, s6;
	[dreg:$0xd] =	wrdreg s29  }
0x10: {  	s7 =	ssub.s32 s21, s11;
	s21 =	sadd.s32 $0xFFFFFFFB, s6;
	[dreg:$0x5] =	wrdreg s18  }
0x11: {  	s8 =	simm.s32 $0x5;
	s5 =	sadd.s32 $0x15C00, s5;
	[dreg:$0x6] =	wrdreg s21  }
0x12: {  	s1 =	sadd.s32 $0x65C00, s1;
	s9 =	sadd.s32 s9, s19;
	[dreg:$0xe] =	wrdreg s5  }
0x13: {  	s12 =	smax.u32 s7, $0x1;
	[dreg:$0x10] =	wrdreg s1;
	s9 =	sshll.u32 s9, $0x5  }
0x14: {  	s11 =	sadd.s32 s25, s3;
	[dreg:$0x11] =	wrdreg s12;
	s14 =	sadd.s32 s10, s9  }
0x15: {  	s9 =	sshrl.u32 s22, $0x2;
	s22 =	sadd.s32 $0xFFFFFFFA, s6;
	[dreg:$0x9] =	wrdreg s14  }
0x16: {  	s21 =	simm.s32 $0x1;
	s23 =	sadd.s32 $0x20, s14;
	[dreg:$0x7] =	wrdreg s22  }
0x17: {  	s18 =	simm.s32 $0x0;
	s24 =	sadd.s32 $0x40, s14;
	[dreg:$0xa] =	wrdreg s23  }
0x18: {  	s19 =	sshll.u32 s19, $0x8;
	s26 =	sadd.s32 $0x60, s14;
	[dreg:$0xb] =	wrdreg s24  }
0x19: {  	s12 =	simm.s32 $0x8;
	s20 =	sadd.s32 s9, s4;
	[dreg:$0xc] =	wrdreg s26  }
0x1a: {  	s1 =	sadd.s32 s16, s19;
	s13 =	sadd.s32 $0x80, s20;
	[dreg:$0xf] =	wrdreg s20  }
0x1b: {  	s16 =	simm.s32 $0x280;
	s14 =	sadd.s32 $0x100, s20;
	[dreg:$0x12] =	wrdreg s13  }
0x1c: {  	s5 =	sor.u32 $0x500, s1;
	s15 =	sadd.s32 $0x180, s20;
	[dreg:$0x13] =	wrdreg s14  }
0x1d: {  	s25 =	sor.u32 $0x700, s1;
	s17 =	sadd.s32 $0x200, s20;
	[dreg:$0x14] =	wrdreg s15  }
0x1e: {  	s5 =	sshrl.u32 s5, $0x3;
	s23 =	sadd.s32 $0xFFFFFFF9, s6;
	[dreg:$0x15] =	wrdreg s17  }
0x1f: {  	s2 =	sshrl.u32 s25, $0x3;
	s24 =	sadd.s32 s5, s10;
	[dreg:$0x8] =	wrdreg s23  }
0x20: {  	s9 =	simm.s32 $0x1CC00;
	s2 =	sadd.s32 s2, s10;
	[dreg:$0x16] =	wrdreg s24  }
0x21: {  	s26 =	sor.u32 $0x600, s1;
	s1 =	sor.u32 $0x400, s1;
	[dreg:$0x17] =	wrdreg s2  }
0x22: {  	s29 =	sshrl.u32 s26, $0x3;
	s1 =	sshrl.u32 s1, $0x3;
	s26 =	simm.s32 $0x4400  }
0x23: {  	s13 =	simm.s32 $0x6;
	s15 =	simm.s32 $0x180;
	s2 =	sadd.s32 s29, s10  }
0x24: {  	s17 =	simm.s32 $0x380;
	s1 =	sadd.s32 s1, s10;
	[dreg:$0x18] =	wrdreg s2  }
0x25: {  	v0 =	vimm.f32 $0.0e+00;
	v1 =	vimm.f32 $1.000000000e+00;
	s10 =	simm.s32 $0x7;
	[dreg:$0x19] =	wrdreg s1;
	s2 =	simm.s32 $0x9  }
.LBB2_1:
0x26: {  	s1 =	simm.s32 $0x0  }
0x27: {  	s7 =	sand.u32 $0x1E00, s1  }
0x28: {  	s1 =	sand.u32 $0x70, s1;
	s7 =	sshrl.u32 s7, $0x2  }
0x29: {  	s14 =	sor.u32 s1, s7  }
0x2a: {  	s19 =	simm.s32 $0x0;
	s7 =	simm.s32 $0x40;
	[tilespmem:s14+$0x8400] =	vst v0  }
.LBB2_2:
0x2b: {  	p0 =	sne.s32 s7, $0x1FC0  }
0x2c: {  	[tilespmem:s1+$0x1CC00] =	vst v1;
	s19 =	sadd.s32 $0x10, s19;
	s14 =	smov.u32 s7;
	s7 =	sadd.s32 $0x40, s7  }
.Ltmp0:
0x2d: {  	[tilespmem:s1+$0x1CC80] =	vst v0;
	(pc) =	sbr.rel @p0 .LBB2_2-.Ltmp0, $4  }
0x2e: {  	s14 =	sand.u32 $0x1E00, s14  }
0x2f: {  	s1 =	sand.u32 $0x70, s19;
	s14 =	sshrl.u32 s14, $0x2  }
0x30: {  	s14 =	sor.u32 s1, s14  }
0x31: {  	[tilespmem:s14+$0x8400] =	vst v0  }
0x32: {  	[tilespmem:s1+$0x1CC00] =	vst v1  }
0x33: {  	[tilespmem:s1+$0x1CC80] =	vst v0;
	s29 =	simm.s32 $0x0;
	s5 =	rddreg [dreg:$0x9]  }
0x34: {  	[tilespmem:s29], [sflag:$0x1] =	stream.linear.gather [hbm4b:s5+s29], $0x100, $0x38;
	[tilespmem:$0x1CF80] =	vst v63  }
0x35: {  	s19 =	rddreg [dreg:$0xa];
	s7 =	simm.s32 $0x100  }
0x36: {  	[tilespmem:s7], [sflag:$0x2] =	stream.linear.gather [hbm4b:s19+s29], $0x100, $0x38;
	[tilespmem:$0x1CF80] =	vst v63  }
0x37: {  	s22 =	rddreg [dreg:$0xb];
	s14 =	simm.s32 $0x200  }
0x38: {  	[tilespmem:s14], [sflag:$0x3] =	stream.linear.gather [hbm4b:s22+s29], $0x100, $0x38;
	[tilespmem:$0x1CF80] =	vst v63  }
0x39: {  	s23 =	rddreg [dreg:$0xc];
	s24 =	simm.s32 $0x300  }
0x3a: {  	[tilespmem:s24], [sflag:$0x4] =	stream.linear.gather [hbm4b:s23+s29], $0x100, $0x38;
	[tilespmem:$0x1CF80] =	vst v63  }
0x3b: {  	_ =	swait.ge [sflag:s21], $0x100  }
0x3c: {  	[sflag:s21] =	ssyncset.done $0x0  }
0x3d: {  	s25 =	simm.s32 $0x2;
	[sflag:s21] =	ssyncadd.s32 $0xFFFFFF00  }
0x3e: {  	[tilespmem:s31], [sflag:$0x5] =	stream.indirect.gather [hbm4b:s0+s30], $0x80, s29, s30, $0xb8;
	[tilespmem:$0x1CF80] =	vst v63  }
0x3f: {  	_ =	swait.ge [sflag:s25], $0x100  }
0x40: {  	[sflag:s25] =	ssyncset.done $0x0  }
0x41: {  	[sflag:s25] =	ssyncadd.s32 $0xFFFFFF00  }
0x42: {  	[tilespmem:s26], [sflag:$0x6] =	stream.indirect.gather [hbm4b:s0+s30], $0x80, s7, s30, $0xb8;
	[tilespmem:$0x1CF80] =	vst v63  }
0x43: {  	s29 =	sadd.s32 $0x0, s11  }
0x44: {  	[spmem:s29] =	stream.linear.scatter [tilespmem:s28], [sflag:$0x9], $0x800, $0x38;
	[tilespmem:$0x1CF80] =	vst v63  }
0x45: {  	s1 =	simm.s32 $0x2000;
	_ =	swait.ge [sflag:s2], $0x800  }
.LBB2_4:
0x46: {  	s7 =	sshra.s32 s1, $0x2;
	[sflag:s2] =	ssyncset.done $0x0;
	p0 =	seq.s32 s1, $0x4E000  }
.Ltmp1:
0x47: {  	s7 =	sadd.s32 s7, s11;
	[sflag:s2] =	ssyncadd.s32 $0xFFFFF800;
	(pc) =	sbr.rel @!p0 .LBB2_4-.Ltmp1, $3  }
0x48: {  	[spmem:s7] =	stream.linear.scatter [tilespmem:s28], [sflag:$0x9], $0x800, $0x38;
	[tilespmem:$0x1CF80] =	vst v63  }
0x49: {  	s1 =	sadd.s32 $0x2000, s1;
	_ =	sdelay $0x1  }
0x4a: {  	_ =	swait.ge [sflag:s2], $0x800  }
0x4b: {  	[sflag:s2] =	ssyncset.done $0x0  }
0x4c: {  	s5 =	simm.s32 $0x1CC80;
	[sflag:s2] =	ssyncadd.s32 $0xFFFFF800  }
0x4d: {  	[spmem:s20] =	stream.linear.scatter [tilespmem:s5], [sflag:$0x9], $0x80, $0x38;
	[tilespmem:$0x1CF80] =	vst v63  }
0x4e: {  	_ =	swait.ge [sflag:s2], $0x80  }
0x4f: {  	[sflag:s2] =	ssyncset.done $0x0  }
0x50: {  	s1 =	rddreg [dreg:$0x12];
	[sflag:s2] =	ssyncadd.s32 $0xFFFFFF80  }
0x51: {  	[spmem:s1] =	stream.linear.scatter [tilespmem:s5], [sflag:$0x9], $0x80, $0x38;
	[tilespmem:$0x1CF80] =	vst v63  }
0x52: {  	_ =	swait.ge [sflag:s2], $0x80  }
0x53: {  	[sflag:s2] =	ssyncset.done $0x0  }
0x54: {  	s22 =	rddreg [dreg:$0x13];
	[sflag:s2] =	ssyncadd.s32 $0xFFFFFF80  }
0x55: {  	[spmem:s22] =	stream.linear.scatter [tilespmem:s5], [sflag:$0x9], $0x80, $0x38;
	[tilespmem:$0x1CF80] =	vst v63  }
0x56: {  	_ =	swait.ge [sflag:s2], $0x80  }
0x57: {  	[sflag:s2] =	ssyncset.done $0x0  }
0x58: {  	s23 =	rddreg [dreg:$0x14];
	[sflag:s2] =	ssyncadd.s32 $0xFFFFFF80  }
0x59: {  	[spmem:s23] =	stream.linear.scatter [tilespmem:s5], [sflag:$0x9], $0x80, $0x38;
	[tilespmem:$0x1CF80] =	vst v63  }
0x5a: {  	_ =	swait.ge [sflag:s2], $0x80  }
0x5b: {  	[sflag:s2] =	ssyncset.done $0x0  }
0x5c: {  	s24 =	rddreg [dreg:$0x15];
	[sflag:s2] =	ssyncadd.s32 $0xFFFFFF80  }
0x5d: {  	[spmem:s24] =	stream.linear.scatter [tilespmem:s5], [sflag:$0x9], $0x80, $0x38;
	[tilespmem:$0x1CF80] =	vst v63  }
0x5e: {  	_ =	swait.ge [sflag:s2], $0x80  }
0x5f: {  	[sflag:s2] =	ssyncset.done $0x0  }
0x60: {  	[sflag:s2] =	ssyncadd.s32 $0xFFFFFF80  }
0x61: {  	[bflag:$0x0] =	sbarrier.arrive $0xFFFF  }
0x62: {  	_ =	swait.ge [sflag:s8], $0x4000  }
0x63: {  	[sflag:s8] =	ssyncset.done $0x0  }
0x64: {  	[sflag:s8] =	ssyncadd.s32 $0xFFFFC000  }
0x65: {  	[spmem:s3] =	stream.indirect.scatter.add.f32 [tilespmem:s31], [sflag:$0x7], $0x80, s30, s30, $0xb8;
	[tilespmem:$0x1CF80] =	vst v63  }
0x66: {  	_ = 	snop  }
0x67: {  	[spmem:s4] =	stream.indirect.scatter.add.f32 [tilespmem:s9], [sflag:$0x8], $0x1, s30, s30, $0xb8;
	[tilespmem:$0x1CF80] =	vst v63  }
0x68: {  	_ =	swait.ge [sflag:s10], $0x4000  }
0x69: {  	[sflag:s10] =	ssyncset.done $0x0  }
0x6a: {  	[sflag:s10] =	ssyncadd.s32 $0xFFFFC000  }
0x6b: {  	_ =	swait.ge [sflag:s12], $0x80  }
0x6c: {  	p0 =	sle.u32 s6, $0x2;
	s25 =	rddreg [dreg:$0x5]  }
0x6d: {  	s7 =	simm.s32 @!p0 $0x3;
	[sflag:s12] =	ssyncset.done $0x0;
	p1 =	sle.u32 s25, $0x0  }
0x6e: {  	s23 =	rddreg [dreg:$0x19];
	[sflag:s12] =	ssyncadd.s32 $0xFFFFFF80;
	s1 =	simm.s32 @!p1 $0x0  }
0x6f: {  	[tilespmem:s1], [sflag:$0x1] =	stream.linear.gather @!p1 [hbm4b:s23+s1], $0x100, $0x38;
	[tilespmem:$0x1CF80] =	vst v63  }
0x70: {  	_ =	swait.ge @!p0 [sflag:s7], $0x100  }
0x71: {  	s14 =	simm.s32 @!p0 $0x400;
	[sflag:s7] =	ssyncset.done @!p0 $0x0  }
0x72: {  	s21 =	simm.s32 @!p0 $0x200;
	s20 =	simm.s32 @!p0 $0x80;
	[sflag:s7] =	ssyncadd.s32 @!p0 $0xFFFFFF00  }
0x73: {  	[tilespmem:s14], [sflag:$0x5] =	stream.indirect.gather @!p0 [hbm4b:s0+s20], $0x80, s21, s20, $0xb8;
	[tilespmem:$0x1CF80] =	vst v63  }
0x74: {  	_ =	swait.ge [sflag:s13], $0x4000  }
0x75: {  	[sflag:s13] =	ssyncset.done $0x0  }
0x76: {  	[sflag:s13] =	ssyncadd.s32 $0xFFFFC000  }
0x77: {  	[spmem:s3] =	stream.indirect.scatter.add.f32 [tilespmem:s26], [sflag:$0x7], $0x80, s15, s30, $0xb8;
	[tilespmem:$0x1CF80] =	vst v63  }
0x78: {  	_ = 	snop  }
0x79: {  	[spmem:s4] =	stream.indirect.scatter.add.f32 [tilespmem:s9], [sflag:$0x8], $0x1, s15, s30, $0xb8;
	[tilespmem:$0x1CF80] =	vst v63  }
0x7a: {  	_ =	swait.ge [sflag:s10], $0x4000  }
0x7b: {  	[sflag:s10] =	ssyncset.done $0x0  }
0x7c: {  	[sflag:s10] =	ssyncadd.s32 $0xFFFFC000  }
0x7d: {  	p2 =	sle.u32 s6, $0x3;
	_ =	swait.ge [sflag:s12], $0x80  }
0x7e: {  	s14 =	simm.s32 @!p2 $0x4;
	s29 =	rddreg [dreg:$0x6]  }
0x7f: {  	[sflag:s12] =	ssyncset.done $0x0;
	s24 =	rddreg [dreg:$0x16];
	p0 =	sle.u32 s29, $0x0  }
0x80: {  	[sflag:s12] =	ssyncadd.s32 $0xFFFFFF80;
	s7 =	simm.s32 @!p0 $0x0;
	s22 =	simm.s32 @!p0 $0x100  }
0x81: {  	[tilespmem:s22], [sflag:$0x2] =	stream.linear.gather @!p0 [hbm4b:s24+s7], $0x100, $0x38;
	[tilespmem:$0x1CF80] =	vst v63  }
0x82: {  	_ =	swait.ge @!p2 [sflag:s14], $0x100  }
0x83: {  	s20 =	simm.s32 @!p2 $0x80;
	[sflag:s14] =	ssyncset.done @!p2 $0x0  }
0x84: {  	s21 =	simm.s32 @!p2 $0x300;
	s7 =	simm.s32 @!p2 $0x4400;
	[sflag:s14] =	ssyncadd.s32 @!p2 $0xFFFFFF00  }
0x85: {  	[tilespmem:s7], [sflag:$0x6] =	stream.indirect.gather @!p2 [hbm4b:s0+s20], $0x80, s21, s20, $0xb8;
	[tilespmem:$0x1CF80] =	vst v63  }
0x86: {  	_ =	swait.ge [sflag:s8], $0x4000  }
0x87: {  	[sflag:s8] =	ssyncset.done $0x0  }
0x88: {  	[sflag:s8] =	ssyncadd.s32 $0xFFFFC000  }
0x89: {  	[spmem:s3] =	stream.indirect.scatter.add.f32 [tilespmem:s31], [sflag:$0x7], $0x80, s16, s30, $0xb8;
	[tilespmem:$0x1CF80] =	vst v63  }
0x8a: {  	_ = 	snop  }
0x8b: {  	[spmem:s4] =	stream.indirect.scatter.add.f32 [tilespmem:s9], [sflag:$0x8], $0x1, s16, s30, $0xb8;
	[tilespmem:$0x1CF80] =	vst v63  }
0x8c: {  	_ =	swait.ge [sflag:s10], $0x4000  }
0x8d: {  	[sflag:s10] =	ssyncset.done $0x0  }
0x8e: {  	[sflag:s10] =	ssyncadd.s32 $0xFFFFC000  }
0x8f: {  	_ =	swait.ge [sflag:s12], $0x80  }
0x90: {  	s20 =	simm.s32 @!p1 $0x1;
	s5 =	rddreg [dreg:$0x7]  }
0x91: {  	[sflag:s12] =	ssyncset.done $0x0;
	s21 =	rddreg [dreg:$0x18];
	p2 =	sle.u32 s5, $0x0  }
0x92: {  	[sflag:s12] =	ssyncadd.s32 $0xFFFFFF80;
	s7 =	simm.s32 @!p2 $0x0;
	s14 =	simm.s32 @!p2 $0x200  }
0x93: {  	[tilespmem:s14], [sflag:$0x3] =	stream.linear.gather @!p2 [hbm4b:s21+s7], $0x100, $0x38;
	[tilespmem:$0x1CF80] =	vst v63  }
0x94: {  	_ =	swait.ge @!p1 [sflag:s20], $0x100  }
0x95: {  	[sflag:s20] =	ssyncset.done @!p1 $0x0  }
0x96: {  	s7 =	simm.s32 @!p1 $0x80;
	s14 =	simm.s32 @!p1 $0x400;
	[sflag:s20] =	ssyncadd.s32 @!p1 $0xFFFFFF00  }
0x97: {  	[tilespmem:s14], [sflag:$0x5] =	stream.indirect.gather @!p1 [hbm4b:s0+s7], $0x80, s1, s7, $0xb8;
	[tilespmem:$0x1CF80] =	vst v63  }
0x98: {  	_ =	swait.ge [sflag:s13], $0x4000  }
0x99: {  	[sflag:s13] =	ssyncset.done $0x0  }
0x9a: {  	[sflag:s13] =	ssyncadd.s32 $0xFFFFC000  }
0x9b: {  	[spmem:s3] =	stream.indirect.scatter.add.f32 [tilespmem:s26], [sflag:$0x7], $0x80, s17, s30, $0xb8;
	[tilespmem:$0x1CF80] =	vst v63  }
0x9c: {  	_ = 	snop  }
0x9d: {  	[spmem:s4] =	stream.indirect.scatter.add.f32 [tilespmem:s9], [sflag:$0x8], $0x1, s17, s30, $0xb8;
	[tilespmem:$0x1CF80] =	vst v63  }
0x9e: {  	_ =	swait.ge [sflag:s10], $0x4000  }
0x9f: {  	[sflag:s10] =	ssyncset.done $0x0  }
0xa0: {  	[sflag:s10] =	ssyncadd.s32 $0xFFFFC000  }
0xa1: {  	_ =	swait.ge [sflag:s12], $0x80  }
0xa2: {  	s19 =	simm.s32 $0x0;
	s25 =	sadd.s32 $0x80, s23;
	s29 =	rddreg [dreg:$0xd]  }
0xa3: {  	s23 =	simm.s32 @!p0 $0x2;
	s7 =	sadd.s32 $0x80, s21;
	s20 =	sadd.s32 $0xFFFFFFFF, s29  }
0xa4: {  	s14 =	rddreg [dreg:$0x8];
	[sflag:s12] =	ssyncset.done $0x0;
	p1 =	sne.s32 s20, $0x0  }
.Ltmp2:
0xa5: {  	s5 =	rddreg [dreg:$0x17];
	p2 =	sle.u32 s14, $0x0;
	(pc) =	sbr.rel @!p1 .LBB2_7-.Ltmp2, $4  }
0xa6: {  	[sflag:s12] =	ssyncadd.s32 $0xFFFFFF80;
	s1 =	simm.s32 @!p2 $0x0;
	s14 =	simm.s32 @!p2 $0x300  }
0xa7: {  	[tilespmem:s14], [sflag:$0x4] =	stream.linear.gather @!p2 [hbm4b:s5+s1], $0x100, $0x38;
	[tilespmem:$0x1CF80] =	vst v63  }
0xa8: {  	s21 =	sadd.s32 $0x80, s5;
	s1 =	sadd.s32 $0x80, s24;
	_ =	swait.ge @!p0 [sflag:s23], $0x100  }
0xa9: {  	s14 =	simm.s32 @!p0 $0x80;
	s24 =	simm.s32 @!p0 $0x4400;
	[sflag:s23] =	ssyncset.done @!p0 $0x0  }
.LBB2_6:
0xaa: {  	[sflag:s23] =	ssyncadd.s32 @!p0 $0xFFFFFF00  }
0xab: {  	[tilespmem:s24], [sflag:$0x6] =	stream.indirect.gather @!p0 [hbm4b:s0+s14], $0x80, s22, s14, $0xb8;
	[tilespmem:$0x1CF80] =	vst v63  }
0xac: {  	_ =	swait.ge [sflag:s8], $0x4000  }
0xad: {  	[sflag:s8] =	ssyncset.done $0x0  }
0xae: {  	[sflag:s8] =	ssyncadd.s32 $0xFFFFC000  }
0xaf: {  	[spmem:s3] =	stream.indirect.scatter.add.f32 [tilespmem:s31], [sflag:$0x7], $0x80, s30, s30, $0xb8;
	[tilespmem:$0x1CF80] =	vst v63  }
0xb0: {  	_ = 	snop  }
0xb1: {  	[spmem:s4] =	stream.indirect.scatter.add.f32 [tilespmem:s9], [sflag:$0x8], $0x1, s30, s30, $0xb8;
	[tilespmem:$0x1CF80] =	vst v63  }
0xb2: {  	_ =	swait.ge [sflag:s10], $0x4000  }
0xb3: {  	[sflag:s10] =	ssyncset.done $0x0  }
0xb4: {  	[sflag:s10] =	ssyncadd.s32 $0xFFFFC000  }
0xb5: {  	s19 =	sadd.s32 $0x4, s19;
	_ =	swait.ge [sflag:s12], $0x80  }
0xb6: {  	s24 =	sadd.s32 $0x2, s19;
	s23 =	rddreg [dreg:$0x5]  }
0xb7: {  	p0 =	sge.u32 s24, s6;
	[sflag:s12] =	ssyncset.done $0x0;
	p2 =	sge.u32 s19, s23  }
0xb8: {  	s14 =	simm.s32 @!p0 $0x3;
	[sflag:s12] =	ssyncadd.s32 $0xFFFFFF80;
	s23 =	simm.s32 @!p2 $0x0  }
0xb9: {  	[tilespmem:s23], [sflag:$0x1] =	stream.linear.gather @!p2 [hbm4b:s25+s23], $0x100, $0x38;
	[tilespmem:$0x1CF80] =	vst v63  }
0xba: {  	_ =	swait.ge @!p0 [sflag:s14], $0x100  }
0xbb: {  	s22 =	simm.s32 @!p0 $0x400;
	[sflag:s14] =	ssyncset.done @!p0 $0x0  }
0xbc: {  	s24 =	simm.s32 @!p0 $0x80;
	s29 =	simm.s32 @!p0 $0x200;
	[sflag:s14] =	ssyncadd.s32 @!p0 $0xFFFFFF00  }
0xbd: {  	[tilespmem:s22], [sflag:$0x5] =	stream.indirect.gather @!p0 [hbm4b:s0+s24], $0x80, s29, s24, $0xb8;
	[tilespmem:$0x1CF80] =	vst v63  }
0xbe: {  	_ =	swait.ge [sflag:s13], $0x4000  }
0xbf: {  	[sflag:s13] =	ssyncset.done $0x0  }
0xc0: {  	[sflag:s13] =	ssyncadd.s32 $0xFFFFC000  }
0xc1: {  	[spmem:s3] =	stream.indirect.scatter.add.f32 [tilespmem:s26], [sflag:$0x7], $0x80, s15, s30, $0xb8;
	[tilespmem:$0x1CF80] =	vst v63  }
0xc2: {  	_ = 	snop  }
0xc3: {  	[spmem:s4] =	stream.indirect.scatter.add.f32 [tilespmem:s9], [sflag:$0x8], $0x1, s15, s30, $0xb8;
	[tilespmem:$0x1CF80] =	vst v63  }
0xc4: {  	_ =	swait.ge [sflag:s10], $0x4000  }
0xc5: {  	[sflag:s10] =	ssyncset.done $0x0  }
0xc6: {  	[sflag:s10] =	ssyncadd.s32 $0xFFFFC000  }
0xc7: {  	s5 =	sadd.s32 $0x3, s19;
	_ =	swait.ge [sflag:s12], $0x80  }
0xc8: {  	p3 =	sge.u32 s5, s6;
	s29 =	rddreg [dreg:$0x6]  }
0xc9: {  	s24 =	simm.s32 @!p3 $0x4;
	[sflag:s12] =	ssyncset.done $0x0;
	p0 =	sge.u32 s19, s29  }
0xca: {  	[sflag:s12] =	ssyncadd.s32 $0xFFFFFF80;
	s14 =	simm.s32 @!p0 $0x0;
	s22 =	simm.s32 @!p0 $0x100  }
0xcb: {  	[tilespmem:s22], [sflag:$0x2] =	stream.linear.gather @!p0 [hbm4b:s1+s14], $0x100, $0x38;
	[tilespmem:$0x1CF80] =	vst v63  }
0xcc: {  	_ =	swait.ge @!p3 [sflag:s24], $0x100  }
0xcd: {  	s5 =	simm.s32 @!p3 $0x300;
	[sflag:s24] =	ssyncset.done @!p3 $0x0  }
0xce: {  	s29 =	simm.s32 @!p3 $0x80;
	s14 =	simm.s32 @!p3 $0x4400;
	[sflag:s24] =	ssyncadd.s32 @!p3 $0xFFFFFF00  }
0xcf: {  	[tilespmem:s14], [sflag:$0x6] =	stream.indirect.gather @!p3 [hbm4b:s0+s29], $0x80, s5, s29, $0xb8;
	[tilespmem:$0x1CF80] =	vst v63  }
0xd0: {  	_ =	swait.ge [sflag:s8], $0x4000  }
0xd1: {  	[sflag:s8] =	ssyncset.done $0x0  }
0xd2: {  	[sflag:s8] =	ssyncadd.s32 $0xFFFFC000  }
0xd3: {  	[spmem:s3] =	stream.indirect.scatter.add.f32 [tilespmem:s31], [sflag:$0x7], $0x80, s16, s30, $0xb8;
	[tilespmem:$0x1CF80] =	vst v63  }
0xd4: {  	_ = 	snop  }
0xd5: {  	[spmem:s4] =	stream.indirect.scatter.add.f32 [tilespmem:s9], [sflag:$0x8], $0x1, s16, s30, $0xb8;
	[tilespmem:$0x1CF80] =	vst v63  }
0xd6: {  	_ =	swait.ge [sflag:s10], $0x4000  }
0xd7: {  	[sflag:s10] =	ssyncset.done $0x0  }
0xd8: {  	[sflag:s10] =	ssyncadd.s32 $0xFFFFC000  }
0xd9: {  	_ =	swait.ge [sflag:s12], $0x80  }
0xda: {  	s24 =	rddreg [dreg:$0x7];
	[sflag:s12] =	ssyncset.done $0x0  }
0xdb: {  	[sflag:s12] =	ssyncadd.s32 $0xFFFFFF80;
	p3 =	sge.u32 s19, s24  }
0xdc: {  	s24 =	simm.s32 @!p2 $0x1;
	s5 =	simm.s32 @!p3 $0x0;
	s14 =	simm.s32 @!p3 $0x200  }
0xdd: {  	[tilespmem:s14], [sflag:$0x3] =	stream.linear.gather @!p3 [hbm4b:s7+s5], $0x100, $0x38;
	[tilespmem:$0x1CF80] =	vst v63  }
0xde: {  	_ =	swait.ge @!p2 [sflag:s24], $0x100  }
0xdf: {  	[sflag:s24] =	ssyncset.done @!p2 $0x0  }
0xe0: {  	s5 =	simm.s32 @!p2 $0x80;
	s14 =	simm.s32 @!p2 $0x400;
	[sflag:s24] =	ssyncadd.s32 @!p2 $0xFFFFFF00  }
0xe1: {  	[tilespmem:s14], [sflag:$0x5] =	stream.indirect.gather @!p2 [hbm4b:s0+s5], $0x80, s23, s5, $0xb8;
	[tilespmem:$0x1CF80] =	vst v63  }
0xe2: {  	_ =	swait.ge [sflag:s13], $0x4000  }
0xe3: {  	[sflag:s13] =	ssyncset.done $0x0  }
0xe4: {  	[sflag:s13] =	ssyncadd.s32 $0xFFFFC000  }
0xe5: {  	[spmem:s3] =	stream.indirect.scatter.add.f32 [tilespmem:s26], [sflag:$0x7], $0x80, s17, s30, $0xb8;
	[tilespmem:$0x1CF80] =	vst v63  }
0xe6: {  	_ = 	snop  }
0xe7: {  	[spmem:s4] =	stream.indirect.scatter.add.f32 [tilespmem:s9], [sflag:$0x8], $0x1, s17, s30, $0xb8;
	[tilespmem:$0x1CF80] =	vst v63  }
0xe8: {  	_ =	swait.ge [sflag:s10], $0x4000  }
0xe9: {  	[sflag:s10] =	ssyncset.done $0x0  }
0xea: {  	s20 =	sadd.s32 $0xFFFFFFFF, s20;
	[sflag:s10] =	ssyncadd.s32 $0xFFFFC000  }
0xeb: {  	p1 =	sne.s32 s20, $0x0;
	s25 =	sadd.s32 $0x80, s25;
	_ =	swait.ge [sflag:s12], $0x80  }
0xec: {  	s1 =	sadd.s32 $0x80, s1;
	s23 =	simm.s32 @!p0 $0x2;
	s29 =	rddreg [dreg:$0x8]  }
.Ltmp3:
0xed: {  	[sflag:s12] =	ssyncset.done $0x0;
	p2 =	sge.u32 s19, s29;
	(pc) =	sbr.rel @p1 .LBB2_6-.Ltmp3, $4  }
0xee: {  	[sflag:s12] =	ssyncadd.s32 $0xFFFFFF80;
	s5 =	simm.s32 @!p2 $0x0;
	s14 =	simm.s32 @!p2 $0x300  }
0xef: {  	[tilespmem:s14], [sflag:$0x4] =	stream.linear.gather @!p2 [hbm4b:s21+s5], $0x100, $0x38;
	[tilespmem:$0x1CF80] =	vst v63  }
0xf0: {  	s7 =	sadd.s32 $0x80, s7;
	s24 =	simm.s32 @!p0 $0x4400;
	_ =	swait.ge @!p0 [sflag:s23], $0x100  }
0xf1: {  	s21 =	sadd.s32 $0x80, s21;
	s14 =	simm.s32 @!p0 $0x80;
	[sflag:s23] =	ssyncset.done @!p0 $0x0  }
.LBB2_7:
0xf2: {  	[sflag:s23] =	ssyncadd.s32 @!p0 $0xFFFFFF00;
	s1 =	stileid.u32  }
0xf3: {  	[tilespmem:s24], [sflag:$0x6] =	stream.indirect.gather @!p0 [hbm4b:s0+s14], $0x80, s22, s14, $0xb8;
	[tilespmem:$0x1CF80] =	vst v63  }
0xf4: {  	s1 =	sshll.u32 s1, $0x6;
	[bflag:$0x0] =	sbarrier.arrive $0xFFFF  }
0xf5: {  	s5 =	sshrl.u32 s11, $0x3;
	s1 =	sor.u32 $0x1C09, s1;
	s7 =	rddreg [dreg:$0xe]  }
0xf6: {  	[hbm:s7], [sflag:s1] =	dma.local [spmem:s5], $0x2800  }
0xf7: {  	s21 =	simm.s32 $0x1;
	s25 =	simm.s32 $0x20;
	_ =	swait.ge [sflag:s2], $0x2800  }
0xf8: {  	s19 =	simm.s32 $0x10;
	[sflag:s2] =	ssyncset.done $0x0;
	s20 =	rddreg [dreg:$0xf]  }
0xf9: {  	s24 =	rddreg [dreg:$0x10];
	[sflag:s2] =	ssyncadd.s32 $0xFFFFD800;
	s23 =	sshrl.u32 s20, $0x3  }
0xfa: {  	[hbm:s24@s25], [sflag:s1] =	dma.strided [spmem:s23@s19], $0x50, s21, $0x10   }
0xfb: {  	_ =	swait.ge [sflag:s2], $0x50  }
0xfc: {  	s18 =	sadd.s32 $0x1, s18;
	s29 =	rddreg [dreg:$0x11]  }
0xfd: {  	p0 =	sne.s32 s18, s29  }
.Ltmp4:
0xfe: {  	_ = 	snop;
	(pc) =	sbr.rel @p0 .LBB2_1-.Ltmp4, $3  }
0xff: {  	_ =	sdelay $0x1  }
0x100: {  	[sflag:s2] =	ssyncset.done $0x0  }
0x101: {  	[sflag:s2] =	ssyncadd.s32 $0xFFFFFFB0  }
0x102: {  	_ =	sfence.sel $0x180000  }
0x103: {  	[bflag:$0x0] =	sbarrier.arrive $0xFFFF  }
0x104: {  	_ =	strace $0x90000047  }
0x105: {  	s0 =	stileid.u32;
	[bflag:$0x2] =	sbarrier.arrive $0xFFFF  }
0x106: {  	p0 =	sne.s32 s0, $0x0;
	s0 =	rddreg [dreg:$0x4]  }
0x107: {  	s0 =	sadd.s32 @!p0 $0x100000, s0  }
0x108: {  	[sflag:s0] =	ssyncadd.tile.s32 @!p0 $0x1;
	_ =	shalt  }
.Lfunc_end2:
_tile_overlayer_lowered:
.L_overlay_start_2:
0x109: {  	(tag) =	ssettag $0x2  }
0x10a: {  	s0 =	rddreg [dreg:$0x0];
	s2 =	stileid.u32  }
0x10b: {  	s1 =	rddreg [dreg:$0x1];
	p0 =	sne.s32 s2, $0x0  }
0x10c: {  	s3 =	rddreg [dreg:$0x2];
	[bflag:$0x3] =	sbarrier.arrive $0xFFFF;
	s2 =	simm.s32 @!p0 $0x1C09  }
0x10d: {  	[timem:s3], [sflag:s2] =	dma.local @!p0 [hbm:s0], s1  }
0x10e: {  	s0 =	simm.s32 @!p0 $0x9  }
0x10f: {  	_ =	swait.ge @!p0 [sflag:s0], s1  }
0x110: {  	s1 =	ssub.s32 @!p0 $0x0, s1;
	[sflag:s0] =	ssyncset.done @!p0 $0x0  }
0x111: {  	[sflag:s0] =	ssyncadd.s32 @!p0 s1  }
0x112: {  	[bflag:$0x3] =	sbarrier.arrive $0xFFFF  }
0x113: {  	_ =	shalt  }

// kernel: kernel.9.cloned.1.call-start
scs
__scs_entry_jumppad:
0x0: {  	(pc) =	sbr.rel $0x88, $3  }
0x1: {  	(tag) =	ssettag $0x0;
	lr =	simm.s32 $0x1  }
0x2: {  	[smem:$0x3F97] =	sst lr;
	_ =	strace $0xD0000000  }
0x3: {  	_ = 	snop  }
0x4: {  	_ = 	snop  }
0x5: {  	_ = 	snop  }
0x6: {  	_ = 	snop  }
0x7: {  	_ = 	snop  }
__scs_overlays_trampoline_lowered:
0x8: {  	[smem:$0x3FA6] =	sst s0  }
0x9: {  	[smem:$0x3FA7] =	sst s1  }
0xa: {  	[smem:$0x3FA8] =	sst s2  }
0xb: {  	[smem:$0x3FA9] =	sst s3  }
0xc: {  	[smem:$0x3FAA] =	sst s4  }
0xd: {  	[smem:$0x3FAB] =	sst s5  }
0xe: {  	[smem:$0x3FAC] =	sst s6  }
0xf: {  	[smem:$0x3FAD] =	sst s7  }
0x10: {  	[smem:$0x3FAE] =	sst s8  }
0x11: {  	[smem:$0x3FAF] =	sst s9;
	s0 =	simm.s32 @!p0 $0x0  }
0x12: {  	s1 =	sld [smem:$0x3F95];
	s0 =	simm.s32 @p0 $0x1  }
0x13: {  	[smem:$0x3FB0] =	sst s0;
	s0 =	simm.s32 @!p1 $0x0  }
0x14: {  	s2 =	sld [smem:$0x3F94];
	s0 =	simm.s32 @p1 $0x1  }
0x15: {  	[smem:$0x3FB1] =	sst s0;
	s0 =	simm.s32 @!p2 $0x0  }
0x16: {  	s3 =	sld [smem:$0x3FDB];
	s0 =	simm.s32 @p2 $0x1  }
0x17: {  	s4 =	simm.s32 $0x1BF5;
	[smem:$0x3FB3] =	sst s0  }
0x18: {  	s0 =	sld [smem:$0x3F96];
	_ =	swait.ge [sflag:s4], $0x0  }
0x19: {  	s7 =	sld [smem:$0x3F97]  }
0x1a: {  	s8 =	sadd.s32 $0xFFFFE003, lr  }
0x1b: {  	s9 =	sadd.s32 $0xFFFFFEF7, lr;
	s5 =	simm.s32 $0xFFFFFFFF;
	p2 =	slt.u32 s8, $0xFFFFF086  }
0x1c: {  	p1 =	slt.u32 s9, $0xF7A;
	s5 =	simm.s32 @!p2 $0x0  }
0x1d: {  	s5 =	simm.s32 @p1 $0x1;
	p0 =	seq.s32 s7, s2  }
0x1e: {  	s7 =	smul.u32 @!p0 $0xF7A, s2;
	p2 =	seq.s32 @!p0 s5, $0x0  }
0x1f: {  	s9 =	smul.u32 $0xF7A, s1;
	s8 =	simm.s32 @!p0 $0x1BF5;
	p2 =	por !p2, p0  }
0x20: {  	[sflag:s8] =	ssyncset.s32 @!p0 $0xFFFFF086;
	s6 =	sadd.s32 @!p0 s3, s7;
	s7 =	simm.s32 @!p0 $0x108  }
0x21: {  	s3 =	sadd.s32 s3, s9;
	s6 =	sadd.s32 @!p0 $0x88, s6;
	s7 =	simm.s32 @p2 $0x1082  }
0x22: {  	[simem:s7], [sflag:s8] =	dma.local @!p0 [hbm:s6], $0xF7A  }
0x23: {  	s9 =	sor.u32 $0xD0000000, s2;
	s6 =	simm.s32 $0x108;
	_ =	swait.ge @!p0 [sflag:s8], $0x0  }
0x24: {  	s3 =	sadd.s32 $0x88, s3;
	s6 =	simm.s32 @!p1 $0x1082;
	[sflag:s4] =	ssyncset.s32 $0xFFFFF086  }
0x25: {  	[simem:s6], [sflag:s4] =	dma.local [hbm:s3], $0xF7A  }
0x26: {  	[smem:$0x3F97] =	sst s1;
	(tag) =	ssettag s2;
	_ =	strace s9  }
0x27: {  	s1 =	sld [smem:$0x3FA7]  }
0x28: {  	s2 =	sld [smem:$0x3FA8]  }
0x29: {  	s4 =	sld [smem:$0x3FAA]  }
0x2a: {  	p0 =	seq.s32 s5, $0x0;
	s5 =	sld [smem:$0x3FAB]  }
0x2b: {  	s6 =	sld [smem:$0x3FAC]  }
0x2c: {  	s7 =	sld [smem:$0x3FAD]  }
0x2d: {  	s3 =	simm.s32 $0x108;
	s8 =	sld [smem:$0x3FAE]  }
0x2e: {  	s3 =	simm.s32 @!p0 $0x1082;
	s9 =	sld [smem:$0x3FAF]  }
0x2f: {  	lr =	sadd.s32 s0, s3;
	s0 =	sld [smem:$0x3FA6]  }
0x30: {  	s3 =	sld [smem:$0x3FA9]  }
0x31: {  	[smem:$0x3FB2] =	sst s10  }
0x32: {  	s10 =	sld [smem:$0x3FB0];
	_ =	sdelay $0x3  }
0x33: {  	p0 =	seq.s32 s10, $0x1;
	s10 =	sld [smem:$0x3FB2];
	_ =	sdelay $0x3  }
0x34: {  	[smem:$0x3FB2] =	sst s10  }
0x35: {  	s10 =	sld [smem:$0x3FB1];
	_ =	sdelay $0x3  }
0x36: {  	p1 =	seq.s32 s10, $0x1;
	s10 =	sld [smem:$0x3FB2];
	_ =	sdelay $0x3  }
0x37: {  	[smem:$0x3FB2] =	sst s10  }
0x38: {  	s10 =	sld [smem:$0x3FB3]  }
0x39: {  	_ = 	snop;
	(pc) =	sbr.ind lr, $3  }
0x3a: {  	_ = 	snop  }
0x3b: {  	_ = 	snop  }
0x3c: {  	p2 =	seq.s32 s10, $0x1;
	s10 =	sld [smem:$0x3FB2]  }
0x3d: {  	_ =	shalt  }
0x3e: {  	_ =	shalt  }
0x3f: {  	_ =	shalt  }
0x40: {  	_ =	shalt  }
0x41: {  	_ =	shalt  }
0x42: {  	_ =	shalt  }
0x43: {  	_ =	shalt  }
0x44: {  	_ =	shalt  }
0x45: {  	_ =	shalt  }
0x46: {  	_ =	shalt  }
0x47: {  	_ =	shalt  }
0x48: {  	_ =	shalt  }
0x49: {  	_ =	shalt  }
0x4a: {  	_ =	shalt  }
0x4b: {  	_ =	shalt  }
0x4c: {  	_ =	shalt  }
0x4d: {  	_ =	shalt  }
0x4e: {  	_ =	shalt  }
0x4f: {  	_ =	shalt  }
0x50: {  	_ =	shalt  }
0x51: {  	_ =	shalt  }
0x52: {  	_ =	shalt  }
0x53: {  	_ =	shalt  }
0x54: {  	_ =	shalt  }
0x55: {  	_ =	shalt  }
0x56: {  	_ =	shalt  }
0x57: {  	_ =	shalt  }
0x58: {  	_ =	shalt  }
0x59: {  	_ =	shalt  }
0x5a: {  	_ =	shalt  }
0x5b: {  	_ =	shalt  }
0x5c: {  	_ =	shalt  }
0x5d: {  	_ =	shalt  }
0x5e: {  	_ =	shalt  }
0x5f: {  	_ =	shalt  }
0x60: {  	_ =	shalt  }
0x61: {  	_ =	shalt  }
0x62: {  	_ =	shalt  }
0x63: {  	_ =	shalt  }
0x64: {  	_ =	shalt  }
0x65: {  	_ =	shalt  }
0x66: {  	_ =	shalt  }
0x67: {  	_ =	shalt  }
0x68: {  	_ =	shalt  }
0x69: {  	_ =	shalt  }
0x6a: {  	_ =	shalt  }
0x6b: {  	_ =	shalt  }
0x6c: {  	_ =	shalt  }
0x6d: {  	_ =	shalt  }
0x6e: {  	_ =	shalt  }
0x6f: {  	_ =	shalt  }
0x70: {  	_ =	shalt  }
0x71: {  	_ =	shalt  }
0x72: {  	_ =	shalt  }
0x73: {  	_ =	shalt  }
0x74: {  	_ =	shalt  }
0x75: {  	_ =	shalt  }
0x76: {  	_ =	shalt  }
0x77: {  	_ =	shalt  }
0x78: {  	_ =	shalt  }
0x79: {  	_ =	shalt  }
0x7a: {  	_ =	shalt  }
0x7b: {  	_ =	shalt  }
0x7c: {  	_ =	shalt  }
0x7d: {  	_ =	shalt  }
0x7e: {  	_ =	shalt  }
0x7f: {  	_ =	shalt  }
0x80: {  	_ =	shalt  }
0x81: {  	_ =	shalt  }
0x82: {  	_ =	shalt  }
0x83: {  	_ =	shalt  }
0x84: {  	_ =	shalt  }
0x85: {  	_ =	shalt  }
0x86: {  	_ =	shalt  }
0x87: {  	_ =	shalt  }
.Lfunc_end0:
.L_simem_size_0:
called_computation.1_lowered:
.L_overlay_start_0:
0x88: {  	s2 =	sld [smem:$0x3FD9]  }
0x89: {  	s3 =	sld [smem:$0x3FFE];
	_ =	sdelay $0x1  }
0x8a: {  	s1 =	srdreg.scid  }
0x8b: {  	s0 =	sand.u32 $0x1, s1  }
0x8c: {  	s16 =	sshll.u32 s0, $0xA;
	s2 =	sadd.s32 s3, s2  }
0x8d: {  	s2 =	sadd.s32 s2, s16  }
0x8e: {  	[smem:$0x3FBE] =	sst s2  }
0x8f: {  	_ = 	snop  }
0x90: {  	(tm) =	ssettm $0x1  }
0x91: {  	s17 =	sld [smem:$0x3FFB];
	_ =	sdelay $0x3  }
0x92: {  	_ =	strace s17  }
0x93: {  	s2 =	sld [smem:$0x3FFC];
	_ =	sdelay $0x3  }
0x94: {  	_ =	strace s2  }
0x95: {  	s2 =	sld [smem:$0x3FFD];
	_ =	sdelay $0x3  }
0x96: {  	_ =	strace s2  }
0x97: {  	_ =	strace $0x8FFFFFFF  }
0x98: {  	s18 =	sld [smem:$0x3FDB];
	_ =	sdelay $0x1  }
0x99: {  	s19 =	simm.s32 $_scs_section_size  }
0x9a: {  	s4 =	simm.s32 $_size__tile_overlayer_lowered;
	s5 =	simm.s32 $_tile_overlayer_lowered  }
0x9b: {  	s22 =	simm.s32 $0x1BFF;
	s21 =	sshll.u32 s5, $0x1;
	s2 =	sadd.s32 s19, s18  }
0x9c: {  	s6 =	simm.s32 $0x0;
	s20 =	sshll.u32 s4, $0x1;
	s4 =	sadd.s32 s21, s2  }
0x9d: {  	[timem:s6], [sflag:s22] =	dma.local [hbm:s4], s20  }
0x9e: {  	_ =	swait.ge [sflag:s22], s20  }
0x9f: {  	s3 =	ssub.s32 $0x0, s20;
	[sflag:s22] =	ssyncset.done $0x0  }
0xa0: {  	[sflag:s22] =	ssyncadd.s32 s3;
	_ =	sdelay $0x1  }
0xa1: {  	s23 =	simm.s32 $0x1B8B  }
0xa2: {  	_ =	swait.ge [sflag:s23], $0x1  }
0xa3: {  	[sflag:s23] =	ssyncset.done $0x0  }
0xa4: {  	s25 =	simm.s32 $0x1B8E;
	s24 =	sld [smem:$0x3FFE];
	[sflag:s23] =	ssyncadd.s32 $0xFFFFFFFF  }
0xa5: {  	s26 =	simm.s32 $execute0_lowered;
	[smem:$0x3FD2] =	sst s25  }
0xa6: {  	s4 =	sshll.u32 s26, $0x1;
	_ =	strace $0x80000049;
	[dreg:$0x1] =	wrdreg $0xFFFFFFFF  }
0xa7: {  	s28 =	simm.s32 $_size_execute0_lowered;
	s2 =	sadd.s32 s2, s4;
	[dreg:$0x0] =	wrdreg $0x0  }
0xa8: {  	s4 =	sshll.u32 s28, $0x1;
	[dreg:$0x2] =	wrdreg s2  }
0xa9: {  	[dreg:$0x3] =	wrdreg s4  }
0xaa: {  	[dreg:$0x4] =	wrdreg $0xC0  }
0xab: {  	_ =	task [dreg:s6], $0x5FFFF  }
0xac: {  	[dreg:$0x1] =	wrdreg $0xFFFFFFFF  }
0xad: {  	[dreg:$0x0] =	wrdreg $0x60  }
0xae: {  	[dreg:$0x2] =	wrdreg s24  }
0xaf: {  	[dreg:$0x3] =	wrdreg $0x8C000  }
0xb0: {  	[dreg:$0x4] =	wrdreg $0x9  }
0xb1: {  	_ =	task.clear_ibuf [dreg:s6], $0x5FFFF;
	_ =	strace $0x90000049  }
0xb2: {  	s29 =	simm.s32 $0x9;
	_ =	strace $0x8000004B  }
0xb3: {  	_ =	swait.ge [sflag:s29], $0x1  }
0xb4: {  	[sflag:s29] =	ssyncadd.s32 $0xFFFFFFFF  }
0xb5: {  	_ =	strace $0x9000004B  }
0xb6: {  	_ =	sfence  }
0xb7: {  	s30 =	sld [smem:$0x0];
	_ =	sdelay $0x2  }
0xb8: {  	s31 =	sshll.u32 s1, $0xD;
	s1 =	sshrl.u32 s1, $0x2  }
0xb9: {  	s3 =	sand.u32 $0x4000, s31;
	s1 =	sadd.s32 s1, s30  }
0xba: {  	s0 =	sor.u32 s3, s0;
	s1 =	sshll.u32 s1, $0x11  }
0xbb: {  	s0 =	sor.u32 s1, s0  }
0xbc: {  	s0 =	sadd.s32 $0x8F2B, s0  }
0xbd: {  	[sflag:s0] =	ssyncadd.remote.s32 $0x1  }
0xbe: {  	_ =	sfence.sel $0xFFFF  }
0xbf: {  	[dreg:$0x0] =	wrdreg $0xFFFFFFFF;
	(pc) =	sbr.abs _section_cstart, $3  }
0xc0: {  	[dreg:$0x1] =	wrdreg $0xFFFFFFFF  }
0xc1: {  	_ =	task.clear_ibuf [dreg:s6], $0x2FFFF;
	_ =	strace $0x9FFFFFFF  }
0xc2: {  	(tm) =	ssettm $0x7FFFFFFF  }
0xc3: {  	_ =	shalt  }
tec
execute0_lowered:
.L_overlay_start_1:
0x0: {  	(tag) =	ssettag $0x1  }
0x1: {  	s0 =	rddreg [dreg:$0x0]  }
0x2: {  	s1 =	rddreg [dreg:$0x1];
	s3 =	simm.s32 $0x0;
	s2 =	srdreg.scid  }
0x3: {  	s11 =	stileid.u32;
	s4 =	simm.s32 $0x78;
	s28 =	simm.s32 $0x8  }
0x4: {  	s29 =	simm.s32 $0x5;
	s30 =	simm.s32 $0x7;
	s31 =	simm.s32 $0x6  }
0x5: {  	[smem:$0x7FF] =	sst s3;
	s2 =	sand.u32 $0x1, s2;
	s6 =	smul.u32 $0x14000, s11  }
0x6: {  	s5 =	sadd.s32 $0x15C00, s0;
	s24 =	smul.u32 $0x140000, s2;
	p0 =	seq.s32 s2, $0x0  }
0x7: {  	s9 =	sadd.s32 $0x1C00, s0;
	s7 =	smul.u32 $0x780, s2;
	s4 =	simm.s32 @!p0 $0x28  }
0x8: {  	_ =	strace $0x8000004A;
	s25 =	ssub.s32 $0x2, s2;
	s14 =	sshrl.u32 s4, $0x2  }
0x9: {  	s2 =	smul.u32 $0x78000, s2;
	s15 =	sadd.s32 $0xFFFFFFFC, s4;
	[dreg:$0xe] =	wrdreg s14  }
0xa: {  	s10 =	sshrl.u32 s25, $0x1;
	s16 =	sadd.s32 $0xFFFFFFFB, s4;
	[dreg:$0x3] =	wrdreg s15  }
0xb: {  	s8 =	smul.u32 s11, s4;
	s18 =	sadd.s32 $0xFFFFFFFA, s4;
	[dreg:$0x5] =	wrdreg s16  }
0xc: {  	s3 =	sadd.s32 s6, s24;
	s19 =	sadd.s32 $0xFFFFFFF9, s4;
	[dreg:$0x7] =	wrdreg s18  }
0xd: {  	s11 =	smul.u32 $0x50000, s11;
	s24 =	simm.s32 $0x180;
	[dreg:$0x9] =	wrdreg s19  }
0xe: {  	s26 =	ssub.s32 s25, s10;
	s25 =	simm.s32 $0x280;
	[dreg:$0x4] =	wrdreg s24  }
0xf: {  	s3 =	sshrl.u32 s3, $0x3;
	[dreg:$0x6] =	wrdreg s25;
	s24 =	simm.s32 $0x2  }
0x10: {  	s25 =	simm.s32 $0x4400;
	s7 =	sadd.s32 s7, s8;
	s0 =	sadd.s32 s3, s0  }
0x11: {  	s13 =	sshrl.u32 s11, $0x2;
	s17 =	sshll.u32 s8, $0x8;
	s3 =	smax.u32 s26, $0x1  }
0x12: {  	s26 =	simm.s32 $0x380;
	s7 =	sshll.u32 s7, $0x5;
	[dreg:$0x10] =	wrdreg s3  }
0x13: {  	s0 =	sadd.s32 $0x3DC00, s0;
	s2 =	sadd.s32 s2, s17;
	[dreg:$0x8] =	wrdreg s26  }
0x14: {  	s26 =	simm.s32 $0x8400;
	s10 =	sadd.s32 s9, s7;
	[dreg:$0xf] =	wrdreg s0  }
0x15: {  	s21 =	sor.u32 $0x700, s2;
	s22 =	sor.u32 $0x600, s2;
	s7 =	sadd.s32 $0x20, s10  }
0x16: {  	s12 =	sadd.s32 $0x40, s10;
	[dreg:$0xa] =	wrdreg s10;
	s6 =	sadd.s32 $0x60, s10  }
0x17: {  	s10 =	sadd.s32 s13, s1;
	s0 =	sshrl.u32 s21, $0x3;
	[dreg:$0xb] =	wrdreg s7  }
0x18: {  	s3 =	sshrl.u32 s22, $0x3;
	s21 =	simm.s32 $0x1;
	[dreg:$0xc] =	wrdreg s12  }
0x19: {  	s22 =	simm.s32 $0x80;
	[dreg:$0xd] =	wrdreg s6;
	s7 =	sor.u32 $0x500, s2  }
0x1a: {  	s2 =	sor.u32 $0x400, s2;
	s15 =	sadd.s32 s0, s9;
	s16 =	sadd.s32 s3, s9  }
0x1b: {  	s0 =	simm.s32 $0x0;
	s20 =	sshrl.u32 s7, $0x3;
	s23 =	sshrl.u32 s2, $0x3  }
0x1c: {  	v0 =	vimm.f32 $0.0e+00;
	s14 =	sadd.s32 s20, s9;
	s17 =	sadd.s32 s23, s9;
	s23 =	simm.s32 $0x400  }
.LBB2_1:
0x1d: {  	s3 =	simm.s32 $0x0  }
0x1e: {  	s2 =	sand.u32 $0x1E00, s3  }
0x1f: {  	s3 =	sand.u32 $0x70, s3;
	s7 =	sshrl.u32 s2, $0x2  }
0x20: {  	s2 =	simm.s32 $0x40;
	s7 =	sor.u32 s3, s7;
	s3 =	simm.s32 $0x0  }
.LBB2_2:
0x21: {  	p0 =	sne.s32 s2, $0x1FC0  }
0x22: {  	[tilespmem:s7+$0x8400] =	vst v0;
	s3 =	sadd.s32 $0x10, s3;
	s7 =	smov.u32 s2;
	s2 =	sadd.s32 $0x40, s2  }
.Ltmp0:
0x23: {  	(pc) =	sbr.rel @p0 .LBB2_2-.Ltmp0, $4  }
0x24: {  	_ = 	snop  }
0x25: {  	s7 =	sand.u32 $0x1E00, s7  }
0x26: {  	s8 =	sand.u32 $0x70, s3;
	s7 =	sshrl.u32 s7, $0x2  }
0x27: {  	s7 =	sor.u32 s8, s7  }
0x28: {  	[tilespmem:s7+$0x8400] =	vst v0;
	s2 =	simm.s32 $0x0;
	s3 =	rddreg [dreg:$0xa]  }
0x29: {  	[tilespmem:s2], [sflag:$0x1] =	stream.linear.gather [hbm4b:s3+s2], $0x100, $0x38;
	[tilespmem:$0x1CC00] =	vst v63  }
0x2a: {  	s11 =	rddreg [dreg:$0xb];
	s6 =	simm.s32 $0x100  }
0x2b: {  	[tilespmem:s6], [sflag:$0x2] =	stream.linear.gather [hbm4b:s11+s2], $0x100, $0x38;
	[tilespmem:$0x1CC00] =	vst v63  }
0x2c: {  	s12 =	rddreg [dreg:$0xc];
	s13 =	simm.s32 $0x200  }
0x2d: {  	[tilespmem:s13], [sflag:$0x3] =	stream.linear.gather [hbm4b:s12+s2], $0x100, $0x38;
	[tilespmem:$0x1CC00] =	vst v63  }
0x2e: {  	s18 =	rddreg [dreg:$0xd];
	s19 =	simm.s32 $0x300  }
0x2f: {  	[tilespmem:s19], [sflag:$0x4] =	stream.linear.gather [hbm4b:s18+s2], $0x100, $0x38;
	[tilespmem:$0x1CC00] =	vst v63  }
0x30: {  	_ =	swait.ge [sflag:s21], $0x100  }
0x31: {  	[sflag:s21] =	ssyncset.done $0x0  }
0x32: {  	[sflag:s21] =	ssyncadd.s32 $0xFFFFFF00  }
0x33: {  	[tilespmem:s23], [sflag:$0x5] =	stream.indirect.gather [hbm4b:s5+s22], $0x80, s2, s22, $0xb8;
	[tilespmem:$0x1CC00] =	vst v63  }
0x34: {  	_ =	swait.ge [sflag:s24], $0x100  }
0x35: {  	[sflag:s24] =	ssyncset.done $0x0  }
0x36: {  	[sflag:s24] =	ssyncadd.s32 $0xFFFFFF00  }
0x37: {  	[tilespmem:s25], [sflag:$0x6] =	stream.indirect.gather [hbm4b:s5+s22], $0x80, s6, s22, $0xb8;
	[tilespmem:$0x1CC00] =	vst v63  }
0x38: {  	s20 =	sadd.s32 $0x0, s10  }
0x39: {  	[spmem:s20] =	stream.linear.scatter [tilespmem:s26], [sflag:$0x8], $0x800, $0x38;
	[tilespmem:$0x1CC00] =	vst v63  }
0x3a: {  	s2 =	simm.s32 $0x2000;
	_ =	swait.ge [sflag:s28], $0x800  }
.LBB2_4:
0x3b: {  	s3 =	sshra.s32 s2, $0x2;
	[sflag:s28] =	ssyncset.done $0x0;
	p0 =	sne.s32 s2, $0x4E000  }
.Ltmp1:
0x3c: {  	s3 =	sadd.s32 s3, s10;
	[sflag:s28] =	ssyncadd.s32 $0xFFFFF800;
	(pc) =	sbr.rel @p0 .LBB2_4-.Ltmp1, $3  }
0x3d: {  	[spmem:s3] =	stream.linear.scatter [tilespmem:s26], [sflag:$0x8], $0x800, $0x38;
	[tilespmem:$0x1CC00] =	vst v63  }
0x3e: {  	s2 =	sadd.s32 $0x2000, s2;
	_ =	sdelay $0x1  }
0x3f: {  	_ =	swait.ge [sflag:s28], $0x800  }
0x40: {  	[sflag:s28] =	ssyncset.done $0x0  }
0x41: {  	[sflag:s28] =	ssyncadd.s32 $0xFFFFF800  }
0x42: {  	[bflag:$0x0] =	sbarrier.arrive $0xFFFF  }
0x43: {  	_ =	swait.ge [sflag:s29], $0x4000  }
0x44: {  	[sflag:s29] =	ssyncset.done $0x0  }
0x45: {  	[sflag:s29] =	ssyncadd.s32 $0xFFFFC000  }
0x46: {  	[spmem:s1] =	stream.indirect.scatter.add.f32 [tilespmem:s23], [sflag:$0x7], $0x80, s22, s22, $0xb8;
	[tilespmem:$0x1CC00] =	vst v63  }
0x47: {  	_ =	swait.ge [sflag:s30], $0x4000  }
0x48: {  	s2 =	rddreg [dreg:$0x3]  }
0x49: {  	p0 =	sle.u32 s4, $0x2;
	[sflag:s30] =	ssyncset.done $0x0;
	p1 =	sle.u32 s2, $0x0  }
0x4a: {  	s3 =	simm.s32 @!p0 $0x3;
	[sflag:s30] =	ssyncadd.s32 $0xFFFFC000;
	s2 =	simm.s32 @!p1 $0x0  }
0x4b: {  	[tilespmem:s2], [sflag:$0x1] =	stream.linear.gather @!p1 [hbm4b:s17+s2], $0x100, $0x38;
	[tilespmem:$0x1CC00] =	vst v63  }
0x4c: {  	_ =	swait.ge @!p0 [sflag:s3], $0x100  }
0x4d: {  	s7 =	simm.s32 @!p0 $0x400;
	[sflag:s3] =	ssyncset.done @!p0 $0x0  }
0x4e: {  	s8 =	simm.s32 @!p0 $0x80;
	s9 =	simm.s32 @!p0 $0x200;
	[sflag:s3] =	ssyncadd.s32 @!p0 $0xFFFFFF00  }
0x4f: {  	[tilespmem:s7], [sflag:$0x5] =	stream.indirect.gather @!p0 [hbm4b:s5+s8], $0x80, s9, s8, $0xb8;
	[tilespmem:$0x1CC00] =	vst v63  }
0x50: {  	_ =	swait.ge [sflag:s31], $0x4000  }
0x51: {  	[sflag:s31] =	ssyncset.done $0x0  }
0x52: {  	s8 =	rddreg [dreg:$0x4];
	[sflag:s31] =	ssyncadd.s32 $0xFFFFC000  }
0x53: {  	[spmem:s1] =	stream.indirect.scatter.add.f32 [tilespmem:s25], [sflag:$0x7], $0x80, s8, s22, $0xb8;
	[tilespmem:$0x1CC00] =	vst v63  }
0x54: {  	_ =	swait.ge [sflag:s30], $0x4000  }
0x55: {  	p2 =	sle.u32 s4, $0x3;
	s9 =	rddreg [dreg:$0x5]  }
0x56: {  	s7 =	simm.s32 @!p2 $0x4;
	[sflag:s30] =	ssyncset.done $0x0;
	p0 =	sle.u32 s9, $0x0  }
0x57: {  	[sflag:s30] =	ssyncadd.s32 $0xFFFFC000;
	s3 =	simm.s32 @!p0 $0x0;
	s9 =	simm.s32 @!p0 $0x100  }
0x58: {  	[tilespmem:s9], [sflag:$0x2] =	stream.linear.gather @!p0 [hbm4b:s14+s3], $0x100, $0x38;
	[tilespmem:$0x1CC00] =	vst v63  }
0x59: {  	_ =	swait.ge @!p2 [sflag:s7], $0x100  }
0x5a: {  	s11 =	simm.s32 @!p2 $0x300;
	[sflag:s7] =	ssyncset.done @!p2 $0x0  }
0x5b: {  	s8 =	simm.s32 @!p2 $0x80;
	s3 =	simm.s32 @!p2 $0x4400;
	[sflag:s7] =	ssyncadd.s32 @!p2 $0xFFFFFF00  }
0x5c: {  	[tilespmem:s3], [sflag:$0x6] =	stream.indirect.gather @!p2 [hbm4b:s5+s8], $0x80, s11, s8, $0xb8;
	[tilespmem:$0x1CC00] =	vst v63  }
0x5d: {  	_ =	swait.ge [sflag:s29], $0x4000  }
0x5e: {  	[sflag:s29] =	ssyncset.done $0x0  }
0x5f: {  	s11 =	rddreg [dreg:$0x6];
	[sflag:s29] =	ssyncadd.s32 $0xFFFFC000  }
0x60: {  	[spmem:s1] =	stream.indirect.scatter.add.f32 [tilespmem:s23], [sflag:$0x7], $0x80, s11, s22, $0xb8;
	[tilespmem:$0x1CC00] =	vst v63  }
0x61: {  	_ =	swait.ge [sflag:s30], $0x4000  }
0x62: {  	s12 =	rddreg [dreg:$0x7]  }
0x63: {  	s8 =	simm.s32 @!p1 $0x1;
	[sflag:s30] =	ssyncset.done $0x0;
	p2 =	sle.u32 s12, $0x0  }
0x64: {  	[sflag:s30] =	ssyncadd.s32 $0xFFFFC000;
	s3 =	simm.s32 @!p2 $0x0;
	s7 =	simm.s32 @!p2 $0x200  }
0x65: {  	[tilespmem:s7], [sflag:$0x3] =	stream.linear.gather @!p2 [hbm4b:s16+s3], $0x100, $0x38;
	[tilespmem:$0x1CC00] =	vst v63  }
0x66: {  	_ =	swait.ge @!p1 [sflag:s8], $0x100  }
0x67: {  	[sflag:s8] =	ssyncset.done @!p1 $0x0  }
0x68: {  	s3 =	simm.s32 @!p1 $0x80;
	s7 =	simm.s32 @!p1 $0x400;
	[sflag:s8] =	ssyncadd.s32 @!p1 $0xFFFFFF00  }
0x69: {  	[tilespmem:s7], [sflag:$0x5] =	stream.indirect.gather @!p1 [hbm4b:s5+s3], $0x80, s2, s3, $0xb8;
	[tilespmem:$0x1CC00] =	vst v63  }
0x6a: {  	_ =	swait.ge [sflag:s31], $0x4000  }
0x6b: {  	[sflag:s31] =	ssyncset.done $0x0  }
0x6c: {  	s13 =	rddreg [dreg:$0x8];
	[sflag:s31] =	ssyncadd.s32 $0xFFFFC000  }
0x6d: {  	[spmem:s1] =	stream.indirect.scatter.add.f32 [tilespmem:s25], [sflag:$0x7], $0x80, s13, s22, $0xb8;
	[tilespmem:$0x1CC00] =	vst v63  }
0x6e: {  	_ =	swait.ge [sflag:s30], $0x4000  }
0x6f: {  	s20 =	sadd.s32 $0x80, s17;
	s6 =	rddreg [dreg:$0xe]  }
0x70: {  	s11 =	simm.s32 @!p0 $0x2;
	s12 =	simm.s32 @!p0 $0x80;
	s19 =	sadd.s32 $0xFFFFFFFF, s6  }
0x71: {  	s2 =	simm.s32 $0x0;
	s18 =	rddreg [dreg:$0x9];
	p1 =	sne.s32 s19, $0x0  }
.Ltmp2:
0x72: {  	[sflag:s30] =	ssyncset.done $0x0;
	p2 =	sle.u32 s18, $0x0;
	(pc) =	sbr.rel @!p1 .LBB2_7-.Ltmp2, $4  }
0x73: {  	[sflag:s30] =	ssyncadd.s32 $0xFFFFC000;
	s7 =	simm.s32 @!p2 $0x0;
	s8 =	simm.s32 @!p2 $0x300  }
0x74: {  	[tilespmem:s8], [sflag:$0x4] =	stream.linear.gather @!p2 [hbm4b:s15+s7], $0x100, $0x38;
	[tilespmem:$0x1CC00] =	vst v63  }
0x75: {  	s3 =	sadd.s32 $0x80, s16;
	s13 =	simm.s32 @!p0 $0x4400;
	_ =	swait.ge @!p0 [sflag:s11], $0x100  }
0x76: {  	s7 =	sadd.s32 $0x80, s14;
	s8 =	sadd.s32 $0x80, s15;
	[sflag:s11] =	ssyncset.done @!p0 $0x0  }
.LBB2_6:
0x77: {  	[sflag:s11] =	ssyncadd.s32 @!p0 $0xFFFFFF00  }
0x78: {  	[tilespmem:s13], [sflag:$0x6] =	stream.indirect.gather @!p0 [hbm4b:s5+s12], $0x80, s9, s12, $0xb8;
	[tilespmem:$0x1CC00] =	vst v63  }
0x79: {  	_ =	swait.ge [sflag:s29], $0x4000  }
0x7a: {  	[sflag:s29] =	ssyncset.done $0x0  }
0x7b: {  	[sflag:s29] =	ssyncadd.s32 $0xFFFFC000  }
0x7c: {  	[spmem:s1] =	stream.indirect.scatter.add.f32 [tilespmem:s23], [sflag:$0x7], $0x80, s22, s22, $0xb8;
	[tilespmem:$0x1CC00] =	vst v63  }
0x7d: {  	s2 =	sadd.s32 $0x4, s2;
	_ =	swait.ge [sflag:s30], $0x4000  }
0x7e: {  	s18 =	sadd.s32 $0x2, s2;
	s13 =	rddreg [dreg:$0x3]  }
0x7f: {  	p0 =	sge.u32 s18, s4;
	[sflag:s30] =	ssyncset.done $0x0;
	p2 =	sge.u32 s2, s13  }
0x80: {  	s9 =	simm.s32 @!p0 $0x3;
	[sflag:s30] =	ssyncadd.s32 $0xFFFFC000;
	s11 =	simm.s32 @!p2 $0x0  }
0x81: {  	[tilespmem:s11], [sflag:$0x1] =	stream.linear.gather @!p2 [hbm4b:s20+s11], $0x100, $0x38;
	[tilespmem:$0x1CC00] =	vst v63  }
0x82: {  	_ =	swait.ge @!p0 [sflag:s9], $0x100  }
0x83: {  	s12 =	simm.s32 @!p0 $0x400;
	[sflag:s9] =	ssyncset.done @!p0 $0x0  }
0x84: {  	s18 =	simm.s32 @!p0 $0x200;
	s13 =	simm.s32 @!p0 $0x80;
	[sflag:s9] =	ssyncadd.s32 @!p0 $0xFFFFFF00  }
0x85: {  	[tilespmem:s12], [sflag:$0x5] =	stream.indirect.gather @!p0 [hbm4b:s5+s13], $0x80, s18, s13, $0xb8;
	[tilespmem:$0x1CC00] =	vst v63  }
0x86: {  	_ =	swait.ge [sflag:s31], $0x4000  }
0x87: {  	[sflag:s31] =	ssyncset.done $0x0  }
0x88: {  	s6 =	rddreg [dreg:$0x4];
	[sflag:s31] =	ssyncadd.s32 $0xFFFFC000  }
0x89: {  	[spmem:s1] =	stream.indirect.scatter.add.f32 [tilespmem:s25], [sflag:$0x7], $0x80, s6, s22, $0xb8;
	[tilespmem:$0x1CC00] =	vst v63  }
0x8a: {  	s13 =	sadd.s32 $0x3, s2;
	_ =	swait.ge [sflag:s30], $0x4000  }
0x8b: {  	p3 =	sge.u32 s13, s4;
	s12 =	rddreg [dreg:$0x5]  }
0x8c: {  	s13 =	simm.s32 @!p3 $0x4;
	[sflag:s30] =	ssyncset.done $0x0;
	p0 =	sge.u32 s2, s12  }
0x8d: {  	[sflag:s30] =	ssyncadd.s32 $0xFFFFC000;
	s12 =	simm.s32 @!p0 $0x0;
	s9 =	simm.s32 @!p0 $0x100  }
0x8e: {  	[tilespmem:s9], [sflag:$0x2] =	stream.linear.gather @!p0 [hbm4b:s7+s12], $0x100, $0x38;
	[tilespmem:$0x1CC00] =	vst v63  }
0x8f: {  	_ =	swait.ge @!p3 [sflag:s13], $0x100  }
0x90: {  	s18 =	simm.s32 @!p3 $0x80;
	[sflag:s13] =	ssyncset.done @!p3 $0x0  }
0x91: {  	s6 =	simm.s32 @!p3 $0x300;
	s12 =	simm.s32 @!p3 $0x4400;
	[sflag:s13] =	ssyncadd.s32 @!p3 $0xFFFFFF00  }
0x92: {  	[tilespmem:s12], [sflag:$0x6] =	stream.indirect.gather @!p3 [hbm4b:s5+s18], $0x80, s6, s18, $0xb8;
	[tilespmem:$0x1CC00] =	vst v63  }
0x93: {  	_ =	swait.ge [sflag:s29], $0x4000  }
0x94: {  	[sflag:s29] =	ssyncset.done $0x0  }
0x95: {  	s18 =	rddreg [dreg:$0x6];
	[sflag:s29] =	ssyncadd.s32 $0xFFFFC000  }
0x96: {  	[spmem:s1] =	stream.indirect.scatter.add.f32 [tilespmem:s23], [sflag:$0x7], $0x80, s18, s22, $0xb8;
	[tilespmem:$0x1CC00] =	vst v63  }
0x97: {  	_ =	swait.ge [sflag:s30], $0x4000  }
0x98: {  	s12 =	rddreg [dreg:$0x7]  }
0x99: {  	s13 =	simm.s32 @!p2 $0x1;
	[sflag:s30] =	ssyncset.done $0x0;
	p3 =	sge.u32 s2, s12  }
0x9a: {  	[sflag:s30] =	ssyncadd.s32 $0xFFFFC000;
	s6 =	simm.s32 @!p3 $0x0;
	s12 =	simm.s32 @!p3 $0x200  }
0x9b: {  	[tilespmem:s12], [sflag:$0x3] =	stream.linear.gather @!p3 [hbm4b:s3+s6], $0x100, $0x38;
	[tilespmem:$0x1CC00] =	vst v63  }
0x9c: {  	_ =	swait.ge @!p2 [sflag:s13], $0x100  }
0x9d: {  	[sflag:s13] =	ssyncset.done @!p2 $0x0  }
0x9e: {  	s6 =	simm.s32 @!p2 $0x80;
	s12 =	simm.s32 @!p2 $0x400;
	[sflag:s13] =	ssyncadd.s32 @!p2 $0xFFFFFF00  }
0x9f: {  	[tilespmem:s12], [sflag:$0x5] =	stream.indirect.gather @!p2 [hbm4b:s5+s6], $0x80, s11, s6, $0xb8;
	[tilespmem:$0x1CC00] =	vst v63  }
0xa0: {  	_ =	swait.ge [sflag:s31], $0x4000  }
0xa1: {  	[sflag:s31] =	ssyncset.done $0x0  }
0xa2: {  	s19 =	sadd.s32 $0xFFFFFFFF, s19;
	s13 =	rddreg [dreg:$0x8];
	[sflag:s31] =	ssyncadd.s32 $0xFFFFC000  }
0xa3: {  	[spmem:s1] =	stream.indirect.scatter.add.f32 [tilespmem:s25], [sflag:$0x7], $0x80, s13, s22, $0xb8;
	[tilespmem:$0x1CC00] =	vst v63  }
0xa4: {  	p1 =	sne.s32 s19, $0x0;
	s20 =	sadd.s32 $0x80, s20;
	_ =	swait.ge [sflag:s30], $0x4000  }
0xa5: {  	s7 =	sadd.s32 $0x80, s7;
	s11 =	simm.s32 @!p0 $0x2;
	s18 =	rddreg [dreg:$0x9]  }
.Ltmp3:
0xa6: {  	[sflag:s30] =	ssyncset.done $0x0;
	p2 =	sge.u32 s2, s18;
	(pc) =	sbr.rel @p1 .LBB2_6-.Ltmp3, $4  }
0xa7: {  	[sflag:s30] =	ssyncadd.s32 $0xFFFFC000;
	s6 =	simm.s32 @!p2 $0x0;
	s12 =	simm.s32 @!p2 $0x300  }
0xa8: {  	[tilespmem:s12], [sflag:$0x4] =	stream.linear.gather @!p2 [hbm4b:s8+s6], $0x100, $0x38;
	[tilespmem:$0x1CC00] =	vst v63  }
0xa9: {  	s3 =	sadd.s32 $0x80, s3;
	s13 =	simm.s32 @!p0 $0x4400;
	_ =	swait.ge @!p0 [sflag:s11], $0x100  }
0xaa: {  	s8 =	sadd.s32 $0x80, s8;
	s12 =	simm.s32 @!p0 $0x80;
	[sflag:s11] =	ssyncset.done @!p0 $0x0  }
.LBB2_7:
0xab: {  	[sflag:s11] =	ssyncadd.s32 @!p0 $0xFFFFFF00;
	s2 =	stileid.u32  }
0xac: {  	[tilespmem:s13], [sflag:$0x6] =	stream.indirect.gather @!p0 [hbm4b:s5+s12], $0x80, s9, s12, $0xb8;
	[tilespmem:$0x1CC00] =	vst v63  }
0xad: {  	s2 =	sshll.u32 s2, $0x6;
	[bflag:$0x0] =	sbarrier.arrive $0xFFFF  }
0xae: {  	s3 =	sshrl.u32 s10, $0x3;
	s2 =	sor.u32 $0x1C08, s2;
	s6 =	rddreg [dreg:$0xf]  }
0xaf: {  	[hbm:s6], [sflag:s2] =	dma.local [spmem:s3], $0x2800  }
0xb0: {  	_ =	swait.ge [sflag:s28], $0x2800  }
0xb1: {  	s0 =	sadd.s32 $0x1, s0;
	s20 =	rddreg [dreg:$0x10]  }
0xb2: {  	p0 =	sne.s32 s0, s20  }
.Ltmp4:
0xb3: {  	_ = 	snop;
	(pc) =	sbr.rel @p0 .LBB2_1-.Ltmp4, $3  }
0xb4: {  	_ =	sdelay $0x1  }
0xb5: {  	[sflag:s28] =	ssyncset.done $0x0  }
0xb6: {  	[sflag:s28] =	ssyncadd.s32 $0xFFFFD800  }
0xb7: {  	_ =	sfence.sel $0x180000  }
0xb8: {  	[bflag:$0x0] =	sbarrier.arrive $0xFFFF  }
0xb9: {  	_ =	strace $0x9000004A  }
0xba: {  	s0 =	stileid.u32;
	[bflag:$0x2] =	sbarrier.arrive $0xFFFF  }
0xbb: {  	p0 =	sne.s32 s0, $0x0;
	s0 =	rddreg [dreg:$0x2]  }
0xbc: {  	s0 =	sadd.s32 @!p0 $0x100000, s0  }
0xbd: {  	[sflag:s0] =	ssyncadd.tile.s32 @!p0 $0x1;
	_ =	shalt  }
.Lfunc_end2:
_tile_overlayer_lowered:
.L_overlay_start_2:
0xbe: {  	(tag) =	ssettag $0x2  }
0xbf: {  	s0 =	rddreg [dreg:$0x0];
	s2 =	stileid.u32  }
0xc0: {  	s1 =	rddreg [dreg:$0x1];
	p0 =	sne.s32 s2, $0x0  }
0xc1: {  	s3 =	rddreg [dreg:$0x2];
	[bflag:$0x3] =	sbarrier.arrive $0xFFFF;
	s2 =	simm.s32 @!p0 $0x1C08  }
0xc2: {  	[timem:s3], [sflag:s2] =	dma.local @!p0 [hbm:s0], s1  }
0xc3: {  	s0 =	simm.s32 @!p0 $0x8  }
0xc4: {  	_ =	swait.ge @!p0 [sflag:s0], s1  }
0xc5: {  	s1 =	ssub.s32 @!p0 $0x0, s1;
	[sflag:s0] =	ssyncset.done @!p0 $0x0  }
0xc6: {  	[sflag:s0] =	ssyncadd.s32 @!p0 s1  }
0xc7: {  	[bflag:$0x3] =	sbarrier.arrive $0xFFFF  }
0xc8: {  	_ =	shalt  }

</sc_bundles>
